<compile_context>
chip_gen: v7x
topology: tpu7x:2x2x1
jax: 0.10.2.dev20260603
libtpu: 0.0.44.dev20260713+nightly
codegen_flags: <defaults>
</compile_context>

<pallas_src>
import math

import numpy as np
import jax
import jax.numpy as jnp
from jax import lax
from jax.experimental import pallas as pl
from jax.experimental.pallas import tpu as pltpu
from jax.experimental.pallas import tpu_sc as plsc

VOCAB = 1000000
EMB = 64
MAX_LEN = 512
BATCH = 4096
SEQ = 200
SCALE = math.sqrt(EMB)

NC = 2
NS = 16
L = 16
NW = NC * NS
ROWS = BATCH * SEQ
RPW = ROWS // NW
CG = 128
NCH = RPW // CG
NB = 3
AH = 2
NO = 2


def _pos_embedding_np():
    rng = np.exp(-np.arange(0, EMB, 2, dtype=np.float64) * math.log(10000) / EMB)
    pos = np.arange(0, MAX_LEN, dtype=np.float64).reshape(MAX_LEN, 1)
    pe = np.zeros((MAX_LEN, EMB), dtype=np.float32)
    pe[:, 0::2] = np.sin(pos * rng).astype(np.float32)
    pe[:, 1::2] = np.cos(pos * rng).astype(np.float32)
    return pe[:SEQ]


_PE = _pos_embedding_np()

_DNUMS = lax.GatherDimensionNumbers(
    offset_dims=(), collapsed_slice_dims=(0,), start_index_map=(0,))
_PIB = lax.GatherScatterMode.PROMISE_IN_BOUNDS


def _bcast_lane(vec, k):
    idx = (jnp.full((L,), 0, jnp.int32) + k).reshape(L, 1)
    return lax.gather(vec, idx, _DNUMS, (1,), mode=_PIB)


def _sc_body(tokens_hbm, pe_hbm, wtab, out_hbm, pe_v, tok_v, widx, row_v,
             obuf, gsem, ssem):
    wid = lax.axis_index("s") * NC + lax.axis_index("c")
    r0 = pl.multiple_of(wid * RPW, 1024)

    pltpu.sync_copy(pe_hbm, pe_v)
    pltpu.sync_copy(tokens_hbm.at[pl.ds(r0, RPW)], tok_v)

    def start_gather(c, s):
        for k in range(CG // L):
            t = tok_v[pl.ds(CG * c + 16 * k, L)]
            widx[s, pl.ds(16 * k, L)] = lax.shift_right_logical(t, 1)
        pltpu.async_copy(wtab.at[widx.at[s]], row_v.at[s], gsem.at[s])

    def wait_gather(c, s):
        pltpu.make_async_copy(wtab.at[widx.at[s]], row_v.at[s],
                              gsem.at[s]).wait()

    def out_dst(c):
        return out_hbm.at[pl.ds(r0 + CG * c, CG)]

    def start_store(c, ob):
        pltpu.async_copy(obuf.at[ob], out_dst(c), ssem.at[ob])

    def wait_store(c, ob):
        pltpu.make_async_copy(obuf.at[ob], out_dst(c), ssem.at[ob]).wait()

    for pp in range(AH):
        start_gather(pp, pp)

    def c_body(c, carry):
        s = lax.rem(c, NB)
        s2 = lax.rem(c + AH, NB)
        ob = lax.rem(c, NO)

        @pl.when(c + AH < NCH)
        def _():
            start_gather(c + AH, s2)

        wait_gather(c, s)

        @pl.when(c >= NO)
        def _():
            wait_store(c - NO, ob)

        p0 = lax.rem(r0 + CG * c, SEQ)

        def grp_body(gk, p):
            sel16 = lax.bitwise_and(tok_v[pl.ds(CG * c + 16 * gk, L)],
                                    jnp.int32(1))
            for k in range(L):
                r = 16 * gk + k
                m = _bcast_lane(sel16, k) == 1
                for qq in range(EMB // L):
                    lo = row_v[s, r, pl.ds(qq * L, L)]
                    hi = row_v[s, r, pl.ds(EMB + qq * L, L)]
                    obuf[ob, r, pl.ds(qq * L, L)] = (
                        jnp.where(m, hi, lo) * SCALE
                        + pe_v[pl.ds(p * EMB + qq * L, L)])
                p = p + 1
                p = lax.select(p >= SEQ, p - SEQ, p)
            return p

        lax.fori_loop(0, CG // L, grp_body, p0)
        start_store(c, ob)
        return carry

    lax.fori_loop(0, NCH, c_body, 0)

    for k in range(NO):
        c = NCH - NO + k
        wait_store(c, lax.rem(jnp.int32(c), NO))


def kernel(tokens, embedding_weight):
    tokens_flat = tokens.astype(jnp.int32).reshape(ROWS)
    wtab = embedding_weight.reshape(VOCAB // 2, 2 * EMB)
    pe = jnp.asarray(_PE).reshape(-1)
    mesh = plsc.VectorSubcoreMesh(
        core_axis_name="c", subcore_axis_name="s", num_cores=NC,
        num_subcores=NS)
    k = pl.kernel(
        _sc_body,
        out_type=jax.ShapeDtypeStruct((ROWS, EMB), jnp.float32),
        mesh=mesh,
        scratch_types=[
            pltpu.VMEM((SEQ * EMB,), jnp.float32),
            pltpu.VMEM((RPW,), jnp.int32),
            pltpu.VMEM((NB, CG), jnp.int32),
            pltpu.VMEM((NB, CG, 2 * EMB), jnp.float32),
            pltpu.VMEM((NO, CG, EMB), jnp.float32),
            pltpu.SemaphoreType.DMA((NB,)),
            pltpu.SemaphoreType.DMA((NO,)),
        ],
        compiler_params=pltpu.CompilerParams(needs_layout_passes=False),
    )
    out = k(tokens_flat, pe, wtab)
    return out.reshape(BATCH, SEQ, EMB)

# --- scband reference (transcript-rebuilt; emitter-appended) ---
"""Pipeline reference for scband-positional-embedding-18098992185412 (READ-ONLY COPY).

The authoritative reference and input builder live on the scoring server;
editing this copy changes nothing except your own understanding.
"""

import jax, jax.numpy as jnp
import numpy as np
import math

VOCAB = 1000000
EMB = 64
MAX_LEN = 512
BATCH = 4096
SEQ = 200


def _pos_embedding():
    rng = np.exp(-np.arange(0, EMB, 2, dtype=np.float64) * math.log(10000) / EMB)
    pos = np.arange(0, MAX_LEN, dtype=np.float64).reshape(MAX_LEN, 1)
    pe = np.zeros((MAX_LEN, EMB), dtype=np.float32)
    pe[:, 0::2] = np.sin(pos * rng).astype(np.float32)
    pe[:, 1::2] = np.cos(pos * rng).astype(np.float32)
    return jnp.asarray(pe)[None]  # [1, MAX_LEN, EMB]


def setup_inputs(seed: int = 0) -> dict:
    key = jax.random.key(seed)
    k1, k2 = jax.random.split(key)
    tokens = jax.random.randint(k1, (BATCH, SEQ), 0, VOCAB)
    embedding_weight = jax.random.normal(k2, (VOCAB, EMB), dtype=jnp.float32) * 0.02
    return {"tokens": tokens, "embedding_weight": embedding_weight}


def reference(tokens, embedding_weight):
    # token embedding lookup scaled by sqrt(emb_size)
    token_emb = jnp.take(embedding_weight, tokens, axis=0) * math.sqrt(EMB)
    # add fixed sinusoidal positional embedding (buffer, not learned)
    pos_emb = _pos_embedding()[:, :token_emb.shape[1]]
    # dropout_prob = 0.0 -> identity
    return token_emb + pos_emb

if __name__ == "__main__":
    import jax
    _d = setup_inputs()
    print(jax.jit(kernel)(*tuple(_d.values())))

</pallas_src>

<mosaic_0001>
#map = affine_map<(d0, d1) -> (0)>
#map1 = affine_map<(d0, d1) -> (0, 0)>
module attributes {stable_mosaic.version = 14 : i64} {
  func.func @_sc_body(%arg0: i32, %arg1: i32, %arg2: memref<819200xi32, #tpu.memory_space<hbm>>, %arg3: memref<12800xf32, #tpu.memory_space<hbm>>, %arg4: memref<500000x128xf32, #tpu.memory_space<hbm>>, %arg5: memref<819200x64xf32, #tpu.memory_space<hbm>>, %arg6: memref<12800xf32, #tpu.memory_space<vmem>>, %arg7: memref<25600xi32, #tpu.memory_space<vmem>>, %arg8: memref<3x128xi32, #tpu.memory_space<vmem>>, %arg9: memref<3x128x128xf32, #tpu.memory_space<vmem>>, %arg10: memref<2x128x64xf32, #tpu.memory_space<vmem>>, %arg11: memref<3x!tpu.dma_semaphore, #tpu.memory_space<semaphore_mem>>, %arg12: memref<2x!tpu.dma_semaphore, #tpu.memory_space<semaphore_mem>>) attributes {dimension_semantics = [#tpu.dimension_semantics<core_parallel>, #tpu.dimension_semantics<subcore_parallel>], iteration_bounds = array<i64: 2, 16>, scalar_prefetch = 0 : i64, scratch_operands = 7 : i64, tpu.core_type = #tpu.core_type<sc_vector_subcore>, window_params = [{transform_indices = #map}, {transform_indices = #map}, {transform_indices = #map1}, {transform_indices = #map1}]} {
    %mul3A = arith.constant 2 : i32
    %mul3A_0 = arith.muli %arg1, %mul3A : i32
    %add3A = arith.addi %mul3A_0, %arg0 : i32
    %mul3A_1 = arith.constant 25600 : i32
    %mul3A_2 = arith.muli %add3A, %mul3A_1 : i32
    %multiple_of3A = tpu.assume_multiple %mul3A_2, 1024 : i32
    "tpu.region"() ({
      %run_scoped3A = tpu.sem_alloc : memref<!tpu.dma_semaphore, #tpu.memory_space<semaphore_mem>>
      tpu.enqueue_dma source(%arg3 : memref<12800xf32, #tpu.memory_space<hbm>>) target(%arg6 : memref<12800xf32, #tpu.memory_space<vmem>>) target_semaphore(%run_scoped3A : memref<!tpu.dma_semaphore, #tpu.memory_space<semaphore_mem>>)
      tpu.wait_dma2 semaphore(%run_scoped3A : memref<!tpu.dma_semaphore, #tpu.memory_space<semaphore_mem>>) src(%arg3 : memref<12800xf32, #tpu.memory_space<hbm>>) dst(%arg6 : memref<12800xf32, #tpu.memory_space<vmem>>)
      tpu.yield
    }) : () -> ()
    "tpu.region"() ({
      %run_scoped3A = tpu.sem_alloc : memref<!tpu.dma_semaphore, #tpu.memory_space<semaphore_mem>>
      %dma_start3A_214 = tpu.memref_slice %arg2[%multiple_of3A] : memref<819200xi32, #tpu.memory_space<hbm>> -> memref<25600xi32, #tpu.memory_space<hbm>>
      %dma_start3A_215 = tpu.memref_slice %arg2[%multiple_of3A] : memref<819200xi32, #tpu.memory_space<hbm>> -> memref<25600xi32, #tpu.memory_space<hbm>>
      tpu.enqueue_dma source(%dma_start3A_215 : memref<25600xi32, #tpu.memory_space<hbm>>) target(%arg7 : memref<25600xi32, #tpu.memory_space<vmem>>) target_semaphore(%run_scoped3A : memref<!tpu.dma_semaphore, #tpu.memory_space<semaphore_mem>>)
      %dma_wait3A_216 = tpu.memref_slice %arg2[%multiple_of3A] : memref<819200xi32, #tpu.memory_space<hbm>> -> memref<25600xi32, #tpu.memory_space<hbm>>
      %dma_wait3A_217 = tpu.memref_slice %arg2[%multiple_of3A] : memref<819200xi32, #tpu.memory_space<hbm>> -> memref<25600xi32, #tpu.memory_space<hbm>>
      tpu.wait_dma2 semaphore(%run_scoped3A : memref<!tpu.dma_semaphore, #tpu.memory_space<semaphore_mem>>) src(%dma_wait3A_217 : memref<25600xi32, #tpu.memory_space<hbm>>) dst(%arg7 : memref<25600xi32, #tpu.memory_space<vmem>>)
      tpu.yield
    }) : () -> ()
    %get3A = arith.constant 0 : index
    %get3A_3 = tpu.vector_load %arg7[%get3A] {strides = array<i32>} : memref<25600xi32, #tpu.memory_space<vmem>>, vector<16xi32>,
    %shift_right_logical3A = arith.constant 1 : i32
    %shift_right_logical3A_4 = vector.broadcast %shift_right_logical3A : i32 to vector<16xi32>
    %shift_right_logical3A_5 = arith.shrui %get3A_3, %shift_right_logical3A_4 : vector<16xi32>
    %swap3A = arith.constant 0 : i32
    %swap3A_6 = arith.index_cast %swap3A : i32 to index
    %swap3A_7 = arith.constant 0 : index
    %swap3A_8 = tpu.vector_load %arg8[%swap3A_6, %swap3A_7] {strides = array<i32>} : memref<3x128xi32, #tpu.memory_space<vmem>>, vector<16xi32>,
    tpu.vector_store %arg8[%swap3A_6, %swap3A_7], %shift_right_logical3A_5 {strides = array<i32>} : memref<3x128xi32, #tpu.memory_space<vmem>>, vector<16xi32>,
    %get3A_9 = arith.constant 16 : index
    %get3A_10 = tpu.vector_load %arg7[%get3A_9] {strides = array<i32>} : memref<25600xi32, #tpu.memory_space<vmem>>, vector<16xi32>,
    %shift_right_logical3A_11 = arith.constant 1 : i32
    %shift_right_logical3A_12 = vector.broadcast %shift_right_logical3A_11 : i32 to vector<16xi32>
    %shift_right_logical3A_13 = arith.shrui %get3A_10, %shift_right_logical3A_12 : vector<16xi32>
    %swap3A_14 = arith.constant 0 : i32
    %swap3A_15 = arith.index_cast %swap3A_14 : i32 to index
    %swap3A_16 = arith.constant 16 : index
    %swap3A_17 = tpu.vector_load %arg8[%swap3A_15, %swap3A_16] {strides = array<i32>} : memref<3x128xi32, #tpu.memory_space<vmem>>, vector<16xi32>,
    tpu.vector_store %arg8[%swap3A_15, %swap3A_16], %shift_right_logical3A_13 {strides = array<i32>} : memref<3x128xi32, #tpu.memory_space<vmem>>, vector<16xi32>,
    %get3A_18 = arith.constant 32 : index
    %get3A_19 = tpu.vector_load %arg7[%get3A_18] {strides = array<i32>} : memref<25600xi32, #tpu.memory_space<vmem>>, vector<16xi32>,
    %shift_right_logical3A_20 = arith.constant 1 : i32
    %shift_right_logical3A_21 = vector.broadcast %shift_right_logical3A_20 : i32 to vector<16xi32>
    %shift_right_logical3A_22 = arith.shrui %get3A_19, %shift_right_logical3A_21 : vector<16xi32>
    %swap3A_23 = arith.constant 0 : i32
    %swap3A_24 = arith.index_cast %swap3A_23 : i32 to index
    %swap3A_25 = arith.constant 32 : index
    %swap3A_26 = tpu.vector_load %arg8[%swap3A_24, %swap3A_25] {strides = array<i32>} : memref<3x128xi32, #tpu.memory_space<vmem>>, vector<16xi32>,
    tpu.vector_store %arg8[%swap3A_24, %swap3A_25], %shift_right_logical3A_22 {strides = array<i32>} : memref<3x128xi32, #tpu.memory_space<vmem>>, vector<16xi32>,
    %get3A_27 = arith.constant 48 : index
    %get3A_28 = tpu.vector_load %arg7[%get3A_27] {strides = array<i32>} : memref<25600xi32, #tpu.memory_space<vmem>>, vector<16xi32>,
    %shift_right_logical3A_29 = arith.constant 1 : i32
    %shift_right_logical3A_30 = vector.broadcast %shift_right_logical3A_29 : i32 to vector<16xi32>
    %shift_right_logical3A_31 = arith.shrui %get3A_28, %shift_right_logical3A_30 : vector<16xi32>
    %swap3A_32 = arith.constant 0 : i32
    %swap3A_33 = arith.index_cast %swap3A_32 : i32 to index
    %swap3A_34 = arith.constant 48 : index
    %swap3A_35 = tpu.vector_load %arg8[%swap3A_33, %swap3A_34] {strides = array<i32>} : memref<3x128xi32, #tpu.memory_space<vmem>>, vector<16xi32>,
    tpu.vector_store %arg8[%swap3A_33, %swap3A_34], %shift_right_logical3A_31 {strides = array<i32>} : memref<3x128xi32, #tpu.memory_space<vmem>>, vector<16xi32>,
    %get3A_36 = arith.constant 64 : index
    %get3A_37 = tpu.vector_load %arg7[%get3A_36] {strides = array<i32>} : memref<25600xi32, #tpu.memory_space<vmem>>, vector<16xi32>,
    %shift_right_logical3A_38 = arith.constant 1 : i32
    %shift_right_logical3A_39 = vector.broadcast %shift_right_logical3A_38 : i32 to vector<16xi32>
    %shift_right_logical3A_40 = arith.shrui %get3A_37, %shift_right_logical3A_39 : vector<16xi32>
    %swap3A_41 = arith.constant 0 : i32
    %swap3A_42 = arith.index_cast %swap3A_41 : i32 to index
    %swap3A_43 = arith.constant 64 : index
    %swap3A_44 = tpu.vector_load %arg8[%swap3A_42, %swap3A_43] {strides = array<i32>} : memref<3x128xi32, #tpu.memory_space<vmem>>, vector<16xi32>,
    tpu.vector_store %arg8[%swap3A_42, %swap3A_43], %shift_right_logical3A_40 {strides = array<i32>} : memref<3x128xi32, #tpu.memory_space<vmem>>, vector<16xi32>,
    %get3A_45 = arith.constant 80 : index
    %get3A_46 = tpu.vector_load %arg7[%get3A_45] {strides = array<i32>} : memref<25600xi32, #tpu.memory_space<vmem>>, vector<16xi32>,
    %shift_right_logical3A_47 = arith.constant 1 : i32
    %shift_right_logical3A_48 = vector.broadcast %shift_right_logical3A_47 : i32 to vector<16xi32>
    %shift_right_logical3A_49 = arith.shrui %get3A_46, %shift_right_logical3A_48 : vector<16xi32>
    %swap3A_50 = arith.constant 0 : i32
    %swap3A_51 = arith.index_cast %swap3A_50 : i32 to index
    %swap3A_52 = arith.constant 80 : index
    %swap3A_53 = tpu.vector_load %arg8[%swap3A_51, %swap3A_52] {strides = array<i32>} : memref<3x128xi32, #tpu.memory_space<vmem>>, vector<16xi32>,
    tpu.vector_store %arg8[%swap3A_51, %swap3A_52], %shift_right_logical3A_49 {strides = array<i32>} : memref<3x128xi32, #tpu.memory_space<vmem>>, vector<16xi32>,
    %get3A_54 = arith.constant 96 : index
    %get3A_55 = tpu.vector_load %arg7[%get3A_54] {strides = array<i32>} : memref<25600xi32, #tpu.memory_space<vmem>>, vector<16xi32>,
    %shift_right_logical3A_56 = arith.constant 1 : i32
    %shift_right_logical3A_57 = vector.broadcast %shift_right_logical3A_56 : i32 to vector<16xi32>
    %shift_right_logical3A_58 = arith.shrui %get3A_55, %shift_right_logical3A_57 : vector<16xi32>
    %swap3A_59 = arith.constant 0 : i32
    %swap3A_60 = arith.index_cast %swap3A_59 : i32 to index
    %swap3A_61 = arith.constant 96 : index
    %swap3A_62 = tpu.vector_load %arg8[%swap3A_60, %swap3A_61] {strides = array<i32>} : memref<3x128xi32, #tpu.memory_space<vmem>>, vector<16xi32>,
    tpu.vector_store %arg8[%swap3A_60, %swap3A_61], %shift_right_logical3A_58 {strides = array<i32>} : memref<3x128xi32, #tpu.memory_space<vmem>>, vector<16xi32>,
    %get3A_63 = arith.constant 112 : index
    %get3A_64 = tpu.vector_load %arg7[%get3A_63] {strides = array<i32>} : memref<25600xi32, #tpu.memory_space<vmem>>, vector<16xi32>,
    %shift_right_logical3A_65 = arith.constant 1 : i32
    %shift_right_logical3A_66 = vector.broadcast %shift_right_logical3A_65 : i32 to vector<16xi32>
    %shift_right_logical3A_67 = arith.shrui %get3A_64, %shift_right_logical3A_66 : vector<16xi32>
    %swap3A_68 = arith.constant 0 : i32
    %swap3A_69 = arith.index_cast %swap3A_68 : i32 to index
    %swap3A_70 = arith.constant 112 : index
    %swap3A_71 = tpu.vector_load %arg8[%swap3A_69, %swap3A_70] {strides = array<i32>} : memref<3x128xi32, #tpu.memory_space<vmem>>, vector<16xi32>,
    tpu.vector_store %arg8[%swap3A_69, %swap3A_70], %shift_right_logical3A_67 {strides = array<i32>} : memref<3x128xi32, #tpu.memory_space<vmem>>, vector<16xi32>,
    %dma_start3A = arith.constant 0 : i32
    %dma_start3A_72 = arith.constant 0 : i32
    %dma_start3A_73 = arith.constant 0 : i32
    %dma_start3A_74 = arith.constant 0 : i32
    %dma_start3A_75 = arith.constant 0 : i32
    %dma_start3A_76 = tpu.memref_slice %arg9[%dma_start3A_72, %dma_start3A_74, %dma_start3A_75] : memref<3x128x128xf32, #tpu.memory_space<vmem>> -> memref<1x128x128xf32, #tpu.memory_space<vmem>>
    %dma_start3A_77 = tpu.memref_squeeze %dma_start3A_76 : memref<1x128x128xf32, #tpu.memory_space<vmem>> -> memref<128x128xf32, #tpu.memory_space<vmem>>
    %dma_start3A_78 = arith.constant 0 : i32
    %dma_start3A_79 = tpu.memref_slice %arg8[%dma_start3A, %dma_start3A_78] : memref<3x128xi32, #tpu.memory_space<vmem>> -> memref<1x128xi32, #tpu.memory_space<vmem>>
    %dma_start3A_80 = tpu.memref_squeeze %dma_start3A_79 : memref<1x128xi32, #tpu.memory_space<vmem>> -> memref<128xi32, #tpu.memory_space<vmem>>
    %dma_start3A_81 = arith.constant 0 : i32
    %dma_start3A_82 = arith.constant 0 : i32
    %dma_start3A_83 = tpu.memref_slice %arg4[%dma_start3A_81, %dma_start3A_82] : memref<500000x128xf32, #tpu.memory_space<hbm>> -> memref<500000x128xf32, #tpu.memory_space<hbm>>
    %dma_start3A_84 = tpu.memref_slice %arg11[%dma_start3A_73] : memref<3x!tpu.dma_semaphore, #tpu.memory_space<semaphore_mem>> -> memref<1x!tpu.dma_semaphore, #tpu.memory_space<semaphore_mem>>
    %dma_start3A_85 = tpu.memref_squeeze %dma_start3A_84 : memref<1x!tpu.dma_semaphore, #tpu.memory_space<semaphore_mem>> -> memref<!tpu.dma_semaphore, #tpu.memory_space<semaphore_mem>>
    tpu.enqueue_indirect_dma source(%dma_start3A_83 : memref<500000x128xf32, #tpu.memory_space<hbm>>) target(%dma_start3A_77 : memref<128x128xf32, #tpu.memory_space<vmem>>) offsets(%dma_start3A_80 : memref<128xi32, #tpu.memory_space<vmem>>) semaphore(%dma_start3A_85 : memref<!tpu.dma_semaphore, #tpu.memory_space<semaphore_mem>>)
    %get3A_86 = arith.constant 128 : index
    %get3A_87 = tpu.vector_load %arg7[%get3A_86] {strides = array<i32>} : memref<25600xi32, #tpu.memory_space<vmem>>, vector<16xi32>,
    %shift_right_logical3A_88 = arith.constant 1 : i32
    %shift_right_logical3A_89 = vector.broadcast %shift_right_logical3A_88 : i32 to vector<16xi32>
    %shift_right_logical3A_90 = arith.shrui %get3A_87, %shift_right_logical3A_89 : vector<16xi32>
    %swap3A_91 = arith.constant 1 : i32
    %swap3A_92 = arith.index_cast %swap3A_91 : i32 to index
    %swap3A_93 = arith.constant 0 : index
    %swap3A_94 = tpu.vector_load %arg8[%swap3A_92, %swap3A_93] {strides = array<i32>} : memref<3x128xi32, #tpu.memory_space<vmem>>, vector<16xi32>,
    tpu.vector_store %arg8[%swap3A_92, %swap3A_93], %shift_right_logical3A_90 {strides = array<i32>} : memref<3x128xi32, #tpu.memory_space<vmem>>, vector<16xi32>,
    %get3A_95 = arith.constant 144 : index
    %get3A_96 = tpu.vector_load %arg7[%get3A_95] {strides = array<i32>} : memref<25600xi32, #tpu.memory_space<vmem>>, vector<16xi32>,
    %shift_right_logical3A_97 = arith.constant 1 : i32
    %shift_right_logical3A_98 = vector.broadcast %shift_right_logical3A_97 : i32 to vector<16xi32>
    %shift_right_logical3A_99 = arith.shrui %get3A_96, %shift_right_logical3A_98 : vector<16xi32>
    %swap3A_100 = arith.constant 1 : i32
    %swap3A_101 = arith.index_cast %swap3A_100 : i32 to index
    %swap3A_102 = arith.constant 16 : index
    %swap3A_103 = tpu.vector_load %arg8[%swap3A_101, %swap3A_102] {strides = array<i32>} : memref<3x128xi32, #tpu.memory_space<vmem>>, vector<16xi32>,
    tpu.vector_store %arg8[%swap3A_101, %swap3A_102], %shift_right_logical3A_99 {strides = array<i32>} : memref<3x128xi32, #tpu.memory_space<vmem>>, vector<16xi32>,
    %get3A_104 = arith.constant 160 : index
    %get3A_105 = tpu.vector_load %arg7[%get3A_104] {strides = array<i32>} : memref<25600xi32, #tpu.memory_space<vmem>>, vector<16xi32>,
    %shift_right_logical3A_106 = arith.constant 1 : i32
    %shift_right_logical3A_107 = vector.broadcast %shift_right_logical3A_106 : i32 to vector<16xi32>
    %shift_right_logical3A_108 = arith.shrui %get3A_105, %shift_right_logical3A_107 : vector<16xi32>
    %swap3A_109 = arith.constant 1 : i32
    %swap3A_110 = arith.index_cast %swap3A_109 : i32 to index
    %swap3A_111 = arith.constant 32 : index
    %swap3A_112 = tpu.vector_load %arg8[%swap3A_110, %swap3A_111] {strides = array<i32>} : memref<3x128xi32, #tpu.memory_space<vmem>>, vector<16xi32>,
    tpu.vector_store %arg8[%swap3A_110, %swap3A_111], %shift_right_logical3A_108 {strides = array<i32>} : memref<3x128xi32, #tpu.memory_space<vmem>>, vector<16xi32>,
    %get3A_113 = arith.constant 176 : index
    %get3A_114 = tpu.vector_load %arg7[%get3A_113] {strides = array<i32>} : memref<25600xi32, #tpu.memory_space<vmem>>, vector<16xi32>,
    %shift_right_logical3A_115 = arith.constant 1 : i32
    %shift_right_logical3A_116 = vector.broadcast %shift_right_logical3A_115 : i32 to vector<16xi32>
    %shift_right_logical3A_117 = arith.shrui %get3A_114, %shift_right_logical3A_116 : vector<16xi32>
    %swap3A_118 = arith.constant 1 : i32
    %swap3A_119 = arith.index_cast %swap3A_118 : i32 to index
    %swap3A_120 = arith.constant 48 : index
    %swap3A_121 = tpu.vector_load %arg8[%swap3A_119, %swap3A_120] {strides = array<i32>} : memref<3x128xi32, #tpu.memory_space<vmem>>, vector<16xi32>,
    tpu.vector_store %arg8[%swap3A_119, %swap3A_120], %shift_right_logical3A_117 {strides = array<i32>} : memref<3x128xi32, #tpu.memory_space<vmem>>, vector<16xi32>,
    %get3A_122 = arith.constant 192 : index
    %get3A_123 = tpu.vector_load %arg7[%get3A_122] {strides = array<i32>} : memref<25600xi32, #tpu.memory_space<vmem>>, vector<16xi32>,
    %shift_right_logical3A_124 = arith.constant 1 : i32
    %shift_right_logical3A_125 = vector.broadcast %shift_right_logical3A_124 : i32 to vector<16xi32>
    %shift_right_logical3A_126 = arith.shrui %get3A_123, %shift_right_logical3A_125 : vector<16xi32>
    %swap3A_127 = arith.constant 1 : i32
    %swap3A_128 = arith.index_cast %swap3A_127 : i32 to index
    %swap3A_129 = arith.constant 64 : index
    %swap3A_130 = tpu.vector_load %arg8[%swap3A_128, %swap3A_129] {strides = array<i32>} : memref<3x128xi32, #tpu.memory_space<vmem>>, vector<16xi32>,
    tpu.vector_store %arg8[%swap3A_128, %swap3A_129], %shift_right_logical3A_126 {strides = array<i32>} : memref<3x128xi32, #tpu.memory_space<vmem>>, vector<16xi32>,
    %get3A_131 = arith.constant 208 : index
    %get3A_132 = tpu.vector_load %arg7[%get3A_131] {strides = array<i32>} : memref<25600xi32, #tpu.memory_space<vmem>>, vector<16xi32>,
    %shift_right_logical3A_133 = arith.constant 1 : i32
    %shift_right_logical3A_134 = vector.broadcast %shift_right_logical3A_133 : i32 to vector<16xi32>
    %shift_right_logical3A_135 = arith.shrui %get3A_132, %shift_right_logical3A_134 : vector<16xi32>
    %swap3A_136 = arith.constant 1 : i32
    %swap3A_137 = arith.index_cast %swap3A_136 : i32 to index
    %swap3A_138 = arith.constant 80 : index
    %swap3A_139 = tpu.vector_load %arg8[%swap3A_137, %swap3A_138] {strides = array<i32>} : memref<3x128xi32, #tpu.memory_space<vmem>>, vector<16xi32>,
    tpu.vector_store %arg8[%swap3A_137, %swap3A_138], %shift_right_logical3A_135 {strides = array<i32>} : memref<3x128xi32, #tpu.memory_space<vmem>>, vector<16xi32>,
    %get3A_140 = arith.constant 224 : index
    %get3A_141 = tpu.vector_load %arg7[%get3A_140] {strides = array<i32>} : memref<25600xi32, #tpu.memory_space<vmem>>, vector<16xi32>,
    %shift_right_logical3A_142 = arith.constant 1 : i32
    %shift_right_logical3A_143 = vector.broadcast %shift_right_logical3A_142 : i32 to vector<16xi32>
    %shift_right_logical3A_144 = arith.shrui %get3A_141, %shift_right_logical3A_143 : vector<16xi32>
    %swap3A_145 = arith.constant 1 : i32
    %swap3A_146 = arith.index_cast %swap3A_145 : i32 to index
    %swap3A_147 = arith.constant 96 : index
    %swap3A_148 = tpu.vector_load %arg8[%swap3A_146, %swap3A_147] {strides = array<i32>} : memref<3x128xi32, #tpu.memory_space<vmem>>, vector<16xi32>,
    tpu.vector_store %arg8[%swap3A_146, %swap3A_147], %shift_right_logical3A_144 {strides = array<i32>} : memref<3x128xi32, #tpu.memory_space<vmem>>, vector<16xi32>,
    %get3A_149 = arith.constant 240 : index
    %get3A_150 = tpu.vector_load %arg7[%get3A_149] {strides = array<i32>} : memref<25600xi32, #tpu.memory_space<vmem>>, vector<16xi32>,
    %shift_right_logical3A_151 = arith.constant 1 : i32
    %shift_right_logical3A_152 = vector.broadcast %shift_right_logical3A_151 : i32 to vector<16xi32>
    %shift_right_logical3A_153 = arith.shrui %get3A_150, %shift_right_logical3A_152 : vector<16xi32>
    %swap3A_154 = arith.constant 1 : i32
    %swap3A_155 = arith.index_cast %swap3A_154 : i32 to index
    %swap3A_156 = arith.constant 112 : index
    %swap3A_157 = tpu.vector_load %arg8[%swap3A_155, %swap3A_156] {strides = array<i32>} : memref<3x128xi32, #tpu.memory_space<vmem>>, vector<16xi32>,
    tpu.vector_store %arg8[%swap3A_155, %swap3A_156], %shift_right_logical3A_153 {strides = array<i32>} : memref<3x128xi32, #tpu.memory_space<vmem>>, vector<16xi32>,
    %dma_start3A_158 = arith.constant 1 : i32
    %dma_start3A_159 = arith.constant 1 : i32
    %dma_start3A_160 = arith.constant 1 : i32
    %dma_start3A_161 = arith.constant 0 : i32
    %dma_start3A_162 = arith.constant 0 : i32
    %dma_start3A_163 = tpu.memref_slice %arg9[%dma_start3A_159, %dma_start3A_161, %dma_start3A_162] : memref<3x128x128xf32, #tpu.memory_space<vmem>> -> memref<1x128x128xf32, #tpu.memory_space<vmem>>
    %dma_start3A_164 = tpu.memref_squeeze %dma_start3A_163 : memref<1x128x128xf32, #tpu.memory_space<vmem>> -> memref<128x128xf32, #tpu.memory_space<vmem>>
    %dma_start3A_165 = arith.constant 0 : i32
    %dma_start3A_166 = tpu.memref_slice %arg8[%dma_start3A_158, %dma_start3A_165] : memref<3x128xi32, #tpu.memory_space<vmem>> -> memref<1x128xi32, #tpu.memory_space<vmem>>
    %dma_start3A_167 = tpu.memref_squeeze %dma_start3A_166 : memref<1x128xi32, #tpu.memory_space<vmem>> -> memref<128xi32, #tpu.memory_space<vmem>>
    %dma_start3A_168 = arith.constant 0 : i32
    %dma_start3A_169 = arith.constant 0 : i32
    %dma_start3A_170 = tpu.memref_slice %arg4[%dma_start3A_168, %dma_start3A_169] : memref<500000x128xf32, #tpu.memory_space<hbm>> -> memref<500000x128xf32, #tpu.memory_space<hbm>>
    %dma_start3A_171 = tpu.memref_slice %arg11[%dma_start3A_160] : memref<3x!tpu.dma_semaphore, #tpu.memory_space<semaphore_mem>> -> memref<1x!tpu.dma_semaphore, #tpu.memory_space<semaphore_mem>>
    %dma_start3A_172 = tpu.memref_squeeze %dma_start3A_171 : memref<1x!tpu.dma_semaphore, #tpu.memory_space<semaphore_mem>> -> memref<!tpu.dma_semaphore, #tpu.memory_space<semaphore_mem>>
    tpu.enqueue_indirect_dma source(%dma_start3A_170 : memref<500000x128xf32, #tpu.memory_space<hbm>>) target(%dma_start3A_164 : memref<128x128xf32, #tpu.memory_space<vmem>>) offsets(%dma_start3A_167 : memref<128xi32, #tpu.memory_space<vmem>>) semaphore(%dma_start3A_172 : memref<!tpu.dma_semaphore, #tpu.memory_space<semaphore_mem>>)
    %scan3A = arith.constant 0 : i32
    %scan3A_173 = arith.constant 0 : i32
    %scan3A_174 = arith.constant 200 : i32
    %scan3A_175 = arith.addi %scan3A_173, %scan3A_174 : i32
    %scan3A_176 = arith.constant 1 : i32
    scf.for %scan3A_214 = %scan3A_173 to %scan3A_175 step %scan3A_176  : i32 {
      %rem3A_215 = arith.constant 3 : i32
      %rem3A_216 = arith.remsi %scan3A_214, %rem3A_215 : i32
      %add3A_217 = arith.constant 2 : i32
      %add3A_218 = arith.addi %scan3A_214, %add3A_217 : i32
      %rem3A_219 = arith.constant 3 : i32
      %rem3A_220 = arith.remsi %add3A_218, %rem3A_219 : i32
      %rem3A_221 = arith.constant 2 : i32
      %rem3A_222 = arith.remsi %scan3A_214, %rem3A_221 : i32
      %add3A_223 = arith.constant 2 : i32
      %add3A_224 = arith.addi %scan3A_214, %add3A_223 : i32
      %lt3A = arith.constant 200 : i32
      %lt3A_225 = arith.cmpi slt, %add3A_224, %lt3A : i32
      %convert_element_type3A = arith.extui %lt3A_225 : i1 to i32
      %cond3A = arith.constant 0 : i32
      %cond3A_226 = arith.cmpi ne, %convert_element_type3A, %cond3A : i32
      scf.if %cond3A_226 {
        %add3A_271 = arith.constant 2 : i32
        %add3A_272 = arith.addi %scan3A_214, %add3A_271 : i32
        %mul3A_273 = arith.constant 128 : i32
        %mul3A_274 = arith.muli %mul3A_273, %add3A_272 : i32
        %add3A_275 = arith.constant 0 : i32
        %add3A_276 = arith.addi %mul3A_274, %add3A_275 : i32
        %get3A_277 = arith.index_cast %add3A_276 : i32 to index
        %get3A_278 = tpu.vector_load %arg7[%get3A_277] {strides = array<i32>} : memref<25600xi32, #tpu.memory_space<vmem>>, vector<16xi32>,
        %shift_right_logical3A_279 = arith.constant 1 : i32
        %shift_right_logical3A_280 = vector.broadcast %shift_right_logical3A_279 : i32 to vector<16xi32>
        %shift_right_logical3A_281 = arith.shrui %get3A_278, %shift_right_logical3A_280 : vector<16xi32>
        %swap3A_282 = arith.index_cast %rem3A_220 : i32 to index
        %swap3A_283 = arith.constant 0 : index
        %swap3A_284 = tpu.vector_load %arg8[%swap3A_282, %swap3A_283] {strides = array<i32>} : memref<3x128xi32, #tpu.memory_space<vmem>>, vector<16xi32>,
        tpu.vector_store %arg8[%swap3A_282, %swap3A_283], %shift_right_logical3A_281 {strides = array<i32>} : memref<3x128xi32, #tpu.memory_space<vmem>>, vector<16xi32>,
        %mul3A_285 = arith.constant 128 : i32
        %mul3A_286 = arith.muli %mul3A_285, %add3A_272 : i32
        %add3A_287 = arith.constant 16 : i32
        %add3A_288 = arith.addi %mul3A_286, %add3A_287 : i32
        %get3A_289 = arith.index_cast %add3A_288 : i32 to index
        %get3A_290 = tpu.vector_load %arg7[%get3A_289] {strides = array<i32>} : memref<25600xi32, #tpu.memory_space<vmem>>, vector<16xi32>,
        %shift_right_logical3A_291 = arith.constant 1 : i32
        %shift_right_logical3A_292 = vector.broadcast %shift_right_logical3A_291 : i32 to vector<16xi32>
        %shift_right_logical3A_293 = arith.shrui %get3A_290, %shift_right_logical3A_292 : vector<16xi32>
        %swap3A_294 = arith.index_cast %rem3A_220 : i32 to index
        %swap3A_295 = arith.constant 16 : index
        %swap3A_296 = tpu.vector_load %arg8[%swap3A_294, %swap3A_295] {strides = array<i32>} : memref<3x128xi32, #tpu.memory_space<vmem>>, vector<16xi32>,
        tpu.vector_store %arg8[%swap3A_294, %swap3A_295], %shift_right_logical3A_293 {strides = array<i32>} : memref<3x128xi32, #tpu.memory_space<vmem>>, vector<16xi32>,
        %mul3A_297 = arith.constant 128 : i32
        %mul3A_298 = arith.muli %mul3A_297, %add3A_272 : i32
        %add3A_299 = arith.constant 32 : i32
        %add3A_300 = arith.addi %mul3A_298, %add3A_299 : i32
        %get3A_301 = arith.index_cast %add3A_300 : i32 to index
        %get3A_302 = tpu.vector_load %arg7[%get3A_301] {strides = array<i32>} : memref<25600xi32, #tpu.memory_space<vmem>>, vector<16xi32>,
        %shift_right_logical3A_303 = arith.constant 1 : i32
        %shift_right_logical3A_304 = vector.broadcast %shift_right_logical3A_303 : i32 to vector<16xi32>
        %shift_right_logical3A_305 = arith.shrui %get3A_302, %shift_right_logical3A_304 : vector<16xi32>
        %swap3A_306 = arith.index_cast %rem3A_220 : i32 to index
        %swap3A_307 = arith.constant 32 : index
        %swap3A_308 = tpu.vector_load %arg8[%swap3A_306, %swap3A_307] {strides = array<i32>} : memref<3x128xi32, #tpu.memory_space<vmem>>, vector<16xi32>,
        tpu.vector_store %arg8[%swap3A_306, %swap3A_307], %shift_right_logical3A_305 {strides = array<i32>} : memref<3x128xi32, #tpu.memory_space<vmem>>, vector<16xi32>,
        %mul3A_309 = arith.constant 128 : i32
        %mul3A_310 = arith.muli %mul3A_309, %add3A_272 : i32
        %add3A_311 = arith.constant 48 : i32
        %add3A_312 = arith.addi %mul3A_310, %add3A_311 : i32
        %get3A_313 = arith.index_cast %add3A_312 : i32 to index
        %get3A_314 = tpu.vector_load %arg7[%get3A_313] {strides = array<i32>} : memref<25600xi32, #tpu.memory_space<vmem>>, vector<16xi32>,
        %shift_right_logical3A_315 = arith.constant 1 : i32
        %shift_right_logical3A_316 = vector.broadcast %shift_right_logical3A_315 : i32 to vector<16xi32>
        %shift_right_logical3A_317 = arith.shrui %get3A_314, %shift_right_logical3A_316 : vector<16xi32>
        %swap3A_318 = arith.index_cast %rem3A_220 : i32 to index
        %swap3A_319 = arith.constant 48 : index
        %swap3A_320 = tpu.vector_load %arg8[%swap3A_318, %swap3A_319] {strides = array<i32>} : memref<3x128xi32, #tpu.memory_space<vmem>>, vector<16xi32>,
        tpu.vector_store %arg8[%swap3A_318, %swap3A_319], %shift_right_logical3A_317 {strides = array<i32>} : memref<3x128xi32, #tpu.memory_space<vmem>>, vector<16xi32>,
        %mul3A_321 = arith.constant 128 : i32
        %mul3A_322 = arith.muli %mul3A_321, %add3A_272 : i32
        %add3A_323 = arith.constant 64 : i32
        %add3A_324 = arith.addi %mul3A_322, %add3A_323 : i32
        %get3A_325 = arith.index_cast %add3A_324 : i32 to index
        %get3A_326 = tpu.vector_load %arg7[%get3A_325] {strides = array<i32>} : memref<25600xi32, #tpu.memory_space<vmem>>, vector<16xi32>,
        %shift_right_logical3A_327 = arith.constant 1 : i32
        %shift_right_logical3A_328 = vector.broadcast %shift_right_logical3A_327 : i32 to vector<16xi32>
        %shift_right_logical3A_329 = arith.shrui %get3A_326, %shift_right_logical3A_328 : vector<16xi32>
        %swap3A_330 = arith.index_cast %rem3A_220 : i32 to index
        %swap3A_331 = arith.constant 64 : index
        %swap3A_332 = tpu.vector_load %arg8[%swap3A_330, %swap3A_331] {strides = array<i32>} : memref<3x128xi32, #tpu.memory_space<vmem>>, vector<16xi32>,
        tpu.vector_store %arg8[%swap3A_330, %swap3A_331], %shift_right_logical3A_329 {strides = array<i32>} : memref<3x128xi32, #tpu.memory_space<vmem>>, vector<16xi32>,
        %mul3A_333 = arith.constant 128 : i32
        %mul3A_334 = arith.muli %mul3A_333, %add3A_272 : i32
        %add3A_335 = arith.constant 80 : i32
        %add3A_336 = arith.addi %mul3A_334, %add3A_335 : i32
        %get3A_337 = arith.index_cast %add3A_336 : i32 to index
        %get3A_338 = tpu.vector_load %arg7[%get3A_337] {strides = array<i32>} : memref<25600xi32, #tpu.memory_space<vmem>>, vector<16xi32>,
        %shift_right_logical3A_339 = arith.constant 1 : i32
        %shift_right_logical3A_340 = vector.broadcast %shift_right_logical3A_339 : i32 to vector<16xi32>
        %shift_right_logical3A_341 = arith.shrui %get3A_338, %shift_right_logical3A_340 : vector<16xi32>
        %swap3A_342 = arith.index_cast %rem3A_220 : i32 to index
        %swap3A_343 = arith.constant 80 : index
        %swap3A_344 = tpu.vector_load %arg8[%swap3A_342, %swap3A_343] {strides = array<i32>} : memref<3x128xi32, #tpu.memory_space<vmem>>, vector<16xi32>,
        tpu.vector_store %arg8[%swap3A_342, %swap3A_343], %shift_right_logical3A_341 {strides = array<i32>} : memref<3x128xi32, #tpu.memory_space<vmem>>, vector<16xi32>,
        %mul3A_345 = arith.constant 128 : i32
        %mul3A_346 = arith.muli %mul3A_345, %add3A_272 : i32
        %add3A_347 = arith.constant 96 : i32
        %add3A_348 = arith.addi %mul3A_346, %add3A_347 : i32
        %get3A_349 = arith.index_cast %add3A_348 : i32 to index
        %get3A_350 = tpu.vector_load %arg7[%get3A_349] {strides = array<i32>} : memref<25600xi32, #tpu.memory_space<vmem>>, vector<16xi32>,
        %shift_right_logical3A_351 = arith.constant 1 : i32
        %shift_right_logical3A_352 = vector.broadcast %shift_right_logical3A_351 : i32 to vector<16xi32>
        %shift_right_logical3A_353 = arith.shrui %get3A_350, %shift_right_logical3A_352 : vector<16xi32>
        %swap3A_354 = arith.index_cast %rem3A_220 : i32 to index
        %swap3A_355 = arith.constant 96 : index
        %swap3A_356 = tpu.vector_load %arg8[%swap3A_354, %swap3A_355] {strides = array<i32>} : memref<3x128xi32, #tpu.memory_space<vmem>>, vector<16xi32>,
        tpu.vector_store %arg8[%swap3A_354, %swap3A_355], %shift_right_logical3A_353 {strides = array<i32>} : memref<3x128xi32, #tpu.memory_space<vmem>>, vector<16xi32>,
        %mul3A_357 = arith.constant 128 : i32
        %mul3A_358 = arith.muli %mul3A_357, %add3A_272 : i32
        %add3A_359 = arith.constant 112 : i32
        %add3A_360 = arith.addi %mul3A_358, %add3A_359 : i32
        %get3A_361 = arith.index_cast %add3A_360 : i32 to index
        %get3A_362 = tpu.vector_load %arg7[%get3A_361] {strides = array<i32>} : memref<25600xi32, #tpu.memory_space<vmem>>, vector<16xi32>,
        %shift_right_logical3A_363 = arith.constant 1 : i32
        %shift_right_logical3A_364 = vector.broadcast %shift_right_logical3A_363 : i32 to vector<16xi32>
        %shift_right_logical3A_365 = arith.shrui %get3A_362, %shift_right_logical3A_364 : vector<16xi32>
        %swap3A_366 = arith.index_cast %rem3A_220 : i32 to index
        %swap3A_367 = arith.constant 112 : index
        %swap3A_368 = tpu.vector_load %arg8[%swap3A_366, %swap3A_367] {strides = array<i32>} : memref<3x128xi32, #tpu.memory_space<vmem>>, vector<16xi32>,
        tpu.vector_store %arg8[%swap3A_366, %swap3A_367], %shift_right_logical3A_365 {strides = array<i32>} : memref<3x128xi32, #tpu.memory_space<vmem>>, vector<16xi32>,
        %dma_start3A_369 = arith.constant 0 : i32
        %dma_start3A_370 = arith.constant 0 : i32
        %dma_start3A_371 = tpu.memref_slice %arg9[%rem3A_220, %dma_start3A_369, %dma_start3A_370] : memref<3x128x128xf32, #tpu.memory_space<vmem>> -> memref<1x128x128xf32, #tpu.memory_space<vmem>>
        %dma_start3A_372 = tpu.memref_squeeze %dma_start3A_371 : memref<1x128x128xf32, #tpu.memory_space<vmem>> -> memref<128x128xf32, #tpu.memory_space<vmem>>
        %dma_start3A_373 = arith.constant 0 : i32
        %dma_start3A_374 = tpu.memref_slice %arg8[%rem3A_220, %dma_start3A_373] : memref<3x128xi32, #tpu.memory_space<vmem>> -> memref<1x128xi32, #tpu.memory_space<vmem>>
        %dma_start3A_375 = tpu.memref_squeeze %dma_start3A_374 : memref<1x128xi32, #tpu.memory_space<vmem>> -> memref<128xi32, #tpu.memory_space<vmem>>
        %dma_start3A_376 = arith.constant 0 : i32
        %dma_start3A_377 = arith.constant 0 : i32
        %dma_start3A_378 = tpu.memref_slice %arg4[%dma_start3A_376, %dma_start3A_377] : memref<500000x128xf32, #tpu.memory_space<hbm>> -> memref<500000x128xf32, #tpu.memory_space<hbm>>
        %dma_start3A_379 = tpu.memref_slice %arg11[%rem3A_220] : memref<3x!tpu.dma_semaphore, #tpu.memory_space<semaphore_mem>> -> memref<1x!tpu.dma_semaphore, #tpu.memory_space<semaphore_mem>>
        %dma_start3A_380 = tpu.memref_squeeze %dma_start3A_379 : memref<1x!tpu.dma_semaphore, #tpu.memory_space<semaphore_mem>> -> memref<!tpu.dma_semaphore, #tpu.memory_space<semaphore_mem>>
        tpu.enqueue_indirect_dma source(%dma_start3A_378 : memref<500000x128xf32, #tpu.memory_space<hbm>>) target(%dma_start3A_372 : memref<128x128xf32, #tpu.memory_space<vmem>>) offsets(%dma_start3A_375 : memref<128xi32, #tpu.memory_space<vmem>>) semaphore(%dma_start3A_380 : memref<!tpu.dma_semaphore, #tpu.memory_space<semaphore_mem>>)
      } else {
      }
      %dma_wait3A_227 = arith.constant 0 : i32
      %dma_wait3A_228 = arith.constant 0 : i32
      %dma_wait3A_229 = tpu.memref_slice %arg9[%rem3A_216, %dma_wait3A_227, %dma_wait3A_228] : memref<3x128x128xf32, #tpu.memory_space<vmem>> -> memref<1x128x128xf32, #tpu.memory_space<vmem>>
      %dma_wait3A_230 = tpu.memref_squeeze %dma_wait3A_229 : memref<1x128x128xf32, #tpu.memory_space<vmem>> -> memref<128x128xf32, #tpu.memory_space<vmem>>
      %dma_wait3A_231 = arith.constant 0 : i32
      %dma_wait3A_232 = tpu.memref_slice %arg8[%rem3A_216, %dma_wait3A_231] : memref<3x128xi32, #tpu.memory_space<vmem>> -> memref<1x128xi32, #tpu.memory_space<vmem>>
      %dma_wait3A_233 = tpu.memref_squeeze %dma_wait3A_232 : memref<1x128xi32, #tpu.memory_space<vmem>> -> memref<128xi32, #tpu.memory_space<vmem>>
      %dma_wait3A_234 = arith.constant 0 : i32
      %dma_wait3A_235 = arith.constant 0 : i32
      %dma_wait3A_236 = tpu.memref_slice %arg4[%dma_wait3A_234, %dma_wait3A_235] : memref<500000x128xf32, #tpu.memory_space<hbm>> -> memref<500000x128xf32, #tpu.memory_space<hbm>>
      %dma_wait3A_237 = tpu.memref_slice %arg11[%rem3A_216] : memref<3x!tpu.dma_semaphore, #tpu.memory_space<semaphore_mem>> -> memref<1x!tpu.dma_semaphore, #tpu.memory_space<semaphore_mem>>
      %dma_wait3A_238 = tpu.memref_squeeze %dma_wait3A_237 : memref<1x!tpu.dma_semaphore, #tpu.memory_space<semaphore_mem>> -> memref<!tpu.dma_semaphore, #tpu.memory_space<semaphore_mem>>
      tpu.wait_indirect_dma semaphore(%dma_wait3A_238 : memref<!tpu.dma_semaphore, #tpu.memory_space<semaphore_mem>>) src(%dma_wait3A_236 : memref<500000x128xf32, #tpu.memory_space<hbm>>) dst(%dma_wait3A_230 : memref<128x128xf32, #tpu.memory_space<vmem>>)
      %ge3A = arith.constant 2 : i32
      %ge3A_239 = arith.cmpi sge, %scan3A_214, %ge3A : i32
      %convert_element_type3A_240 = arith.extui %ge3A_239 : i1 to i32
      %cond3A_241 = arith.constant 0 : i32
      %cond3A_242 = arith.cmpi ne, %convert_element_type3A_240, %cond3A_241 : i32
      scf.if %cond3A_242 {
        %sub3A = arith.constant 2 : i32
        %sub3A_271 = arith.subi %scan3A_214, %sub3A : i32
        %mul3A_272 = arith.constant 128 : i32
        %mul3A_273 = arith.muli %mul3A_272, %sub3A_271 : i32
        %add3A_274 = arith.addi %multiple_of3A, %mul3A_273 : i32
        %dma_wait3A_275 = arith.constant 0 : i32
        %dma_wait3A_276 = arith.constant 0 : i32
        %dma_wait3A_277 = tpu.memref_slice %arg10[%rem3A_222, %dma_wait3A_275, %dma_wait3A_276] : memref<2x128x64xf32, #tpu.memory_space<vmem>> -> memref<1x128x64xf32, #tpu.memory_space<vmem>>
        %dma_wait3A_278 = tpu.memref_squeeze %dma_wait3A_277 : memref<1x128x64xf32, #tpu.memory_space<vmem>> -> memref<128x64xf32, #tpu.memory_space<vmem>>
        %dma_wait3A_279 = arith.constant 0 : i32
        %dma_wait3A_280 = tpu.memref_slice %arg5[%add3A_274, %dma_wait3A_279] : memref<819200x64xf32, #tpu.memory_space<hbm>> -> memref<128x64xf32, #tpu.memory_space<hbm>>
        %dma_wait3A_281 = tpu.memref_slice %arg12[%rem3A_222] : memref<2x!tpu.dma_semaphore, #tpu.memory_space<semaphore_mem>> -> memref<1x!tpu.dma_semaphore, #tpu.memory_space<semaphore_mem>>
        %dma_wait3A_282 = tpu.memref_squeeze %dma_wait3A_281 : memref<1x!tpu.dma_semaphore, #tpu.memory_space<semaphore_mem>> -> memref<!tpu.dma_semaphore, #tpu.memory_space<semaphore_mem>>
        %dma_wait3A_283 = arith.constant 0 : i32
        %dma_wait3A_284 = tpu.memref_slice %arg5[%add3A_274, %dma_wait3A_283] : memref<819200x64xf32, #tpu.memory_space<hbm>> -> memref<128x64xf32, #tpu.memory_space<hbm>>
        %dma_wait3A_285 = arith.constant 0 : i32
        %dma_wait3A_286 = arith.constant 0 : i32
        %dma_wait3A_287 = tpu.memref_slice %arg10[%rem3A_222, %dma_wait3A_285, %dma_wait3A_286] : memref<2x128x64xf32, #tpu.memory_space<vmem>> -> memref<1x128x64xf32, #tpu.memory_space<vmem>>
        %dma_wait3A_288 = tpu.memref_squeeze %dma_wait3A_287 : memref<1x128x64xf32, #tpu.memory_space<vmem>> -> memref<128x64xf32, #tpu.memory_space<vmem>>
        tpu.wait_dma2 semaphore(%dma_wait3A_282 : memref<!tpu.dma_semaphore, #tpu.memory_space<semaphore_mem>>) src(%dma_wait3A_288 : memref<128x64xf32, #tpu.memory_space<vmem>>) dst(%dma_wait3A_284 : memref<128x64xf32, #tpu.memory_space<hbm>>)
      } else {
      }
      %mul3A_243 = arith.constant 128 : i32
      %mul3A_244 = arith.muli %mul3A_243, %scan3A_214 : i32
      %add3A_245 = arith.addi %multiple_of3A, %mul3A_244 : i32
      %rem3A_246 = arith.constant 200 : i32
      %rem3A_247 = arith.remsi %add3A_245, %rem3A_246 : i32
      %scan3A_248 = arith.constant 0 : i32
      %scan3A_249 = arith.constant 8 : i32
      %scan3A_250 = arith.addi %scan3A_248, %scan3A_249 : i32
      %scan3A_251 = arith.constant 1 : i32
      %scan3A_252 = scf.for %scan3A_271 = %scan3A_248 to %scan3A_250 step %scan3A_251 iter_args(%scan3A_272 = %rem3A_247) -> (i32)  : i32 {
        %mul3A_273 = arith.constant 128 : i32
        %mul3A_274 = arith.muli %mul3A_273, %scan3A_214 : i32
        %mul3A_275 = arith.constant 16 : i32
        %mul3A_276 = arith.muli %mul3A_275, %scan3A_271 : i32
        %add3A_277 = arith.addi %mul3A_274, %mul3A_276 : i32
        %get3A_278 = arith.index_cast %add3A_277 : i32 to index
        %get3A_279 = tpu.vector_load %arg7[%get3A_278] {strides = array<i32>} : memref<25600xi32, #tpu.memory_space<vmem>>, vector<16xi32>,
        %and3A = arith.constant 1 : i32
        %and3A_280 = vector.broadcast %and3A : i32 to vector<16xi32>
        %and3A_281 = arith.andi %get3A_279, %and3A_280 : vector<16xi32>
        %mul3A_282 = arith.constant 16 : i32
        %mul3A_283 = arith.muli %mul3A_282, %scan3A_271 : i32
        %add3A_284 = arith.constant 0 : i32
        %add3A_285 = arith.addi %mul3A_283, %add3A_284 : i32
        %broadcast_in_dim3A = arith.constant 0 : i32
        %broadcast_in_dim3A_286 = vector.broadcast %broadcast_in_dim3A : i32 to vector<16xi32>
        %add3A_287 = arith.constant 0 : i32
        %add3A_288 = vector.broadcast %add3A_287 : i32 to vector<16xi32>
        %add3A_289 = arith.addi %broadcast_in_dim3A_286, %add3A_288 : vector<16xi32>
        %reshape3A = vector.shape_cast %add3A_289 : vector<16xi32> to vector<16x1xi32>
        %gather3A = vector.shape_cast %reshape3A : vector<16x1xi32> to vector<16xi32>
        %gather3A_290 = tpu.dynamic_gather %and3A_281[%gather3A] in [0] : vector<16xi32>, vector<16xi32> -> vector<16xi32>
        %eq3A = arith.constant 1 : i32
        %eq3A_291 = vector.broadcast %eq3A : i32 to vector<16xi32>
        %eq3A_292 = arith.cmpi eq, %gather3A_290, %eq3A_291 : vector<16xi32>
        %get3A_293 = arith.index_cast %rem3A_216 : i32 to index
        %get3A_294 = arith.index_cast %add3A_285 : i32 to index
        %get3A_295 = arith.constant 0 : index
        %get3A_296 = tpu.vector_load %arg9[%get3A_293, %get3A_294, %get3A_295] {strides = array<i32>} : memref<3x128x128xf32, #tpu.memory_space<vmem>>, vector<16xf32>,
        %get3A_297 = arith.index_cast %rem3A_216 : i32 to index
        %get3A_298 = arith.index_cast %add3A_285 : i32 to index
        %get3A_299 = arith.constant 64 : index
        %get3A_300 = tpu.vector_load %arg9[%get3A_297, %get3A_298, %get3A_299] {strides = array<i32>} : memref<3x128x128xf32, #tpu.memory_space<vmem>>, vector<16xf32>,
        %select_n3A = arith.select %eq3A_292, %get3A_300, %get3A_296 : vector<16xi1>, vector<16xf32>
        %mul3A_301 = arith.constant 8.000000e+00 : f32
        %mul3A_302 = vector.broadcast %mul3A_301 : f32 to vector<16xf32>
        %mul3A_303 = arith.mulf %select_n3A, %mul3A_302 : vector<16xf32>
        %mul3A_304 = arith.constant 64 : i32
        %mul3A_305 = arith.muli %scan3A_272, %mul3A_304 : i32
        %add3A_306 = arith.constant 0 : i32
        %add3A_307 = arith.addi %mul3A_305, %add3A_306 : i32
        %get3A_308 = arith.index_cast %add3A_307 : i32 to index
        %get3A_309 = tpu.vector_load %arg6[%get3A_308] {strides = array<i32>} : memref<12800xf32, #tpu.memory_space<vmem>>, vector<16xf32>,
        %add3A_310 = arith.addf %mul3A_303, %get3A_309 : vector<16xf32>
        %swap3A_311 = arith.index_cast %rem3A_222 : i32 to index
        %swap3A_312 = arith.index_cast %add3A_285 : i32 to index
        %swap3A_313 = arith.constant 0 : index
        %swap3A_314 = tpu.vector_load %arg10[%swap3A_311, %swap3A_312, %swap3A_313] {strides = array<i32>} : memref<2x128x64xf32, #tpu.memory_space<vmem>>, vector<16xf32>,
        tpu.vector_store %arg10[%swap3A_311, %swap3A_312, %swap3A_313], %add3A_310 {strides = array<i32>} : memref<2x128x64xf32, #tpu.memory_space<vmem>>, vector<16xf32>,
        %get3A_315 = arith.index_cast %rem3A_216 : i32 to index
        %get3A_316 = arith.index_cast %add3A_285 : i32 to index
        %get3A_317 = arith.constant 16 : index
        %get3A_318 = tpu.vector_load %arg9[%get3A_315, %get3A_316, %get3A_317] {strides = array<i32>} : memref<3x128x128xf32, #tpu.memory_space<vmem>>, vector<16xf32>,
        %get3A_319 = arith.index_cast %rem3A_216 : i32 to index
        %get3A_320 = arith.index_cast %add3A_285 : i32 to index
        %get3A_321 = arith.constant 80 : index
        %get3A_322 = tpu.vector_load %arg9[%get3A_319, %get3A_320, %get3A_321] {strides = array<i32>} : memref<3x128x128xf32, #tpu.memory_space<vmem>>, vector<16xf32>,
        %select_n3A_323 = arith.select %eq3A_292, %get3A_322, %get3A_318 : vector<16xi1>, vector<16xf32>
        %mul3A_324 = arith.constant 8.000000e+00 : f32
        %mul3A_325 = vector.broadcast %mul3A_324 : f32 to vector<16xf32>
        %mul3A_326 = arith.mulf %select_n3A_323, %mul3A_325 : vector<16xf32>
        %mul3A_327 = arith.constant 64 : i32
        %mul3A_328 = arith.muli %scan3A_272, %mul3A_327 : i32
        %add3A_329 = arith.constant 16 : i32
        %add3A_330 = arith.addi %mul3A_328, %add3A_329 : i32
        %get3A_331 = arith.index_cast %add3A_330 : i32 to index
        %get3A_332 = tpu.vector_load %arg6[%get3A_331] {strides = array<i32>} : memref<12800xf32, #tpu.memory_space<vmem>>, vector<16xf32>,
        %add3A_333 = arith.addf %mul3A_326, %get3A_332 : vector<16xf32>
        %swap3A_334 = arith.index_cast %rem3A_222 : i32 to index
        %swap3A_335 = arith.index_cast %add3A_285 : i32 to index
        %swap3A_336 = arith.constant 16 : index
        %swap3A_337 = tpu.vector_load %arg10[%swap3A_334, %swap3A_335, %swap3A_336] {strides = array<i32>} : memref<2x128x64xf32, #tpu.memory_space<vmem>>, vector<16xf32>,
        tpu.vector_store %arg10[%swap3A_334, %swap3A_335, %swap3A_336], %add3A_333 {strides = array<i32>} : memref<2x128x64xf32, #tpu.memory_space<vmem>>, vector<16xf32>,
        %get3A_338 = arith.index_cast %rem3A_216 : i32 to index
        %get3A_339 = arith.index_cast %add3A_285 : i32 to index
        %get3A_340 = arith.constant 32 : index
        %get3A_341 = tpu.vector_load %arg9[%get3A_338, %get3A_339, %get3A_340] {strides = array<i32>} : memref<3x128x128xf32, #tpu.memory_space<vmem>>, vector<16xf32>,
        %get3A_342 = arith.index_cast %rem3A_216 : i32 to index
        %get3A_343 = arith.index_cast %add3A_285 : i32 to index
        %get3A_344 = arith.constant 96 : index
        %get3A_345 = tpu.vector_load %arg9[%get3A_342, %get3A_343, %get3A_344] {strides = array<i32>} : memref<3x128x128xf32, #tpu.memory_space<vmem>>, vector<16xf32>,
        %select_n3A_346 = arith.select %eq3A_292, %get3A_345, %get3A_341 : vector<16xi1>, vector<16xf32>
        %mul3A_347 = arith.constant 8.000000e+00 : f32
        %mul3A_348 = vector.broadcast %mul3A_347 : f32 to vector<16xf32>
        %mul3A_349 = arith.mulf %select_n3A_346, %mul3A_348 : vector<16xf32>
        %mul3A_350 = arith.constant 64 : i32
        %mul3A_351 = arith.muli %scan3A_272, %mul3A_350 : i32
        %add3A_352 = arith.constant 32 : i32
        %add3A_353 = arith.addi %mul3A_351, %add3A_352 : i32
        %get3A_354 = arith.index_cast %add3A_353 : i32 to index
        %get3A_355 = tpu.vector_load %arg6[%get3A_354] {strides = array<i32>} : memref<12800xf32, #tpu.memory_space<vmem>>, vector<16xf32>,
        %add3A_356 = arith.addf %mul3A_349, %get3A_355 : vector<16xf32>
        %swap3A_357 = arith.index_cast %rem3A_222 : i32 to index
        %swap3A_358 = arith.index_cast %add3A_285 : i32 to index
        %swap3A_359 = arith.constant 32 : index
        %swap3A_360 = tpu.vector_load %arg10[%swap3A_357, %swap3A_358, %swap3A_359] {strides = array<i32>} : memref<2x128x64xf32, #tpu.memory_space<vmem>>, vector<16xf32>,
        tpu.vector_store %arg10[%swap3A_357, %swap3A_358, %swap3A_359], %add3A_356 {strides = array<i32>} : memref<2x128x64xf32, #tpu.memory_space<vmem>>, vector<16xf32>,
        %get3A_361 = arith.index_cast %rem3A_216 : i32 to index
        %get3A_362 = arith.index_cast %add3A_285 : i32 to index
        %get3A_363 = arith.constant 48 : index
        %get3A_364 = tpu.vector_load %arg9[%get3A_361, %get3A_362, %get3A_363] {strides = array<i32>} : memref<3x128x128xf32, #tpu.memory_space<vmem>>, vector<16xf32>,
        %get3A_365 = arith.index_cast %rem3A_216 : i32 to index
        %get3A_366 = arith.index_cast %add3A_285 : i32 to index
        %get3A_367 = arith.constant 112 : index
        %get3A_368 = tpu.vector_load %arg9[%get3A_365, %get3A_366, %get3A_367] {strides = array<i32>} : memref<3x128x128xf32, #tpu.memory_space<vmem>>, vector<16xf32>,
        %select_n3A_369 = arith.select %eq3A_292, %get3A_368, %get3A_364 : vector<16xi1>, vector<16xf32>
        %mul3A_370 = arith.constant 8.000000e+00 : f32
        %mul3A_371 = vector.broadcast %mul3A_370 : f32 to vector<16xf32>
        %mul3A_372 = arith.mulf %select_n3A_369, %mul3A_371 : vector<16xf32>
        %mul3A_373 = arith.constant 64 : i32
        %mul3A_374 = arith.muli %scan3A_272, %mul3A_373 : i32
        %add3A_375 = arith.constant 48 : i32
        %add3A_376 = arith.addi %mul3A_374, %add3A_375 : i32
        %get3A_377 = arith.index_cast %add3A_376 : i32 to index
        %get3A_378 = tpu.vector_load %arg6[%get3A_377] {strides = array<i32>} : memref<12800xf32, #tpu.memory_space<vmem>>, vector<16xf32>,
        %add3A_379 = arith.addf %mul3A_372, %get3A_378 : vector<16xf32>
        %swap3A_380 = arith.index_cast %rem3A_222 : i32 to index
        %swap3A_381 = arith.index_cast %add3A_285 : i32 to index
        %swap3A_382 = arith.constant 48 : index
        %swap3A_383 = tpu.vector_load %arg10[%swap3A_380, %swap3A_381, %swap3A_382] {strides = array<i32>} : memref<2x128x64xf32, #tpu.memory_space<vmem>>, vector<16xf32>,
        tpu.vector_store %arg10[%swap3A_380, %swap3A_381, %swap3A_382], %add3A_379 {strides = array<i32>} : memref<2x128x64xf32, #tpu.memory_space<vmem>>, vector<16xf32>,
        %add3A_384 = arith.constant 1 : i32
        %add3A_385 = arith.addi %scan3A_272, %add3A_384 : i32
        %ge3A_386 = arith.constant 200 : i32
        %ge3A_387 = arith.cmpi sge, %add3A_385, %ge3A_386 : i32
        %sub3A = arith.constant 200 : i32
        %sub3A_388 = arith.subi %add3A_385, %sub3A : i32
        %select_n3A_389 = arith.select %ge3A_387, %sub3A_388, %add3A_385 : i32
        %mul3A_390 = arith.constant 16 : i32
        %mul3A_391 = arith.muli %mul3A_390, %scan3A_271 : i32
        %add3A_392 = arith.constant 1 : i32
        %add3A_393 = arith.addi %mul3A_391, %add3A_392 : i32
        %broadcast_in_dim3A_394 = arith.constant 0 : i32
        %broadcast_in_dim3A_395 = vector.broadcast %broadcast_in_dim3A_394 : i32 to vector<16xi32>
        %add3A_396 = arith.constant 1 : i32
        %add3A_397 = vector.broadcast %add3A_396 : i32 to vector<16xi32>
        %add3A_398 = arith.addi %broadcast_in_dim3A_395, %add3A_397 : vector<16xi32>
        %reshape3A_399 = vector.shape_cast %add3A_398 : vector<16xi32> to vector<16x1xi32>
        %gather3A_400 = vector.shape_cast %reshape3A_399 : vector<16x1xi32> to vector<16xi32>
        %gather3A_401 = tpu.dynamic_gather %and3A_281[%gather3A_400] in [0] : vector<16xi32>, vector<16xi32> -> vector<16xi32>
        %eq3A_402 = arith.constant 1 : i32
        %eq3A_403 = vector.broadcast %eq3A_402 : i32 to vector<16xi32>
        %eq3A_404 = arith.cmpi eq, %gather3A_401, %eq3A_403 : vector<16xi32>
        %get3A_405 = arith.index_cast %rem3A_216 : i32 to index
        %get3A_406 = arith.index_cast %add3A_393 : i32 to index
        %get3A_407 = arith.constant 0 : index
        %get3A_408 = tpu.vector_load %arg9[%get3A_405, %get3A_406, %get3A_407] {strides = array<i32>} : memref<3x128x128xf32, #tpu.memory_space<vmem>>, vector<16xf32>,
        %get3A_409 = arith.index_cast %rem3A_216 : i32 to index
        %get3A_410 = arith.index_cast %add3A_393 : i32 to index
        %get3A_411 = arith.constant 64 : index
        %get3A_412 = tpu.vector_load %arg9[%get3A_409, %get3A_410, %get3A_411] {strides = array<i32>} : memref<3x128x128xf32, #tpu.memory_space<vmem>>, vector<16xf32>,
        %select_n3A_413 = arith.select %eq3A_404, %get3A_412, %get3A_408 : vector<16xi1>, vector<16xf32>
        %mul3A_414 = arith.constant 8.000000e+00 : f32
        %mul3A_415 = vector.broadcast %mul3A_414 : f32 to vector<16xf32>
        %mul3A_416 = arith.mulf %select_n3A_413, %mul3A_415 : vector<16xf32>
        %mul3A_417 = arith.constant 64 : i32
        %mul3A_418 = arith.muli %select_n3A_389, %mul3A_417 : i32
        %add3A_419 = arith.constant 0 : i32
        %add3A_420 = arith.addi %mul3A_418, %add3A_419 : i32
        %get3A_421 = arith.index_cast %add3A_420 : i32 to index
        %get3A_422 = tpu.vector_load %arg6[%get3A_421] {strides = array<i32>} : memref<12800xf32, #tpu.memory_space<vmem>>, vector<16xf32>,
        %add3A_423 = arith.addf %mul3A_416, %get3A_422 : vector<16xf32>
        %swap3A_424 = arith.index_cast %rem3A_222 : i32 to index
        %swap3A_425 = arith.index_cast %add3A_393 : i32 to index
        %swap3A_426 = arith.constant 0 : index
        %swap3A_427 = tpu.vector_load %arg10[%swap3A_424, %swap3A_425, %swap3A_426] {strides = array<i32>} : memref<2x128x64xf32, #tpu.memory_space<vmem>>, vector<16xf32>,
        tpu.vector_store %arg10[%swap3A_424, %swap3A_425, %swap3A_426], %add3A_423 {strides = array<i32>} : memref<2x128x64xf32, #tpu.memory_space<vmem>>, vector<16xf32>,
        %get3A_428 = arith.index_cast %rem3A_216 : i32 to index
        %get3A_429 = arith.index_cast %add3A_393 : i32 to index
        %get3A_430 = arith.constant 16 : index
        %get3A_431 = tpu.vector_load %arg9[%get3A_428, %get3A_429, %get3A_430] {strides = array<i32>} : memref<3x128x128xf32, #tpu.memory_space<vmem>>, vector<16xf32>,
        %get3A_432 = arith.index_cast %rem3A_216 : i32 to index
        %get3A_433 = arith.index_cast %add3A_393 : i32 to index
        %get3A_434 = arith.constant 80 : index
        %get3A_435 = tpu.vector_load %arg9[%get3A_432, %get3A_433, %get3A_434] {strides = array<i32>} : memref<3x128x128xf32, #tpu.memory_space<vmem>>, vector<16xf32>,
        %select_n3A_436 = arith.select %eq3A_404, %get3A_435, %get3A_431 : vector<16xi1>, vector<16xf32>
        %mul3A_437 = arith.constant 8.000000e+00 : f32
        %mul3A_438 = vector.broadcast %mul3A_437 : f32 to vector<16xf32>
        %mul3A_439 = arith.mulf %select_n3A_436, %mul3A_438 : vector<16xf32>
        %mul3A_440 = arith.constant 64 : i32
        %mul3A_441 = arith.muli %select_n3A_389, %mul3A_440 : i32
        %add3A_442 = arith.constant 16 : i32
        %add3A_443 = arith.addi %mul3A_441, %add3A_442 : i32
        %get3A_444 = arith.index_cast %add3A_443 : i32 to index
        %get3A_445 = tpu.vector_load %arg6[%get3A_444] {strides = array<i32>} : memref<12800xf32, #tpu.memory_space<vmem>>, vector<16xf32>,
        %add3A_446 = arith.addf %mul3A_439, %get3A_445 : vector<16xf32>
        %swap3A_447 = arith.index_cast %rem3A_222 : i32 to index
        %swap3A_448 = arith.index_cast %add3A_393 : i32 to index
        %swap3A_449 = arith.constant 16 : index
        %swap3A_450 = tpu.vector_load %arg10[%swap3A_447, %swap3A_448, %swap3A_449] {strides = array<i32>} : memref<2x128x64xf32, #tpu.memory_space<vmem>>, vector<16xf32>,
        tpu.vector_store %arg10[%swap3A_447, %swap3A_448, %swap3A_449], %add3A_446 {strides = array<i32>} : memref<2x128x64xf32, #tpu.memory_space<vmem>>, vector<16xf32>,
        %get3A_451 = arith.index_cast %rem3A_216 : i32 to index
        %get3A_452 = arith.index_cast %add3A_393 : i32 to index
        %get3A_453 = arith.constant 32 : index
        %get3A_454 = tpu.vector_load %arg9[%get3A_451, %get3A_452, %get3A_453] {strides = array<i32>} : memref<3x128x128xf32, #tpu.memory_space<vmem>>, vector<16xf32>,
        %get3A_455 = arith.index_cast %rem3A_216 : i32 to index
        %get3A_456 = arith.index_cast %add3A_393 : i32 to index
        %get3A_457 = arith.constant 96 : index
        %get3A_458 = tpu.vector_load %arg9[%get3A_455, %get3A_456, %get3A_457] {strides = array<i32>} : memref<3x128x128xf32, #tpu.memory_space<vmem>>, vector<16xf32>,
        %select_n3A_459 = arith.select %eq3A_404, %get3A_458, %get3A_454 : vector<16xi1>, vector<16xf32>
        %mul3A_460 = arith.constant 8.000000e+00 : f32
        %mul3A_461 = vector.broadcast %mul3A_460 : f32 to vector<16xf32>
        %mul3A_462 = arith.mulf %select_n3A_459, %mul3A_461 : vector<16xf32>
        %mul3A_463 = arith.constant 64 : i32
        %mul3A_464 = arith.muli %select_n3A_389, %mul3A_463 : i32
        %add3A_465 = arith.constant 32 : i32
        %add3A_466 = arith.addi %mul3A_464, %add3A_465 : i32
        %get3A_467 = arith.index_cast %add3A_466 : i32 to index
        %get3A_468 = tpu.vector_load %arg6[%get3A_467] {strides = array<i32>} : memref<12800xf32, #tpu.memory_space<vmem>>, vector<16xf32>,
        %add3A_469 = arith.addf %mul3A_462, %get3A_468 : vector<16xf32>
        %swap3A_470 = arith.index_cast %rem3A_222 : i32 to index
        %swap3A_471 = arith.index_cast %add3A_393 : i32 to index
        %swap3A_472 = arith.constant 32 : index
        %swap3A_473 = tpu.vector_load %arg10[%swap3A_470, %swap3A_471, %swap3A_472] {strides = array<i32>} : memref<2x128x64xf32, #tpu.memory_space<vmem>>, vector<16xf32>,
        tpu.vector_store %arg10[%swap3A_470, %swap3A_471, %swap3A_472], %add3A_469 {strides = array<i32>} : memref<2x128x64xf32, #tpu.memory_space<vmem>>, vector<16xf32>,
        %get3A_474 = arith.index_cast %rem3A_216 : i32 to index
        %get3A_475 = arith.index_cast %add3A_393 : i32 to index
        %get3A_476 = arith.constant 48 : index
        %get3A_477 = tpu.vector_load %arg9[%get3A_474, %get3A_475, %get3A_476] {strides = array<i32>} : memref<3x128x128xf32, #tpu.memory_space<vmem>>, vector<16xf32>,
        %get3A_478 = arith.index_cast %rem3A_216 : i32 to index
        %get3A_479 = arith.index_cast %add3A_393 : i32 to index
        %get3A_480 = arith.constant 112 : index
        %get3A_481 = tpu.vector_load %arg9[%get3A_478, %get3A_479, %get3A_480] {strides = array<i32>} : memref<3x128x128xf32, #tpu.memory_space<vmem>>, vector<16xf32>,
        %select_n3A_482 = arith.select %eq3A_404, %get3A_481, %get3A_477 : vector<16xi1>, vector<16xf32>
        %mul3A_483 = arith.constant 8.000000e+00 : f32
        %mul3A_484 = vector.broadcast %mul3A_483 : f32 to vector<16xf32>
        %mul3A_485 = arith.mulf %select_n3A_482, %mul3A_484 : vector<16xf32>
        %mul3A_486 = arith.constant 64 : i32
        %mul3A_487 = arith.muli %select_n3A_389, %mul3A_486 : i32
        %add3A_488 = arith.constant 48 : i32
        %add3A_489 = arith.addi %mul3A_487, %add3A_488 : i32
        %get3A_490 = arith.index_cast %add3A_489 : i32 to index
        %get3A_491 = tpu.vector_load %arg6[%get3A_490] {strides = array<i32>} : memref<12800xf32, #tpu.memory_space<vmem>>, vector<16xf32>,
        %add3A_492 = arith.addf %mul3A_485, %get3A_491 : vector<16xf32>
        %swap3A_493 = arith.index_cast %rem3A_222 : i32 to index
        %swap3A_494 = arith.index_cast %add3A_393 : i32 to index
        %swap3A_495 = arith.constant 48 : index
        %swap3A_496 = tpu.vector_load %arg10[%swap3A_493, %swap3A_494, %swap3A_495] {strides = array<i32>} : memref<2x128x64xf32, #tpu.memory_space<vmem>>, vector<16xf32>,
        tpu.vector_store %arg10[%swap3A_493, %swap3A_494, %swap3A_495], %add3A_492 {strides = array<i32>} : memref<2x128x64xf32, #tpu.memory_space<vmem>>, vector<16xf32>,
        %add3A_497 = arith.constant 1 : i32
        %add3A_498 = arith.addi %select_n3A_389, %add3A_497 : i32
        %ge3A_499 = arith.constant 200 : i32
        %ge3A_500 = arith.cmpi sge, %add3A_498, %ge3A_499 : i32
        %sub3A_501 = arith.constant 200 : i32
        %sub3A_502 = arith.subi %add3A_498, %sub3A_501 : i32
        %select_n3A_503 = arith.select %ge3A_500, %sub3A_502, %add3A_498 : i32
        %mul3A_504 = arith.constant 16 : i32
        %mul3A_505 = arith.muli %mul3A_504, %scan3A_271 : i32
        %add3A_506 = arith.constant 2 : i32
        %add3A_507 = arith.addi %mul3A_505, %add3A_506 : i32
        %broadcast_in_dim3A_508 = arith.constant 0 : i32
        %broadcast_in_dim3A_509 = vector.broadcast %broadcast_in_dim3A_508 : i32 to vector<16xi32>
        %add3A_510 = arith.constant 2 : i32
        %add3A_511 = vector.broadcast %add3A_510 : i32 to vector<16xi32>
        %add3A_512 = arith.addi %broadcast_in_dim3A_509, %add3A_511 : vector<16xi32>
        %reshape3A_513 = vector.shape_cast %add3A_512 : vector<16xi32> to vector<16x1xi32>
        %gather3A_514 = vector.shape_cast %reshape3A_513 : vector<16x1xi32> to vector<16xi32>
        %gather3A_515 = tpu.dynamic_gather %and3A_281[%gather3A_514] in [0] : vector<16xi32>, vector<16xi32> -> vector<16xi32>
        %eq3A_516 = arith.constant 1 : i32
        %eq3A_517 = vector.broadcast %eq3A_516 : i32 to vector<16xi32>
        %eq3A_518 = arith.cmpi eq, %gather3A_515, %eq3A_517 : vector<16xi32>
        %get3A_519 = arith.index_cast %rem3A_216 : i32 to index
        %get3A_520 = arith.index_cast %add3A_507 : i32 to index
        %get3A_521 = arith.constant 0 : index
        %get3A_522 = tpu.vector_load %arg9[%get3A_519, %get3A_520, %get3A_521] {strides = array<i32>} : memref<3x128x128xf32, #tpu.memory_space<vmem>>, vector<16xf32>,
        %get3A_523 = arith.index_cast %rem3A_216 : i32 to index
        %get3A_524 = arith.index_cast %add3A_507 : i32 to index
        %get3A_525 = arith.constant 64 : index
        %get3A_526 = tpu.vector_load %arg9[%get3A_523, %get3A_524, %get3A_525] {strides = array<i32>} : memref<3x128x128xf32, #tpu.memory_space<vmem>>, vector<16xf32>,
        %select_n3A_527 = arith.select %eq3A_518, %get3A_526, %get3A_522 : vector<16xi1>, vector<16xf32>
        %mul3A_528 = arith.constant 8.000000e+00 : f32
        %mul3A_529 = vector.broadcast %mul3A_528 : f32 to vector<16xf32>
        %mul3A_530 = arith.mulf %select_n3A_527, %mul3A_529 : vector<16xf32>
        %mul3A_531 = arith.constant 64 : i32
        %mul3A_532 = arith.muli %select_n3A_503, %mul3A_531 : i32
        %add3A_533 = arith.constant 0 : i32
        %add3A_534 = arith.addi %mul3A_532, %add3A_533 : i32
        %get3A_535 = arith.index_cast %add3A_534 : i32 to index
        %get3A_536 = tpu.vector_load %arg6[%get3A_535] {strides = array<i32>} : memref<12800xf32, #tpu.memory_space<vmem>>, vector<16xf32>,
        %add3A_537 = arith.addf %mul3A_530, %get3A_536 : vector<16xf32>
        %swap3A_538 = arith.index_cast %rem3A_222 : i32 to index
        %swap3A_539 = arith.index_cast %add3A_507 : i32 to index
        %swap3A_540 = arith.constant 0 : index
        %swap3A_541 = tpu.vector_load %arg10[%swap3A_538, %swap3A_539, %swap3A_540] {strides = array<i32>} : memref<2x128x64xf32, #tpu.memory_space<vmem>>, vector<16xf32>,
        tpu.vector_store %arg10[%swap3A_538, %swap3A_539, %swap3A_540], %add3A_537 {strides = array<i32>} : memref<2x128x64xf32, #tpu.memory_space<vmem>>, vector<16xf32>,
        %get3A_542 = arith.index_cast %rem3A_216 : i32 to index
        %get3A_543 = arith.index_cast %add3A_507 : i32 to index
        %get3A_544 = arith.constant 16 : index
        %get3A_545 = tpu.vector_load %arg9[%get3A_542, %get3A_543, %get3A_544] {strides = array<i32>} : memref<3x128x128xf32, #tpu.memory_space<vmem>>, vector<16xf32>,
        %get3A_546 = arith.index_cast %rem3A_216 : i32 to index
        %get3A_547 = arith.index_cast %add3A_507 : i32 to index
        %get3A_548 = arith.constant 80 : index
        %get3A_549 = tpu.vector_load %arg9[%get3A_546, %get3A_547, %get3A_548] {strides = array<i32>} : memref<3x128x128xf32, #tpu.memory_space<vmem>>, vector<16xf32>,
        %select_n3A_550 = arith.select %eq3A_518, %get3A_549, %get3A_545 : vector<16xi1>, vector<16xf32>
        %mul3A_551 = arith.constant 8.000000e+00 : f32
        %mul3A_552 = vector.broadcast %mul3A_551 : f32 to vector<16xf32>
        %mul3A_553 = arith.mulf %select_n3A_550, %mul3A_552 : vector<16xf32>
        %mul3A_554 = arith.constant 64 : i32
        %mul3A_555 = arith.muli %select_n3A_503, %mul3A_554 : i32
        %add3A_556 = arith.constant 16 : i32
        %add3A_557 = arith.addi %mul3A_555, %add3A_556 : i32
        %get3A_558 = arith.index_cast %add3A_557 : i32 to index
        %get3A_559 = tpu.vector_load %arg6[%get3A_558] {strides = array<i32>} : memref<12800xf32, #tpu.memory_space<vmem>>, vector<16xf32>,
        %add3A_560 = arith.addf %mul3A_553, %get3A_559 : vector<16xf32>
        %swap3A_561 = arith.index_cast %rem3A_222 : i32 to index
        %swap3A_562 = arith.index_cast %add3A_507 : i32 to index
        %swap3A_563 = arith.constant 16 : index
        %swap3A_564 = tpu.vector_load %arg10[%swap3A_561, %swap3A_562, %swap3A_563] {strides = array<i32>} : memref<2x128x64xf32, #tpu.memory_space<vmem>>, vector<16xf32>,
        tpu.vector_store %arg10[%swap3A_561, %swap3A_562, %swap3A_563], %add3A_560 {strides = array<i32>} : memref<2x128x64xf32, #tpu.memory_space<vmem>>, vector<16xf32>,
        %get3A_565 = arith.index_cast %rem3A_216 : i32 to index
        %get3A_566 = arith.index_cast %add3A_507 : i32 to index
        %get3A_567 = arith.constant 32 : index
        %get3A_568 = tpu.vector_load %arg9[%get3A_565, %get3A_566, %get3A_567] {strides = array<i32>} : memref<3x128x128xf32, #tpu.memory_space<vmem>>, vector<16xf32>,
        %get3A_569 = arith.index_cast %rem3A_216 : i32 to index
        %get3A_570 = arith.index_cast %add3A_507 : i32 to index
        %get3A_571 = arith.constant 96 : index
        %get3A_572 = tpu.vector_load %arg9[%get3A_569, %get3A_570, %get3A_571] {strides = array<i32>} : memref<3x128x128xf32, #tpu.memory_space<vmem>>, vector<16xf32>,
        %select_n3A_573 = arith.select %eq3A_518, %get3A_572, %get3A_568 : vector<16xi1>, vector<16xf32>
        %mul3A_574 = arith.constant 8.000000e+00 : f32
        %mul3A_575 = vector.broadcast %mul3A_574 : f32 to vector<16xf32>
        %mul3A_576 = arith.mulf %select_n3A_573, %mul3A_575 : vector<16xf32>
        %mul3A_577 = arith.constant 64 : i32
        %mul3A_578 = arith.muli %select_n3A_503, %mul3A_577 : i32
        %add3A_579 = arith.constant 32 : i32
        %add3A_580 = arith.addi %mul3A_578, %add3A_579 : i32
        %get3A_581 = arith.index_cast %add3A_580 : i32 to index
        %get3A_582 = tpu.vector_load %arg6[%get3A_581] {strides = array<i32>} : memref<12800xf32, #tpu.memory_space<vmem>>, vector<16xf32>,
        %add3A_583 = arith.addf %mul3A_576, %get3A_582 : vector<16xf32>
        %swap3A_584 = arith.index_cast %rem3A_222 : i32 to index
        %swap3A_585 = arith.index_cast %add3A_507 : i32 to index
        %swap3A_586 = arith.constant 32 : index
        %swap3A_587 = tpu.vector_load %arg10[%swap3A_584, %swap3A_585, %swap3A_586] {strides = array<i32>} : memref<2x128x64xf32, #tpu.memory_space<vmem>>, vector<16xf32>,
        tpu.vector_store %arg10[%swap3A_584, %swap3A_585, %swap3A_586], %add3A_583 {strides = array<i32>} : memref<2x128x64xf32, #tpu.memory_space<vmem>>, vector<16xf32>,
        %get3A_588 = arith.index_cast %rem3A_216 : i32 to index
        %get3A_589 = arith.index_cast %add3A_507 : i32 to index
        %get3A_590 = arith.constant 48 : index
        %get3A_591 = tpu.vector_load %arg9[%get3A_588, %get3A_589, %get3A_590] {strides = array<i32>} : memref<3x128x128xf32, #tpu.memory_space<vmem>>, vector<16xf32>,
        %get3A_592 = arith.index_cast %rem3A_216 : i32 to index
        %get3A_593 = arith.index_cast %add3A_507 : i32 to index
        %get3A_594 = arith.constant 112 : index
        %get3A_595 = tpu.vector_load %arg9[%get3A_592, %get3A_593, %get3A_594] {strides = array<i32>} : memref<3x128x128xf32, #tpu.memory_space<vmem>>, vector<16xf32>,
        %select_n3A_596 = arith.select %eq3A_518, %get3A_595, %get3A_591 : vector<16xi1>, vector<16xf32>
        %mul3A_597 = arith.constant 8.000000e+00 : f32
        %mul3A_598 = vector.broadcast %mul3A_597 : f32 to vector<16xf32>
        %mul3A_599 = arith.mulf %select_n3A_596, %mul3A_598 : vector<16xf32>
        %mul3A_600 = arith.constant 64 : i32
        %mul3A_601 = arith.muli %select_n3A_503, %mul3A_600 : i32
        %add3A_602 = arith.constant 48 : i32
        %add3A_603 = arith.addi %mul3A_601, %add3A_602 : i32
        %get3A_604 = arith.index_cast %add3A_603 : i32 to index
        %get3A_605 = tpu.vector_load %arg6[%get3A_604] {strides = array<i32>} : memref<12800xf32, #tpu.memory_space<vmem>>, vector<16xf32>,
        %add3A_606 = arith.addf %mul3A_599, %get3A_605 : vector<16xf32>
        %swap3A_607 = arith.index_cast %rem3A_222 : i32 to index
        %swap3A_608 = arith.index_cast %add3A_507 : i32 to index
        %swap3A_609 = arith.constant 48 : index
        %swap3A_610 = tpu.vector_load %arg10[%swap3A_607, %swap3A_608, %swap3A_609] {strides = array<i32>} : memref<2x128x64xf32, #tpu.memory_space<vmem>>, vector<16xf32>,
        tpu.vector_store %arg10[%swap3A_607, %swap3A_608, %swap3A_609], %add3A_606 {strides = array<i32>} : memref<2x128x64xf32, #tpu.memory_space<vmem>>, vector<16xf32>,
        %add3A_611 = arith.constant 1 : i32
        %add3A_612 = arith.addi %select_n3A_503, %add3A_611 : i32
        %ge3A_613 = arith.constant 200 : i32
        %ge3A_614 = arith.cmpi sge, %add3A_612, %ge3A_613 : i32
        %sub3A_615 = arith.constant 200 : i32
        %sub3A_616 = arith.subi %add3A_612, %sub3A_615 : i32
        %select_n3A_617 = arith.select %ge3A_614, %sub3A_616, %add3A_612 : i32
        %mul3A_618 = arith.constant 16 : i32
        %mul3A_619 = arith.muli %mul3A_618, %scan3A_271 : i32
        %add3A_620 = arith.constant 3 : i32
        %add3A_621 = arith.addi %mul3A_619, %add3A_620 : i32
        %broadcast_in_dim3A_622 = arith.constant 0 : i32
        %broadcast_in_dim3A_623 = vector.broadcast %broadcast_in_dim3A_622 : i32 to vector<16xi32>
        %add3A_624 = arith.constant 3 : i32
        %add3A_625 = vector.broadcast %add3A_624 : i32 to vector<16xi32>
        %add3A_626 = arith.addi %broadcast_in_dim3A_623, %add3A_625 : vector<16xi32>
        %reshape3A_627 = vector.shape_cast %add3A_626 : vector<16xi32> to vector<16x1xi32>
        %gather3A_628 = vector.shape_cast %reshape3A_627 : vector<16x1xi32> to vector<16xi32>
        %gather3A_629 = tpu.dynamic_gather %and3A_281[%gather3A_628] in [0] : vector<16xi32>, vector<16xi32> -> vector<16xi32>
        %eq3A_630 = arith.constant 1 : i32
        %eq3A_631 = vector.broadcast %eq3A_630 : i32 to vector<16xi32>
        %eq3A_632 = arith.cmpi eq, %gather3A_629, %eq3A_631 : vector<16xi32>
        %get3A_633 = arith.index_cast %rem3A_216 : i32 to index
        %get3A_634 = arith.index_cast %add3A_621 : i32 to index
        %get3A_635 = arith.constant 0 : index
        %get3A_636 = tpu.vector_load %arg9[%get3A_633, %get3A_634, %get3A_635] {strides = array<i32>} : memref<3x128x128xf32, #tpu.memory_space<vmem>>, vector<16xf32>,
        %get3A_637 = arith.index_cast %rem3A_216 : i32 to index
        %get3A_638 = arith.index_cast %add3A_621 : i32 to index
        %get3A_639 = arith.constant 64 : index
        %get3A_640 = tpu.vector_load %arg9[%get3A_637, %get3A_638, %get3A_639] {strides = array<i32>} : memref<3x128x128xf32, #tpu.memory_space<vmem>>, vector<16xf32>,
        %select_n3A_641 = arith.select %eq3A_632, %get3A_640, %get3A_636 : vector<16xi1>, vector<16xf32>
        %mul3A_642 = arith.constant 8.000000e+00 : f32
        %mul3A_643 = vector.broadcast %mul3A_642 : f32 to vector<16xf32>
        %mul3A_644 = arith.mulf %select_n3A_641, %mul3A_643 : vector<16xf32>
        %mul3A_645 = arith.constant 64 : i32
        %mul3A_646 = arith.muli %select_n3A_617, %mul3A_645 : i32
        %add3A_647 = arith.constant 0 : i32
        %add3A_648 = arith.addi %mul3A_646, %add3A_647 : i32
        %get3A_649 = arith.index_cast %add3A_648 : i32 to index
        %get3A_650 = tpu.vector_load %arg6[%get3A_649] {strides = array<i32>} : memref<12800xf32, #tpu.memory_space<vmem>>, vector<16xf32>,
        %add3A_651 = arith.addf %mul3A_644, %get3A_650 : vector<16xf32>
        %swap3A_652 = arith.index_cast %rem3A_222 : i32 to index
        %swap3A_653 = arith.index_cast %add3A_621 : i32 to index
        %swap3A_654 = arith.constant 0 : index
        %swap3A_655 = tpu.vector_load %arg10[%swap3A_652, %swap3A_653, %swap3A_654] {strides = array<i32>} : memref<2x128x64xf32, #tpu.memory_space<vmem>>, vector<16xf32>,
        tpu.vector_store %arg10[%swap3A_652, %swap3A_653, %swap3A_654], %add3A_651 {strides = array<i32>} : memref<2x128x64xf32, #tpu.memory_space<vmem>>, vector<16xf32>,
        %get3A_656 = arith.index_cast %rem3A_216 : i32 to index
        %get3A_657 = arith.index_cast %add3A_621 : i32 to index
        %get3A_658 = arith.constant 16 : index
        %get3A_659 = tpu.vector_load %arg9[%get3A_656, %get3A_657, %get3A_658] {strides = array<i32>} : memref<3x128x128xf32, #tpu.memory_space<vmem>>, vector<16xf32>,
        %get3A_660 = arith.index_cast %rem3A_216 : i32 to index
        %get3A_661 = arith.index_cast %add3A_621 : i32 to index
        %get3A_662 = arith.constant 80 : index
        %get3A_663 = tpu.vector_load %arg9[%get3A_660, %get3A_661, %get3A_662] {strides = array<i32>} : memref<3x128x128xf32, #tpu.memory_space<vmem>>, vector<16xf32>,
        %select_n3A_664 = arith.select %eq3A_632, %get3A_663, %get3A_659 : vector<16xi1>, vector<16xf32>
        %mul3A_665 = arith.constant 8.000000e+00 : f32
        %mul3A_666 = vector.broadcast %mul3A_665 : f32 to vector<16xf32>
        %mul3A_667 = arith.mulf %select_n3A_664, %mul3A_666 : vector<16xf32>
        %mul3A_668 = arith.constant 64 : i32
        %mul3A_669 = arith.muli %select_n3A_617, %mul3A_668 : i32
        %add3A_670 = arith.constant 16 : i32
        %add3A_671 = arith.addi %mul3A_669, %add3A_670 : i32
        %get3A_672 = arith.index_cast %add3A_671 : i32 to index
        %get3A_673 = tpu.vector_load %arg6[%get3A_672] {strides = array<i32>} : memref<12800xf32, #tpu.memory_space<vmem>>, vector<16xf32>,
        %add3A_674 = arith.addf %mul3A_667, %get3A_673 : vector<16xf32>
        %swap3A_675 = arith.index_cast %rem3A_222 : i32 to index
        %swap3A_676 = arith.index_cast %add3A_621 : i32 to index
        %swap3A_677 = arith.constant 16 : index
        %swap3A_678 = tpu.vector_load %arg10[%swap3A_675, %swap3A_676, %swap3A_677] {strides = array<i32>} : memref<2x128x64xf32, #tpu.memory_space<vmem>>, vector<16xf32>,
        tpu.vector_store %arg10[%swap3A_675, %swap3A_676, %swap3A_677], %add3A_674 {strides = array<i32>} : memref<2x128x64xf32, #tpu.memory_space<vmem>>, vector<16xf32>,
        %get3A_679 = arith.index_cast %rem3A_216 : i32 to index
        %get3A_680 = arith.index_cast %add3A_621 : i32 to index
        %get3A_681 = arith.constant 32 : index
        %get3A_682 = tpu.vector_load %arg9[%get3A_679, %get3A_680, %get3A_681] {strides = array<i32>} : memref<3x128x128xf32, #tpu.memory_space<vmem>>, vector<16xf32>,
        %get3A_683 = arith.index_cast %rem3A_216 : i32 to index
        %get3A_684 = arith.index_cast %add3A_621 : i32 to index
        %get3A_685 = arith.constant 96 : index
        %get3A_686 = tpu.vector_load %arg9[%get3A_683, %get3A_684, %get3A_685] {strides = array<i32>} : memref<3x128x128xf32, #tpu.memory_space<vmem>>, vector<16xf32>,
        %select_n3A_687 = arith.select %eq3A_632, %get3A_686, %get3A_682 : vector<16xi1>, vector<16xf32>
        %mul3A_688 = arith.constant 8.000000e+00 : f32
        %mul3A_689 = vector.broadcast %mul3A_688 : f32 to vector<16xf32>
        %mul3A_690 = arith.mulf %select_n3A_687, %mul3A_689 : vector<16xf32>
        %mul3A_691 = arith.constant 64 : i32
        %mul3A_692 = arith.muli %select_n3A_617, %mul3A_691 : i32
        %add3A_693 = arith.constant 32 : i32
        %add3A_694 = arith.addi %mul3A_692, %add3A_693 : i32
        %get3A_695 = arith.index_cast %add3A_694 : i32 to index
        %get3A_696 = tpu.vector_load %arg6[%get3A_695] {strides = array<i32>} : memref<12800xf32, #tpu.memory_space<vmem>>, vector<16xf32>,
        %add3A_697 = arith.addf %mul3A_690, %get3A_696 : vector<16xf32>
        %swap3A_698 = arith.index_cast %rem3A_222 : i32 to index
        %swap3A_699 = arith.index_cast %add3A_621 : i32 to index
        %swap3A_700 = arith.constant 32 : index
        %swap3A_701 = tpu.vector_load %arg10[%swap3A_698, %swap3A_699, %swap3A_700] {strides = array<i32>} : memref<2x128x64xf32, #tpu.memory_space<vmem>>, vector<16xf32>,
        tpu.vector_store %arg10[%swap3A_698, %swap3A_699, %swap3A_700], %add3A_697 {strides = array<i32>} : memref<2x128x64xf32, #tpu.memory_space<vmem>>, vector<16xf32>,
        %get3A_702 = arith.index_cast %rem3A_216 : i32 to index
        %get3A_703 = arith.index_cast %add3A_621 : i32 to index
        %get3A_704 = arith.constant 48 : index
        %get3A_705 = tpu.vector_load %arg9[%get3A_702, %get3A_703, %get3A_704] {strides = array<i32>} : memref<3x128x128xf32, #tpu.memory_space<vmem>>, vector<16xf32>,
        %get3A_706 = arith.index_cast %rem3A_216 : i32 to index
        %get3A_707 = arith.index_cast %add3A_621 : i32 to index
        %get3A_708 = arith.constant 112 : index
        %get3A_709 = tpu.vector_load %arg9[%get3A_706, %get3A_707, %get3A_708] {strides = array<i32>} : memref<3x128x128xf32, #tpu.memory_space<vmem>>, vector<16xf32>,
        %select_n3A_710 = arith.select %eq3A_632, %get3A_709, %get3A_705 : vector<16xi1>, vector<16xf32>
        %mul3A_711 = arith.constant 8.000000e+00 : f32
        %mul3A_712 = vector.broadcast %mul3A_711 : f32 to vector<16xf32>
        %mul3A_713 = arith.mulf %select_n3A_710, %mul3A_712 : vector<16xf32>
        %mul3A_714 = arith.constant 64 : i32
        %mul3A_715 = arith.muli %select_n3A_617, %mul3A_714 : i32
        %add3A_716 = arith.constant 48 : i32
        %add3A_717 = arith.addi %mul3A_715, %add3A_716 : i32
        %get3A_718 = arith.index_cast %add3A_717 : i32 to index
        %get3A_719 = tpu.vector_load %arg6[%get3A_718] {strides = array<i32>} : memref<12800xf32, #tpu.memory_space<vmem>>, vector<16xf32>,
        %add3A_720 = arith.addf %mul3A_713, %get3A_719 : vector<16xf32>
        %swap3A_721 = arith.index_cast %rem3A_222 : i32 to index
        %swap3A_722 = arith.index_cast %add3A_621 : i32 to index
        %swap3A_723 = arith.constant 48 : index
        %swap3A_724 = tpu.vector_load %arg10[%swap3A_721, %swap3A_722, %swap3A_723] {strides = array<i32>} : memref<2x128x64xf32, #tpu.memory_space<vmem>>, vector<16xf32>,
        tpu.vector_store %arg10[%swap3A_721, %swap3A_722, %swap3A_723], %add3A_720 {strides = array<i32>} : memref<2x128x64xf32, #tpu.memory_space<vmem>>, vector<16xf32>,
        %add3A_725 = arith.constant 1 : i32
        %add3A_726 = arith.addi %select_n3A_617, %add3A_725 : i32
        %ge3A_727 = arith.constant 200 : i32
        %ge3A_728 = arith.cmpi sge, %add3A_726, %ge3A_727 : i32
        %sub3A_729 = arith.constant 200 : i32
        %sub3A_730 = arith.subi %add3A_726, %sub3A_729 : i32
        %select_n3A_731 = arith.select %ge3A_728, %sub3A_730, %add3A_726 : i32
        %mul3A_732 = arith.constant 16 : i32
        %mul3A_733 = arith.muli %mul3A_732, %scan3A_271 : i32
        %add3A_734 = arith.constant 4 : i32
        %add3A_735 = arith.addi %mul3A_733, %add3A_734 : i32
        %broadcast_in_dim3A_736 = arith.constant 0 : i32
        %broadcast_in_dim3A_737 = vector.broadcast %broadcast_in_dim3A_736 : i32 to vector<16xi32>
        %add3A_738 = arith.constant 4 : i32
        %add3A_739 = vector.broadcast %add3A_738 : i32 to vector<16xi32>
        %add3A_740 = arith.addi %broadcast_in_dim3A_737, %add3A_739 : vector<16xi32>
        %reshape3A_741 = vector.shape_cast %add3A_740 : vector<16xi32> to vector<16x1xi32>
        %gather3A_742 = vector.shape_cast %reshape3A_741 : vector<16x1xi32> to vector<16xi32>
        %gather3A_743 = tpu.dynamic_gather %and3A_281[%gather3A_742] in [0] : vector<16xi32>, vector<16xi32> -> vector<16xi32>
        %eq3A_744 = arith.constant 1 : i32
        %eq3A_745 = vector.broadcast %eq3A_744 : i32 to vector<16xi32>
        %eq3A_746 = arith.cmpi eq, %gather3A_743, %eq3A_745 : vector<16xi32>
        %get3A_747 = arith.index_cast %rem3A_216 : i32 to index
        %get3A_748 = arith.index_cast %add3A_735 : i32 to index
        %get3A_749 = arith.constant 0 : index
        %get3A_750 = tpu.vector_load %arg9[%get3A_747, %get3A_748, %get3A_749] {strides = array<i32>} : memref<3x128x128xf32, #tpu.memory_space<vmem>>, vector<16xf32>,
        %get3A_751 = arith.index_cast %rem3A_216 : i32 to index
        %get3A_752 = arith.index_cast %add3A_735 : i32 to index
        %get3A_753 = arith.constant 64 : index
        %get3A_754 = tpu.vector_load %arg9[%get3A_751, %get3A_752, %get3A_753] {strides = array<i32>} : memref<3x128x128xf32, #tpu.memory_space<vmem>>, vector<16xf32>,
        %select_n3A_755 = arith.select %eq3A_746, %get3A_754, %get3A_750 : vector<16xi1>, vector<16xf32>
        %mul3A_756 = arith.constant 8.000000e+00 : f32
        %mul3A_757 = vector.broadcast %mul3A_756 : f32 to vector<16xf32>
        %mul3A_758 = arith.mulf %select_n3A_755, %mul3A_757 : vector<16xf32>
        %mul3A_759 = arith.constant 64 : i32
        %mul3A_760 = arith.muli %select_n3A_731, %mul3A_759 : i32
        %add3A_761 = arith.constant 0 : i32
        %add3A_762 = arith.addi %mul3A_760, %add3A_761 : i32
        %get3A_763 = arith.index_cast %add3A_762 : i32 to index
        %get3A_764 = tpu.vector_load %arg6[%get3A_763] {strides = array<i32>} : memref<12800xf32, #tpu.memory_space<vmem>>, vector<16xf32>,
        %add3A_765 = arith.addf %mul3A_758, %get3A_764 : vector<16xf32>
        %swap3A_766 = arith.index_cast %rem3A_222 : i32 to index
        %swap3A_767 = arith.index_cast %add3A_735 : i32 to index
        %swap3A_768 = arith.constant 0 : index
        %swap3A_769 = tpu.vector_load %arg10[%swap3A_766, %swap3A_767, %swap3A_768] {strides = array<i32>} : memref<2x128x64xf32, #tpu.memory_space<vmem>>, vector<16xf32>,
        tpu.vector_store %arg10[%swap3A_766, %swap3A_767, %swap3A_768], %add3A_765 {strides = array<i32>} : memref<2x128x64xf32, #tpu.memory_space<vmem>>, vector<16xf32>,
        %get3A_770 = arith.index_cast %rem3A_216 : i32 to index
        %get3A_771 = arith.index_cast %add3A_735 : i32 to index
        %get3A_772 = arith.constant 16 : index
        %get3A_773 = tpu.vector_load %arg9[%get3A_770, %get3A_771, %get3A_772] {strides = array<i32>} : memref<3x128x128xf32, #tpu.memory_space<vmem>>, vector<16xf32>,
        %get3A_774 = arith.index_cast %rem3A_216 : i32 to index
        %get3A_775 = arith.index_cast %add3A_735 : i32 to index
        %get3A_776 = arith.constant 80 : index
        %get3A_777 = tpu.vector_load %arg9[%get3A_774, %get3A_775, %get3A_776] {strides = array<i32>} : memref<3x128x128xf32, #tpu.memory_space<vmem>>, vector<16xf32>,
        %select_n3A_778 = arith.select %eq3A_746, %get3A_777, %get3A_773 : vector<16xi1>, vector<16xf32>
        %mul3A_779 = arith.constant 8.000000e+00 : f32
        %mul3A_780 = vector.broadcast %mul3A_779 : f32 to vector<16xf32>
        %mul3A_781 = arith.mulf %select_n3A_778, %mul3A_780 : vector<16xf32>
        %mul3A_782 = arith.constant 64 : i32
        %mul3A_783 = arith.muli %select_n3A_731, %mul3A_782 : i32
        %add3A_784 = arith.constant 16 : i32
        %add3A_785 = arith.addi %mul3A_783, %add3A_784 : i32
        %get3A_786 = arith.index_cast %add3A_785 : i32 to index
        %get3A_787 = tpu.vector_load %arg6[%get3A_786] {strides = array<i32>} : memref<12800xf32, #tpu.memory_space<vmem>>, vector<16xf32>,
        %add3A_788 = arith.addf %mul3A_781, %get3A_787 : vector<16xf32>
        %swap3A_789 = arith.index_cast %rem3A_222 : i32 to index
        %swap3A_790 = arith.index_cast %add3A_735 : i32 to index
        %swap3A_791 = arith.constant 16 : index
        %swap3A_792 = tpu.vector_load %arg10[%swap3A_789, %swap3A_790, %swap3A_791] {strides = array<i32>} : memref<2x128x64xf32, #tpu.memory_space<vmem>>, vector<16xf32>,
        tpu.vector_store %arg10[%swap3A_789, %swap3A_790, %swap3A_791], %add3A_788 {strides = array<i32>} : memref<2x128x64xf32, #tpu.memory_space<vmem>>, vector<16xf32>,
        %get3A_793 = arith.index_cast %rem3A_216 : i32 to index
        %get3A_794 = arith.index_cast %add3A_735 : i32 to index
        %get3A_795 = arith.constant 32 : index
        %get3A_796 = tpu.vector_load %arg9[%get3A_793, %get3A_794, %get3A_795] {strides = array<i32>} : memref<3x128x128xf32, #tpu.memory_space<vmem>>, vector<16xf32>,
        %get3A_797 = arith.index_cast %rem3A_216 : i32 to index
        %get3A_798 = arith.index_cast %add3A_735 : i32 to index
        %get3A_799 = arith.constant 96 : index
        %get3A_800 = tpu.vector_load %arg9[%get3A_797, %get3A_798, %get3A_799] {strides = array<i32>} : memref<3x128x128xf32, #tpu.memory_space<vmem>>, vector<16xf32>,
        %select_n3A_801 = arith.select %eq3A_746, %get3A_800, %get3A_796 : vector<16xi1>, vector<16xf32>
        %mul3A_802 = arith.constant 8.000000e+00 : f32
        %mul3A_803 = vector.broadcast %mul3A_802 : f32 to vector<16xf32>
        %mul3A_804 = arith.mulf %select_n3A_801, %mul3A_803 : vector<16xf32>
        %mul3A_805 = arith.constant 64 : i32
        %mul3A_806 = arith.muli %select_n3A_731, %mul3A_805 : i32
        %add3A_807 = arith.constant 32 : i32
        %add3A_808 = arith.addi %mul3A_806, %add3A_807 : i32
        %get3A_809 = arith.index_cast %add3A_808 : i32 to index
        %get3A_810 = tpu.vector_load %arg6[%get3A_809] {strides = array<i32>} : memref<12800xf32, #tpu.memory_space<vmem>>, vector<16xf32>,
        %add3A_811 = arith.addf %mul3A_804, %get3A_810 : vector<16xf32>
        %swap3A_812 = arith.index_cast %rem3A_222 : i32 to index
        %swap3A_813 = arith.index_cast %add3A_735 : i32 to index
        %swap3A_814 = arith.constant 32 : index
        %swap3A_815 = tpu.vector_load %arg10[%swap3A_812, %swap3A_813, %swap3A_814] {strides = array<i32>} : memref<2x128x64xf32, #tpu.memory_space<vmem>>, vector<16xf32>,
        tpu.vector_store %arg10[%swap3A_812, %swap3A_813, %swap3A_814], %add3A_811 {strides = array<i32>} : memref<2x128x64xf32, #tpu.memory_space<vmem>>, vector<16xf32>,
        %get3A_816 = arith.index_cast %rem3A_216 : i32 to index
        %get3A_817 = arith.index_cast %add3A_735 : i32 to index
        %get3A_818 = arith.constant 48 : index
        %get3A_819 = tpu.vector_load %arg9[%get3A_816, %get3A_817, %get3A_818] {strides = array<i32>} : memref<3x128x128xf32, #tpu.memory_space<vmem>>, vector<16xf32>,
        %get3A_820 = arith.index_cast %rem3A_216 : i32 to index
        %get3A_821 = arith.index_cast %add3A_735 : i32 to index
        %get3A_822 = arith.constant 112 : index
        %get3A_823 = tpu.vector_load %arg9[%get3A_820, %get3A_821, %get3A_822] {strides = array<i32>} : memref<3x128x128xf32, #tpu.memory_space<vmem>>, vector<16xf32>,
        %select_n3A_824 = arith.select %eq3A_746, %get3A_823, %get3A_819 : vector<16xi1>, vector<16xf32>
        %mul3A_825 = arith.constant 8.000000e+00 : f32
        %mul3A_826 = vector.broadcast %mul3A_825 : f32 to vector<16xf32>
        %mul3A_827 = arith.mulf %select_n3A_824, %mul3A_826 : vector<16xf32>
        %mul3A_828 = arith.constant 64 : i32
        %mul3A_829 = arith.muli %select_n3A_731, %mul3A_828 : i32
        %add3A_830 = arith.constant 48 : i32
        %add3A_831 = arith.addi %mul3A_829, %add3A_830 : i32
        %get3A_832 = arith.index_cast %add3A_831 : i32 to index
        %get3A_833 = tpu.vector_load %arg6[%get3A_832] {strides = array<i32>} : memref<12800xf32, #tpu.memory_space<vmem>>, vector<16xf32>,
        %add3A_834 = arith.addf %mul3A_827, %get3A_833 : vector<16xf32>
        %swap3A_835 = arith.index_cast %rem3A_222 : i32 to index
        %swap3A_836 = arith.index_cast %add3A_735 : i32 to index
        %swap3A_837 = arith.constant 48 : index
        %swap3A_838 = tpu.vector_load %arg10[%swap3A_835, %swap3A_836, %swap3A_837] {strides = array<i32>} : memref<2x128x64xf32, #tpu.memory_space<vmem>>, vector<16xf32>,
        tpu.vector_store %arg10[%swap3A_835, %swap3A_836, %swap3A_837], %add3A_834 {strides = array<i32>} : memref<2x128x64xf32, #tpu.memory_space<vmem>>, vector<16xf32>,
        %add3A_839 = arith.constant 1 : i32
        %add3A_840 = arith.addi %select_n3A_731, %add3A_839 : i32
        %ge3A_841 = arith.constant 200 : i32
        %ge3A_842 = arith.cmpi sge, %add3A_840, %ge3A_841 : i32
        %sub3A_843 = arith.constant 200 : i32
        %sub3A_844 = arith.subi %add3A_840, %sub3A_843 : i32
        %select_n3A_845 = arith.select %ge3A_842, %sub3A_844, %add3A_840 : i32
        %mul3A_846 = arith.constant 16 : i32
        %mul3A_847 = arith.muli %mul3A_846, %scan3A_271 : i32
        %add3A_848 = arith.constant 5 : i32
        %add3A_849 = arith.addi %mul3A_847, %add3A_848 : i32
        %broadcast_in_dim3A_850 = arith.constant 0 : i32
        %broadcast_in_dim3A_851 = vector.broadcast %broadcast_in_dim3A_850 : i32 to vector<16xi32>
        %add3A_852 = arith.constant 5 : i32
        %add3A_853 = vector.broadcast %add3A_852 : i32 to vector<16xi32>
        %add3A_854 = arith.addi %broadcast_in_dim3A_851, %add3A_853 : vector<16xi32>
        %reshape3A_855 = vector.shape_cast %add3A_854 : vector<16xi32> to vector<16x1xi32>
        %gather3A_856 = vector.shape_cast %reshape3A_855 : vector<16x1xi32> to vector<16xi32>
        %gather3A_857 = tpu.dynamic_gather %and3A_281[%gather3A_856] in [0] : vector<16xi32>, vector<16xi32> -> vector<16xi32>
        %eq3A_858 = arith.constant 1 : i32
        %eq3A_859 = vector.broadcast %eq3A_858 : i32 to vector<16xi32>
        %eq3A_860 = arith.cmpi eq, %gather3A_857, %eq3A_859 : vector<16xi32>
        %get3A_861 = arith.index_cast %rem3A_216 : i32 to index
        %get3A_862 = arith.index_cast %add3A_849 : i32 to index
        %get3A_863 = arith.constant 0 : index
        %get3A_864 = tpu.vector_load %arg9[%get3A_861, %get3A_862, %get3A_863] {strides = array<i32>} : memref<3x128x128xf32, #tpu.memory_space<vmem>>, vector<16xf32>,
        %get3A_865 = arith.index_cast %rem3A_216 : i32 to index
        %get3A_866 = arith.index_cast %add3A_849 : i32 to index
        %get3A_867 = arith.constant 64 : index
        %get3A_868 = tpu.vector_load %arg9[%get3A_865, %get3A_866, %get3A_867] {strides = array<i32>} : memref<3x128x128xf32, #tpu.memory_space<vmem>>, vector<16xf32>,
        %select_n3A_869 = arith.select %eq3A_860, %get3A_868, %get3A_864 : vector<16xi1>, vector<16xf32>
        %mul3A_870 = arith.constant 8.000000e+00 : f32
        %mul3A_871 = vector.broadcast %mul3A_870 : f32 to vector<16xf32>
        %mul3A_872 = arith.mulf %select_n3A_869, %mul3A_871 : vector<16xf32>
        %mul3A_873 = arith.constant 64 : i32
        %mul3A_874 = arith.muli %select_n3A_845, %mul3A_873 : i32
        %add3A_875 = arith.constant 0 : i32
        %add3A_876 = arith.addi %mul3A_874, %add3A_875 : i32
        %get3A_877 = arith.index_cast %add3A_876 : i32 to index
        %get3A_878 = tpu.vector_load %arg6[%get3A_877] {strides = array<i32>} : memref<12800xf32, #tpu.memory_space<vmem>>, vector<16xf32>,
        %add3A_879 = arith.addf %mul3A_872, %get3A_878 : vector<16xf32>
        %swap3A_880 = arith.index_cast %rem3A_222 : i32 to index
        %swap3A_881 = arith.index_cast %add3A_849 : i32 to index
        %swap3A_882 = arith.constant 0 : index
        %swap3A_883 = tpu.vector_load %arg10[%swap3A_880, %swap3A_881, %swap3A_882] {strides = array<i32>} : memref<2x128x64xf32, #tpu.memory_space<vmem>>, vector<16xf32>,
        tpu.vector_store %arg10[%swap3A_880, %swap3A_881, %swap3A_882], %add3A_879 {strides = array<i32>} : memref<2x128x64xf32, #tpu.memory_space<vmem>>, vector<16xf32>,
        %get3A_884 = arith.index_cast %rem3A_216 : i32 to index
        %get3A_885 = arith.index_cast %add3A_849 : i32 to index
        %get3A_886 = arith.constant 16 : index
        %get3A_887 = tpu.vector_load %arg9[%get3A_884, %get3A_885, %get3A_886] {strides = array<i32>} : memref<3x128x128xf32, #tpu.memory_space<vmem>>, vector<16xf32>,
        %get3A_888 = arith.index_cast %rem3A_216 : i32 to index
        %get3A_889 = arith.index_cast %add3A_849 : i32 to index
        %get3A_890 = arith.constant 80 : index
        %get3A_891 = tpu.vector_load %arg9[%get3A_888, %get3A_889, %get3A_890] {strides = array<i32>} : memref<3x128x128xf32, #tpu.memory_space<vmem>>, vector<16xf32>,
        %select_n3A_892 = arith.select %eq3A_860, %get3A_891, %get3A_887 : vector<16xi1>, vector<16xf32>
        %mul3A_893 = arith.constant 8.000000e+00 : f32
        %mul3A_894 = vector.broadcast %mul3A_893 : f32 to vector<16xf32>
        %mul3A_895 = arith.mulf %select_n3A_892, %mul3A_894 : vector<16xf32>
        %mul3A_896 = arith.constant 64 : i32
        %mul3A_897 = arith.muli %select_n3A_845, %mul3A_896 : i32
        %add3A_898 = arith.constant 16 : i32
        %add3A_899 = arith.addi %mul3A_897, %add3A_898 : i32
        %get3A_900 = arith.index_cast %add3A_899 : i32 to index
        %get3A_901 = tpu.vector_load %arg6[%get3A_900] {strides = array<i32>} : memref<12800xf32, #tpu.memory_space<vmem>>, vector<16xf32>,
        %add3A_902 = arith.addf %mul3A_895, %get3A_901 : vector<16xf32>
        %swap3A_903 = arith.index_cast %rem3A_222 : i32 to index
        %swap3A_904 = arith.index_cast %add3A_849 : i32 to index
        %swap3A_905 = arith.constant 16 : index
        %swap3A_906 = tpu.vector_load %arg10[%swap3A_903, %swap3A_904, %swap3A_905] {strides = array<i32>} : memref<2x128x64xf32, #tpu.memory_space<vmem>>, vector<16xf32>,
        tpu.vector_store %arg10[%swap3A_903, %swap3A_904, %swap3A_905], %add3A_902 {strides = array<i32>} : memref<2x128x64xf32, #tpu.memory_space<vmem>>, vector<16xf32>,
        %get3A_907 = arith.index_cast %rem3A_216 : i32 to index
        %get3A_908 = arith.index_cast %add3A_849 : i32 to index
        %get3A_909 = arith.constant 32 : index
        %get3A_910 = tpu.vector_load %arg9[%get3A_907, %get3A_908, %get3A_909] {strides = array<i32>} : memref<3x128x128xf32, #tpu.memory_space<vmem>>, vector<16xf32>,
        %get3A_911 = arith.index_cast %rem3A_216 : i32 to index
        %get3A_912 = arith.index_cast %add3A_849 : i32 to index
        %get3A_913 = arith.constant 96 : index
        %get3A_914 = tpu.vector_load %arg9[%get3A_911, %get3A_912, %get3A_913] {strides = array<i32>} : memref<3x128x128xf32, #tpu.memory_space<vmem>>, vector<16xf32>,
        %select_n3A_915 = arith.select %eq3A_860, %get3A_914, %get3A_910 : vector<16xi1>, vector<16xf32>
        %mul3A_916 = arith.constant 8.000000e+00 : f32
        %mul3A_917 = vector.broadcast %mul3A_916 : f32 to vector<16xf32>
        %mul3A_918 = arith.mulf %select_n3A_915, %mul3A_917 : vector<16xf32>
        %mul3A_919 = arith.constant 64 : i32
        %mul3A_920 = arith.muli %select_n3A_845, %mul3A_919 : i32
        %add3A_921 = arith.constant 32 : i32
        %add3A_922 = arith.addi %mul3A_920, %add3A_921 : i32
        %get3A_923 = arith.index_cast %add3A_922 : i32 to index
        %get3A_924 = tpu.vector_load %arg6[%get3A_923] {strides = array<i32>} : memref<12800xf32, #tpu.memory_space<vmem>>, vector<16xf32>,
        %add3A_925 = arith.addf %mul3A_918, %get3A_924 : vector<16xf32>
        %swap3A_926 = arith.index_cast %rem3A_222 : i32 to index
        %swap3A_927 = arith.index_cast %add3A_849 : i32 to index
        %swap3A_928 = arith.constant 32 : index
        %swap3A_929 = tpu.vector_load %arg10[%swap3A_926, %swap3A_927, %swap3A_928] {strides = array<i32>} : memref<2x128x64xf32, #tpu.memory_space<vmem>>, vector<16xf32>,
        tpu.vector_store %arg10[%swap3A_926, %swap3A_927, %swap3A_928], %add3A_925 {strides = array<i32>} : memref<2x128x64xf32, #tpu.memory_space<vmem>>, vector<16xf32>,
        %get3A_930 = arith.index_cast %rem3A_216 : i32 to index
        %get3A_931 = arith.index_cast %add3A_849 : i32 to index
        %get3A_932 = arith.constant 48 : index
        %get3A_933 = tpu.vector_load %arg9[%get3A_930, %get3A_931, %get3A_932] {strides = array<i32>} : memref<3x128x128xf32, #tpu.memory_space<vmem>>, vector<16xf32>,
        %get3A_934 = arith.index_cast %rem3A_216 : i32 to index
        %get3A_935 = arith.index_cast %add3A_849 : i32 to index
        %get3A_936 = arith.constant 112 : index
        %get3A_937 = tpu.vector_load %arg9[%get3A_934, %get3A_935, %get3A_936] {strides = array<i32>} : memref<3x128x128xf32, #tpu.memory_space<vmem>>, vector<16xf32>,
        %select_n3A_938 = arith.select %eq3A_860, %get3A_937, %get3A_933 : vector<16xi1>, vector<16xf32>
        %mul3A_939 = arith.constant 8.000000e+00 : f32
        %mul3A_940 = vector.broadcast %mul3A_939 : f32 to vector<16xf32>
        %mul3A_941 = arith.mulf %select_n3A_938, %mul3A_940 : vector<16xf32>
        %mul3A_942 = arith.constant 64 : i32
        %mul3A_943 = arith.muli %select_n3A_845, %mul3A_942 : i32
        %add3A_944 = arith.constant 48 : i32
        %add3A_945 = arith.addi %mul3A_943, %add3A_944 : i32
        %get3A_946 = arith.index_cast %add3A_945 : i32 to index
        %get3A_947 = tpu.vector_load %arg6[%get3A_946] {strides = array<i32>} : memref<12800xf32, #tpu.memory_space<vmem>>, vector<16xf32>,
        %add3A_948 = arith.addf %mul3A_941, %get3A_947 : vector<16xf32>
        %swap3A_949 = arith.index_cast %rem3A_222 : i32 to index
        %swap3A_950 = arith.index_cast %add3A_849 : i32 to index
        %swap3A_951 = arith.constant 48 : index
        %swap3A_952 = tpu.vector_load %arg10[%swap3A_949, %swap3A_950, %swap3A_951] {strides = array<i32>} : memref<2x128x64xf32, #tpu.memory_space<vmem>>, vector<16xf32>,
        tpu.vector_store %arg10[%swap3A_949, %swap3A_950, %swap3A_951], %add3A_948 {strides = array<i32>} : memref<2x128x64xf32, #tpu.memory_space<vmem>>, vector<16xf32>,
        %add3A_953 = arith.constant 1 : i32
        %add3A_954 = arith.addi %select_n3A_845, %add3A_953 : i32
        %ge3A_955 = arith.constant 200 : i32
        %ge3A_956 = arith.cmpi sge, %add3A_954, %ge3A_955 : i32
        %sub3A_957 = arith.constant 200 : i32
        %sub3A_958 = arith.subi %add3A_954, %sub3A_957 : i32
        %select_n3A_959 = arith.select %ge3A_956, %sub3A_958, %add3A_954 : i32
        %mul3A_960 = arith.constant 16 : i32
        %mul3A_961 = arith.muli %mul3A_960, %scan3A_271 : i32
        %add3A_962 = arith.constant 6 : i32
        %add3A_963 = arith.addi %mul3A_961, %add3A_962 : i32
        %broadcast_in_dim3A_964 = arith.constant 0 : i32
        %broadcast_in_dim3A_965 = vector.broadcast %broadcast_in_dim3A_964 : i32 to vector<16xi32>
        %add3A_966 = arith.constant 6 : i32
        %add3A_967 = vector.broadcast %add3A_966 : i32 to vector<16xi32>
        %add3A_968 = arith.addi %broadcast_in_dim3A_965, %add3A_967 : vector<16xi32>
        %reshape3A_969 = vector.shape_cast %add3A_968 : vector<16xi32> to vector<16x1xi32>
        %gather3A_970 = vector.shape_cast %reshape3A_969 : vector<16x1xi32> to vector<16xi32>
        %gather3A_971 = tpu.dynamic_gather %and3A_281[%gather3A_970] in [0] : vector<16xi32>, vector<16xi32> -> vector<16xi32>
        %eq3A_972 = arith.constant 1 : i32
        %eq3A_973 = vector.broadcast %eq3A_972 : i32 to vector<16xi32>
        %eq3A_974 = arith.cmpi eq, %gather3A_971, %eq3A_973 : vector<16xi32>
        %get3A_975 = arith.index_cast %rem3A_216 : i32 to index
        %get3A_976 = arith.index_cast %add3A_963 : i32 to index
        %get3A_977 = arith.constant 0 : index
        %get3A_978 = tpu.vector_load %arg9[%get3A_975, %get3A_976, %get3A_977] {strides = array<i32>} : memref<3x128x128xf32, #tpu.memory_space<vmem>>, vector<16xf32>,
        %get3A_979 = arith.index_cast %rem3A_216 : i32 to index
        %get3A_980 = arith.index_cast %add3A_963 : i32 to index
        %get3A_981 = arith.constant 64 : index
        %get3A_982 = tpu.vector_load %arg9[%get3A_979, %get3A_980, %get3A_981] {strides = array<i32>} : memref<3x128x128xf32, #tpu.memory_space<vmem>>, vector<16xf32>,
        %select_n3A_983 = arith.select %eq3A_974, %get3A_982, %get3A_978 : vector<16xi1>, vector<16xf32>
        %mul3A_984 = arith.constant 8.000000e+00 : f32
        %mul3A_985 = vector.broadcast %mul3A_984 : f32 to vector<16xf32>
        %mul3A_986 = arith.mulf %select_n3A_983, %mul3A_985 : vector<16xf32>
        %mul3A_987 = arith.constant 64 : i32
        %mul3A_988 = arith.muli %select_n3A_959, %mul3A_987 : i32
        %add3A_989 = arith.constant 0 : i32
        %add3A_990 = arith.addi %mul3A_988, %add3A_989 : i32
        %get3A_991 = arith.index_cast %add3A_990 : i32 to index
        %get3A_992 = tpu.vector_load %arg6[%get3A_991] {strides = array<i32>} : memref<12800xf32, #tpu.memory_space<vmem>>, vector<16xf32>,
        %add3A_993 = arith.addf %mul3A_986, %get3A_992 : vector<16xf32>
        %swap3A_994 = arith.index_cast %rem3A_222 : i32 to index
        %swap3A_995 = arith.index_cast %add3A_963 : i32 to index
        %swap3A_996 = arith.constant 0 : index
        %swap3A_997 = tpu.vector_load %arg10[%swap3A_994, %swap3A_995, %swap3A_996] {strides = array<i32>} : memref<2x128x64xf32, #tpu.memory_space<vmem>>, vector<16xf32>,
        tpu.vector_store %arg10[%swap3A_994, %swap3A_995, %swap3A_996], %add3A_993 {strides = array<i32>} : memref<2x128x64xf32, #tpu.memory_space<vmem>>, vector<16xf32>,
        %get3A_998 = arith.index_cast %rem3A_216 : i32 to index
        %get3A_999 = arith.index_cast %add3A_963 : i32 to index
        %get3A_1000 = arith.constant 16 : index
        %get3A_1001 = tpu.vector_load %arg9[%get3A_998, %get3A_999, %get3A_1000] {strides = array<i32>} : memref<3x128x128xf32, #tpu.memory_space<vmem>>, vector<16xf32>,
        %get3A_1002 = arith.index_cast %rem3A_216 : i32 to index
        %get3A_1003 = arith.index_cast %add3A_963 : i32 to index
        %get3A_1004 = arith.constant 80 : index
        %get3A_1005 = tpu.vector_load %arg9[%get3A_1002, %get3A_1003, %get3A_1004] {strides = array<i32>} : memref<3x128x128xf32, #tpu.memory_space<vmem>>, vector<16xf32>,
        %select_n3A_1006 = arith.select %eq3A_974, %get3A_1005, %get3A_1001 : vector<16xi1>, vector<16xf32>
        %mul3A_1007 = arith.constant 8.000000e+00 : f32
        %mul3A_1008 = vector.broadcast %mul3A_1007 : f32 to vector<16xf32>
        %mul3A_1009 = arith.mulf %select_n3A_1006, %mul3A_1008 : vector<16xf32>
        %mul3A_1010 = arith.constant 64 : i32
        %mul3A_1011 = arith.muli %select_n3A_959, %mul3A_1010 : i32
        %add3A_1012 = arith.constant 16 : i32
        %add3A_1013 = arith.addi %mul3A_1011, %add3A_1012 : i32
        %get3A_1014 = arith.index_cast %add3A_1013 : i32 to index
        %get3A_1015 = tpu.vector_load %arg6[%get3A_1014] {strides = array<i32>} : memref<12800xf32, #tpu.memory_space<vmem>>, vector<16xf32>,
        %add3A_1016 = arith.addf %mul3A_1009, %get3A_1015 : vector<16xf32>
        %swap3A_1017 = arith.index_cast %rem3A_222 : i32 to index
        %swap3A_1018 = arith.index_cast %add3A_963 : i32 to index
        %swap3A_1019 = arith.constant 16 : index
        %swap3A_1020 = tpu.vector_load %arg10[%swap3A_1017, %swap3A_1018, %swap3A_1019] {strides = array<i32>} : memref<2x128x64xf32, #tpu.memory_space<vmem>>, vector<16xf32>,
        tpu.vector_store %arg10[%swap3A_1017, %swap3A_1018, %swap3A_1019], %add3A_1016 {strides = array<i32>} : memref<2x128x64xf32, #tpu.memory_space<vmem>>, vector<16xf32>,
        %get3A_1021 = arith.index_cast %rem3A_216 : i32 to index
        %get3A_1022 = arith.index_cast %add3A_963 : i32 to index
        %get3A_1023 = arith.constant 32 : index
        %get3A_1024 = tpu.vector_load %arg9[%get3A_1021, %get3A_1022, %get3A_1023] {strides = array<i32>} : memref<3x128x128xf32, #tpu.memory_space<vmem>>, vector<16xf32>,
        %get3A_1025 = arith.index_cast %rem3A_216 : i32 to index
        %get3A_1026 = arith.index_cast %add3A_963 : i32 to index
        %get3A_1027 = arith.constant 96 : index
        %get3A_1028 = tpu.vector_load %arg9[%get3A_1025, %get3A_1026, %get3A_1027] {strides = array<i32>} : memref<3x128x128xf32, #tpu.memory_space<vmem>>, vector<16xf32>,
        %select_n3A_1029 = arith.select %eq3A_974, %get3A_1028, %get3A_1024 : vector<16xi1>, vector<16xf32>
        %mul3A_1030 = arith.constant 8.000000e+00 : f32
        %mul3A_1031 = vector.broadcast %mul3A_1030 : f32 to vector<16xf32>
        %mul3A_1032 = arith.mulf %select_n3A_1029, %mul3A_1031 : vector<16xf32>
        %mul3A_1033 = arith.constant 64 : i32
        %mul3A_1034 = arith.muli %select_n3A_959, %mul3A_1033 : i32
        %add3A_1035 = arith.constant 32 : i32
        %add3A_1036 = arith.addi %mul3A_1034, %add3A_1035 : i32
        %get3A_1037 = arith.index_cast %add3A_1036 : i32 to index
        %get3A_1038 = tpu.vector_load %arg6[%get3A_1037] {strides = array<i32>} : memref<12800xf32, #tpu.memory_space<vmem>>, vector<16xf32>,
        %add3A_1039 = arith.addf %mul3A_1032, %get3A_1038 : vector<16xf32>
        %swap3A_1040 = arith.index_cast %rem3A_222 : i32 to index
        %swap3A_1041 = arith.index_cast %add3A_963 : i32 to index
        %swap3A_1042 = arith.constant 32 : index
        %swap3A_1043 = tpu.vector_load %arg10[%swap3A_1040, %swap3A_1041, %swap3A_1042] {strides = array<i32>} : memref<2x128x64xf32, #tpu.memory_space<vmem>>, vector<16xf32>,
        tpu.vector_store %arg10[%swap3A_1040, %swap3A_1041, %swap3A_1042], %add3A_1039 {strides = array<i32>} : memref<2x128x64xf32, #tpu.memory_space<vmem>>, vector<16xf32>,
        %get3A_1044 = arith.index_cast %rem3A_216 : i32 to index
        %get3A_1045 = arith.index_cast %add3A_963 : i32 to index
        %get3A_1046 = arith.constant 48 : index
        %get3A_1047 = tpu.vector_load %arg9[%get3A_1044, %get3A_1045, %get3A_1046] {strides = array<i32>} : memref<3x128x128xf32, #tpu.memory_space<vmem>>, vector<16xf32>,
        %get3A_1048 = arith.index_cast %rem3A_216 : i32 to index
        %get3A_1049 = arith.index_cast %add3A_963 : i32 to index
        %get3A_1050 = arith.constant 112 : index
        %get3A_1051 = tpu.vector_load %arg9[%get3A_1048, %get3A_1049, %get3A_1050] {strides = array<i32>} : memref<3x128x128xf32, #tpu.memory_space<vmem>>, vector<16xf32>,
        %select_n3A_1052 = arith.select %eq3A_974, %get3A_1051, %get3A_1047 : vector<16xi1>, vector<16xf32>
        %mul3A_1053 = arith.constant 8.000000e+00 : f32
        %mul3A_1054 = vector.broadcast %mul3A_1053 : f32 to vector<16xf32>
        %mul3A_1055 = arith.mulf %select_n3A_1052, %mul3A_1054 : vector<16xf32>
        %mul3A_1056 = arith.constant 64 : i32
        %mul3A_1057 = arith.muli %select_n3A_959, %mul3A_1056 : i32
        %add3A_1058 = arith.constant 48 : i32
        %add3A_1059 = arith.addi %mul3A_1057, %add3A_1058 : i32
        %get3A_1060 = arith.index_cast %add3A_1059 : i32 to index
        %get3A_1061 = tpu.vector_load %arg6[%get3A_1060] {strides = array<i32>} : memref<12800xf32, #tpu.memory_space<vmem>>, vector<16xf32>,
        %add3A_1062 = arith.addf %mul3A_1055, %get3A_1061 : vector<16xf32>
        %swap3A_1063 = arith.index_cast %rem3A_222 : i32 to index
        %swap3A_1064 = arith.index_cast %add3A_963 : i32 to index
        %swap3A_1065 = arith.constant 48 : index
        %swap3A_1066 = tpu.vector_load %arg10[%swap3A_1063, %swap3A_1064, %swap3A_1065] {strides = array<i32>} : memref<2x128x64xf32, #tpu.memory_space<vmem>>, vector<16xf32>,
        tpu.vector_store %arg10[%swap3A_1063, %swap3A_1064, %swap3A_1065], %add3A_1062 {strides = array<i32>} : memref<2x128x64xf32, #tpu.memory_space<vmem>>, vector<16xf32>,
        %add3A_1067 = arith.constant 1 : i32
        %add3A_1068 = arith.addi %select_n3A_959, %add3A_1067 : i32
        %ge3A_1069 = arith.constant 200 : i32
        %ge3A_1070 = arith.cmpi sge, %add3A_1068, %ge3A_1069 : i32
        %sub3A_1071 = arith.constant 200 : i32
        %sub3A_1072 = arith.subi %add3A_1068, %sub3A_1071 : i32
        %select_n3A_1073 = arith.select %ge3A_1070, %sub3A_1072, %add3A_1068 : i32
        %mul3A_1074 = arith.constant 16 : i32
        %mul3A_1075 = arith.muli %mul3A_1074, %scan3A_271 : i32
        %add3A_1076 = arith.constant 7 : i32
        %add3A_1077 = arith.addi %mul3A_1075, %add3A_1076 : i32
        %broadcast_in_dim3A_1078 = arith.constant 0 : i32
        %broadcast_in_dim3A_1079 = vector.broadcast %broadcast_in_dim3A_1078 : i32 to vector<16xi32>
        %add3A_1080 = arith.constant 7 : i32
        %add3A_1081 = vector.broadcast %add3A_1080 : i32 to vector<16xi32>
        %add3A_1082 = arith.addi %broadcast_in_dim3A_1079, %add3A_1081 : vector<16xi32>
        %reshape3A_1083 = vector.shape_cast %add3A_1082 : vector<16xi32> to vector<16x1xi32>
        %gather3A_1084 = vector.shape_cast %reshape3A_1083 : vector<16x1xi32> to vector<16xi32>
        %gather3A_1085 = tpu.dynamic_gather %and3A_281[%gather3A_1084] in [0] : vector<16xi32>, vector<16xi32> -> vector<16xi32>
        %eq3A_1086 = arith.constant 1 : i32
        %eq3A_1087 = vector.broadcast %eq3A_1086 : i32 to vector<16xi32>
        %eq3A_1088 = arith.cmpi eq, %gather3A_1085, %eq3A_1087 : vector<16xi32>
        %get3A_1089 = arith.index_cast %rem3A_216 : i32 to index
        %get3A_1090 = arith.index_cast %add3A_1077 : i32 to index
        %get3A_1091 = arith.constant 0 : index
        %get3A_1092 = tpu.vector_load %arg9[%get3A_1089, %get3A_1090, %get3A_1091] {strides = array<i32>} : memref<3x128x128xf32, #tpu.memory_space<vmem>>, vector<16xf32>,
        %get3A_1093 = arith.index_cast %rem3A_216 : i32 to index
        %get3A_1094 = arith.index_cast %add3A_1077 : i32 to index
        %get3A_1095 = arith.constant 64 : index
        %get3A_1096 = tpu.vector_load %arg9[%get3A_1093, %get3A_1094, %get3A_1095] {strides = array<i32>} : memref<3x128x128xf32, #tpu.memory_space<vmem>>, vector<16xf32>,
        %select_n3A_1097 = arith.select %eq3A_1088, %get3A_1096, %get3A_1092 : vector<16xi1>, vector<16xf32>
        %mul3A_1098 = arith.constant 8.000000e+00 : f32
        %mul3A_1099 = vector.broadcast %mul3A_1098 : f32 to vector<16xf32>
        %mul3A_1100 = arith.mulf %select_n3A_1097, %mul3A_1099 : vector<16xf32>
        %mul3A_1101 = arith.constant 64 : i32
        %mul3A_1102 = arith.muli %select_n3A_1073, %mul3A_1101 : i32
        %add3A_1103 = arith.constant 0 : i32
        %add3A_1104 = arith.addi %mul3A_1102, %add3A_1103 : i32
        %get3A_1105 = arith.index_cast %add3A_1104 : i32 to index
        %get3A_1106 = tpu.vector_load %arg6[%get3A_1105] {strides = array<i32>} : memref<12800xf32, #tpu.memory_space<vmem>>, vector<16xf32>,
        %add3A_1107 = arith.addf %mul3A_1100, %get3A_1106 : vector<16xf32>
        %swap3A_1108 = arith.index_cast %rem3A_222 : i32 to index
        %swap3A_1109 = arith.index_cast %add3A_1077 : i32 to index
        %swap3A_1110 = arith.constant 0 : index
        %swap3A_1111 = tpu.vector_load %arg10[%swap3A_1108, %swap3A_1109, %swap3A_1110] {strides = array<i32>} : memref<2x128x64xf32, #tpu.memory_space<vmem>>, vector<16xf32>,
        tpu.vector_store %arg10[%swap3A_1108, %swap3A_1109, %swap3A_1110], %add3A_1107 {strides = array<i32>} : memref<2x128x64xf32, #tpu.memory_space<vmem>>, vector<16xf32>,
        %get3A_1112 = arith.index_cast %rem3A_216 : i32 to index
        %get3A_1113 = arith.index_cast %add3A_1077 : i32 to index
        %get3A_1114 = arith.constant 16 : index
        %get3A_1115 = tpu.vector_load %arg9[%get3A_1112, %get3A_1113, %get3A_1114] {strides = array<i32>} : memref<3x128x128xf32, #tpu.memory_space<vmem>>, vector<16xf32>,
        %get3A_1116 = arith.index_cast %rem3A_216 : i32 to index
        %get3A_1117 = arith.index_cast %add3A_1077 : i32 to index
        %get3A_1118 = arith.constant 80 : index
        %get3A_1119 = tpu.vector_load %arg9[%get3A_1116, %get3A_1117, %get3A_1118] {strides = array<i32>} : memref<3x128x128xf32, #tpu.memory_space<vmem>>, vector<16xf32>,
        %select_n3A_1120 = arith.select %eq3A_1088, %get3A_1119, %get3A_1115 : vector<16xi1>, vector<16xf32>
        %mul3A_1121 = arith.constant 8.000000e+00 : f32
        %mul3A_1122 = vector.broadcast %mul3A_1121 : f32 to vector<16xf32>
        %mul3A_1123 = arith.mulf %select_n3A_1120, %mul3A_1122 : vector<16xf32>
        %mul3A_1124 = arith.constant 64 : i32
        %mul3A_1125 = arith.muli %select_n3A_1073, %mul3A_1124 : i32
        %add3A_1126 = arith.constant 16 : i32
        %add3A_1127 = arith.addi %mul3A_1125, %add3A_1126 : i32
        %get3A_1128 = arith.index_cast %add3A_1127 : i32 to index
        %get3A_1129 = tpu.vector_load %arg6[%get3A_1128] {strides = array<i32>} : memref<12800xf32, #tpu.memory_space<vmem>>, vector<16xf32>,
        %add3A_1130 = arith.addf %mul3A_1123, %get3A_1129 : vector<16xf32>
        %swap3A_1131 = arith.index_cast %rem3A_222 : i32 to index
        %swap3A_1132 = arith.index_cast %add3A_1077 : i32 to index
        %swap3A_1133 = arith.constant 16 : index
        %swap3A_1134 = tpu.vector_load %arg10[%swap3A_1131, %swap3A_1132, %swap3A_1133] {strides = array<i32>} : memref<2x128x64xf32, #tpu.memory_space<vmem>>, vector<16xf32>,
        tpu.vector_store %arg10[%swap3A_1131, %swap3A_1132, %swap3A_1133], %add3A_1130 {strides = array<i32>} : memref<2x128x64xf32, #tpu.memory_space<vmem>>, vector<16xf32>,
        %get3A_1135 = arith.index_cast %rem3A_216 : i32 to index
        %get3A_1136 = arith.index_cast %add3A_1077 : i32 to index
        %get3A_1137 = arith.constant 32 : index
        %get3A_1138 = tpu.vector_load %arg9[%get3A_1135, %get3A_1136, %get3A_1137] {strides = array<i32>} : memref<3x128x128xf32, #tpu.memory_space<vmem>>, vector<16xf32>,
        %get3A_1139 = arith.index_cast %rem3A_216 : i32 to index
        %get3A_1140 = arith.index_cast %add3A_1077 : i32 to index
        %get3A_1141 = arith.constant 96 : index
        %get3A_1142 = tpu.vector_load %arg9[%get3A_1139, %get3A_1140, %get3A_1141] {strides = array<i32>} : memref<3x128x128xf32, #tpu.memory_space<vmem>>, vector<16xf32>,
        %select_n3A_1143 = arith.select %eq3A_1088, %get3A_1142, %get3A_1138 : vector<16xi1>, vector<16xf32>
        %mul3A_1144 = arith.constant 8.000000e+00 : f32
        %mul3A_1145 = vector.broadcast %mul3A_1144 : f32 to vector<16xf32>
        %mul3A_1146 = arith.mulf %select_n3A_1143, %mul3A_1145 : vector<16xf32>
        %mul3A_1147 = arith.constant 64 : i32
        %mul3A_1148 = arith.muli %select_n3A_1073, %mul3A_1147 : i32
        %add3A_1149 = arith.constant 32 : i32
        %add3A_1150 = arith.addi %mul3A_1148, %add3A_1149 : i32
        %get3A_1151 = arith.index_cast %add3A_1150 : i32 to index
        %get3A_1152 = tpu.vector_load %arg6[%get3A_1151] {strides = array<i32>} : memref<12800xf32, #tpu.memory_space<vmem>>, vector<16xf32>,
        %add3A_1153 = arith.addf %mul3A_1146, %get3A_1152 : vector<16xf32>
        %swap3A_1154 = arith.index_cast %rem3A_222 : i32 to index
        %swap3A_1155 = arith.index_cast %add3A_1077 : i32 to index
        %swap3A_1156 = arith.constant 32 : index
        %swap3A_1157 = tpu.vector_load %arg10[%swap3A_1154, %swap3A_1155, %swap3A_1156] {strides = array<i32>} : memref<2x128x64xf32, #tpu.memory_space<vmem>>, vector<16xf32>,
        tpu.vector_store %arg10[%swap3A_1154, %swap3A_1155, %swap3A_1156], %add3A_1153 {strides = array<i32>} : memref<2x128x64xf32, #tpu.memory_space<vmem>>, vector<16xf32>,
        %get3A_1158 = arith.index_cast %rem3A_216 : i32 to index
        %get3A_1159 = arith.index_cast %add3A_1077 : i32 to index
        %get3A_1160 = arith.constant 48 : index
        %get3A_1161 = tpu.vector_load %arg9[%get3A_1158, %get3A_1159, %get3A_1160] {strides = array<i32>} : memref<3x128x128xf32, #tpu.memory_space<vmem>>, vector<16xf32>,
        %get3A_1162 = arith.index_cast %rem3A_216 : i32 to index
        %get3A_1163 = arith.index_cast %add3A_1077 : i32 to index
        %get3A_1164 = arith.constant 112 : index
        %get3A_1165 = tpu.vector_load %arg9[%get3A_1162, %get3A_1163, %get3A_1164] {strides = array<i32>} : memref<3x128x128xf32, #tpu.memory_space<vmem>>, vector<16xf32>,
        %select_n3A_1166 = arith.select %eq3A_1088, %get3A_1165, %get3A_1161 : vector<16xi1>, vector<16xf32>
        %mul3A_1167 = arith.constant 8.000000e+00 : f32
        %mul3A_1168 = vector.broadcast %mul3A_1167 : f32 to vector<16xf32>
        %mul3A_1169 = arith.mulf %select_n3A_1166, %mul3A_1168 : vector<16xf32>
        %mul3A_1170 = arith.constant 64 : i32
        %mul3A_1171 = arith.muli %select_n3A_1073, %mul3A_1170 : i32
        %add3A_1172 = arith.constant 48 : i32
        %add3A_1173 = arith.addi %mul3A_1171, %add3A_1172 : i32
        %get3A_1174 = arith.index_cast %add3A_1173 : i32 to index
        %get3A_1175 = tpu.vector_load %arg6[%get3A_1174] {strides = array<i32>} : memref<12800xf32, #tpu.memory_space<vmem>>, vector<16xf32>,
        %add3A_1176 = arith.addf %mul3A_1169, %get3A_1175 : vector<16xf32>
        %swap3A_1177 = arith.index_cast %rem3A_222 : i32 to index
        %swap3A_1178 = arith.index_cast %add3A_1077 : i32 to index
        %swap3A_1179 = arith.constant 48 : index
        %swap3A_1180 = tpu.vector_load %arg10[%swap3A_1177, %swap3A_1178, %swap3A_1179] {strides = array<i32>} : memref<2x128x64xf32, #tpu.memory_space<vmem>>, vector<16xf32>,
        tpu.vector_store %arg10[%swap3A_1177, %swap3A_1178, %swap3A_1179], %add3A_1176 {strides = array<i32>} : memref<2x128x64xf32, #tpu.memory_space<vmem>>, vector<16xf32>,
        %add3A_1181 = arith.constant 1 : i32
        %add3A_1182 = arith.addi %select_n3A_1073, %add3A_1181 : i32
        %ge3A_1183 = arith.constant 200 : i32
        %ge3A_1184 = arith.cmpi sge, %add3A_1182, %ge3A_1183 : i32
        %sub3A_1185 = arith.constant 200 : i32
        %sub3A_1186 = arith.subi %add3A_1182, %sub3A_1185 : i32
        %select_n3A_1187 = arith.select %ge3A_1184, %sub3A_1186, %add3A_1182 : i32
        %mul3A_1188 = arith.constant 16 : i32
        %mul3A_1189 = arith.muli %mul3A_1188, %scan3A_271 : i32
        %add3A_1190 = arith.constant 8 : i32
        %add3A_1191 = arith.addi %mul3A_1189, %add3A_1190 : i32
        %broadcast_in_dim3A_1192 = arith.constant 0 : i32
        %broadcast_in_dim3A_1193 = vector.broadcast %broadcast_in_dim3A_1192 : i32 to vector<16xi32>
        %add3A_1194 = arith.constant 8 : i32
        %add3A_1195 = vector.broadcast %add3A_1194 : i32 to vector<16xi32>
        %add3A_1196 = arith.addi %broadcast_in_dim3A_1193, %add3A_1195 : vector<16xi32>
        %reshape3A_1197 = vector.shape_cast %add3A_1196 : vector<16xi32> to vector<16x1xi32>
        %gather3A_1198 = vector.shape_cast %reshape3A_1197 : vector<16x1xi32> to vector<16xi32>
        %gather3A_1199 = tpu.dynamic_gather %and3A_281[%gather3A_1198] in [0] : vector<16xi32>, vector<16xi32> -> vector<16xi32>
        %eq3A_1200 = arith.constant 1 : i32
        %eq3A_1201 = vector.broadcast %eq3A_1200 : i32 to vector<16xi32>
        %eq3A_1202 = arith.cmpi eq, %gather3A_1199, %eq3A_1201 : vector<16xi32>
        %get3A_1203 = arith.index_cast %rem3A_216 : i32 to index
        %get3A_1204 = arith.index_cast %add3A_1191 : i32 to index
        %get3A_1205 = arith.constant 0 : index
        %get3A_1206 = tpu.vector_load %arg9[%get3A_1203, %get3A_1204, %get3A_1205] {strides = array<i32>} : memref<3x128x128xf32, #tpu.memory_space<vmem>>, vector<16xf32>,
        %get3A_1207 = arith.index_cast %rem3A_216 : i32 to index
        %get3A_1208 = arith.index_cast %add3A_1191 : i32 to index
        %get3A_1209 = arith.constant 64 : index
        %get3A_1210 = tpu.vector_load %arg9[%get3A_1207, %get3A_1208, %get3A_1209] {strides = array<i32>} : memref<3x128x128xf32, #tpu.memory_space<vmem>>, vector<16xf32>,
        %select_n3A_1211 = arith.select %eq3A_1202, %get3A_1210, %get3A_1206 : vector<16xi1>, vector<16xf32>
        %mul3A_1212 = arith.constant 8.000000e+00 : f32
        %mul3A_1213 = vector.broadcast %mul3A_1212 : f32 to vector<16xf32>
        %mul3A_1214 = arith.mulf %select_n3A_1211, %mul3A_1213 : vector<16xf32>
        %mul3A_1215 = arith.constant 64 : i32
        %mul3A_1216 = arith.muli %select_n3A_1187, %mul3A_1215 : i32
        %add3A_1217 = arith.constant 0 : i32
        %add3A_1218 = arith.addi %mul3A_1216, %add3A_1217 : i32
        %get3A_1219 = arith.index_cast %add3A_1218 : i32 to index
        %get3A_1220 = tpu.vector_load %arg6[%get3A_1219] {strides = array<i32>} : memref<12800xf32, #tpu.memory_space<vmem>>, vector<16xf32>,
        %add3A_1221 = arith.addf %mul3A_1214, %get3A_1220 : vector<16xf32>
        %swap3A_1222 = arith.index_cast %rem3A_222 : i32 to index
        %swap3A_1223 = arith.index_cast %add3A_1191 : i32 to index
        %swap3A_1224 = arith.constant 0 : index
        %swap3A_1225 = tpu.vector_load %arg10[%swap3A_1222, %swap3A_1223, %swap3A_1224] {strides = array<i32>} : memref<2x128x64xf32, #tpu.memory_space<vmem>>, vector<16xf32>,
        tpu.vector_store %arg10[%swap3A_1222, %swap3A_1223, %swap3A_1224], %add3A_1221 {strides = array<i32>} : memref<2x128x64xf32, #tpu.memory_space<vmem>>, vector<16xf32>,
        %get3A_1226 = arith.index_cast %rem3A_216 : i32 to index
        %get3A_1227 = arith.index_cast %add3A_1191 : i32 to index
        %get3A_1228 = arith.constant 16 : index
        %get3A_1229 = tpu.vector_load %arg9[%get3A_1226, %get3A_1227, %get3A_1228] {strides = array<i32>} : memref<3x128x128xf32, #tpu.memory_space<vmem>>, vector<16xf32>,
        %get3A_1230 = arith.index_cast %rem3A_216 : i32 to index
        %get3A_1231 = arith.index_cast %add3A_1191 : i32 to index
        %get3A_1232 = arith.constant 80 : index
        %get3A_1233 = tpu.vector_load %arg9[%get3A_1230, %get3A_1231, %get3A_1232] {strides = array<i32>} : memref<3x128x128xf32, #tpu.memory_space<vmem>>, vector<16xf32>,
        %select_n3A_1234 = arith.select %eq3A_1202, %get3A_1233, %get3A_1229 : vector<16xi1>, vector<16xf32>
        %mul3A_1235 = arith.constant 8.000000e+00 : f32
        %mul3A_1236 = vector.broadcast %mul3A_1235 : f32 to vector<16xf32>
        %mul3A_1237 = arith.mulf %select_n3A_1234, %mul3A_1236 : vector<16xf32>
        %mul3A_1238 = arith.constant 64 : i32
        %mul3A_1239 = arith.muli %select_n3A_1187, %mul3A_1238 : i32
        %add3A_1240 = arith.constant 16 : i32
        %add3A_1241 = arith.addi %mul3A_1239, %add3A_1240 : i32
        %get3A_1242 = arith.index_cast %add3A_1241 : i32 to index
        %get3A_1243 = tpu.vector_load %arg6[%get3A_1242] {strides = array<i32>} : memref<12800xf32, #tpu.memory_space<vmem>>, vector<16xf32>,
        %add3A_1244 = arith.addf %mul3A_1237, %get3A_1243 : vector<16xf32>
        %swap3A_1245 = arith.index_cast %rem3A_222 : i32 to index
        %swap3A_1246 = arith.index_cast %add3A_1191 : i32 to index
        %swap3A_1247 = arith.constant 16 : index
        %swap3A_1248 = tpu.vector_load %arg10[%swap3A_1245, %swap3A_1246, %swap3A_1247] {strides = array<i32>} : memref<2x128x64xf32, #tpu.memory_space<vmem>>, vector<16xf32>,
        tpu.vector_store %arg10[%swap3A_1245, %swap3A_1246, %swap3A_1247], %add3A_1244 {strides = array<i32>} : memref<2x128x64xf32, #tpu.memory_space<vmem>>, vector<16xf32>,
        %get3A_1249 = arith.index_cast %rem3A_216 : i32 to index
        %get3A_1250 = arith.index_cast %add3A_1191 : i32 to index
        %get3A_1251 = arith.constant 32 : index
        %get3A_1252 = tpu.vector_load %arg9[%get3A_1249, %get3A_1250, %get3A_1251] {strides = array<i32>} : memref<3x128x128xf32, #tpu.memory_space<vmem>>, vector<16xf32>,
        %get3A_1253 = arith.index_cast %rem3A_216 : i32 to index
        %get3A_1254 = arith.index_cast %add3A_1191 : i32 to index
        %get3A_1255 = arith.constant 96 : index
        %get3A_1256 = tpu.vector_load %arg9[%get3A_1253, %get3A_1254, %get3A_1255] {strides = array<i32>} : memref<3x128x128xf32, #tpu.memory_space<vmem>>, vector<16xf32>,
        %select_n3A_1257 = arith.select %eq3A_1202, %get3A_1256, %get3A_1252 : vector<16xi1>, vector<16xf32>
        %mul3A_1258 = arith.constant 8.000000e+00 : f32
        %mul3A_1259 = vector.broadcast %mul3A_1258 : f32 to vector<16xf32>
        %mul3A_1260 = arith.mulf %select_n3A_1257, %mul3A_1259 : vector<16xf32>
        %mul3A_1261 = arith.constant 64 : i32
        %mul3A_1262 = arith.muli %select_n3A_1187, %mul3A_1261 : i32
        %add3A_1263 = arith.constant 32 : i32
        %add3A_1264 = arith.addi %mul3A_1262, %add3A_1263 : i32
        %get3A_1265 = arith.index_cast %add3A_1264 : i32 to index
        %get3A_1266 = tpu.vector_load %arg6[%get3A_1265] {strides = array<i32>} : memref<12800xf32, #tpu.memory_space<vmem>>, vector<16xf32>,
        %add3A_1267 = arith.addf %mul3A_1260, %get3A_1266 : vector<16xf32>
        %swap3A_1268 = arith.index_cast %rem3A_222 : i32 to index
        %swap3A_1269 = arith.index_cast %add3A_1191 : i32 to index
        %swap3A_1270 = arith.constant 32 : index
        %swap3A_1271 = tpu.vector_load %arg10[%swap3A_1268, %swap3A_1269, %swap3A_1270] {strides = array<i32>} : memref<2x128x64xf32, #tpu.memory_space<vmem>>, vector<16xf32>,
        tpu.vector_store %arg10[%swap3A_1268, %swap3A_1269, %swap3A_1270], %add3A_1267 {strides = array<i32>} : memref<2x128x64xf32, #tpu.memory_space<vmem>>, vector<16xf32>,
        %get3A_1272 = arith.index_cast %rem3A_216 : i32 to index
        %get3A_1273 = arith.index_cast %add3A_1191 : i32 to index
        %get3A_1274 = arith.constant 48 : index
        %get3A_1275 = tpu.vector_load %arg9[%get3A_1272, %get3A_1273, %get3A_1274] {strides = array<i32>} : memref<3x128x128xf32, #tpu.memory_space<vmem>>, vector<16xf32>,
        %get3A_1276 = arith.index_cast %rem3A_216 : i32 to index
        %get3A_1277 = arith.index_cast %add3A_1191 : i32 to index
        %get3A_1278 = arith.constant 112 : index
        %get3A_1279 = tpu.vector_load %arg9[%get3A_1276, %get3A_1277, %get3A_1278] {strides = array<i32>} : memref<3x128x128xf32, #tpu.memory_space<vmem>>, vector<16xf32>,
        %select_n3A_1280 = arith.select %eq3A_1202, %get3A_1279, %get3A_1275 : vector<16xi1>, vector<16xf32>
        %mul3A_1281 = arith.constant 8.000000e+00 : f32
        %mul3A_1282 = vector.broadcast %mul3A_1281 : f32 to vector<16xf32>
        %mul3A_1283 = arith.mulf %select_n3A_1280, %mul3A_1282 : vector<16xf32>
        %mul3A_1284 = arith.constant 64 : i32
        %mul3A_1285 = arith.muli %select_n3A_1187, %mul3A_1284 : i32
        %add3A_1286 = arith.constant 48 : i32
        %add3A_1287 = arith.addi %mul3A_1285, %add3A_1286 : i32
        %get3A_1288 = arith.index_cast %add3A_1287 : i32 to index
        %get3A_1289 = tpu.vector_load %arg6[%get3A_1288] {strides = array<i32>} : memref<12800xf32, #tpu.memory_space<vmem>>, vector<16xf32>,
        %add3A_1290 = arith.addf %mul3A_1283, %get3A_1289 : vector<16xf32>
        %swap3A_1291 = arith.index_cast %rem3A_222 : i32 to index
        %swap3A_1292 = arith.index_cast %add3A_1191 : i32 to index
        %swap3A_1293 = arith.constant 48 : index
        %swap3A_1294 = tpu.vector_load %arg10[%swap3A_1291, %swap3A_1292, %swap3A_1293] {strides = array<i32>} : memref<2x128x64xf32, #tpu.memory_space<vmem>>, vector<16xf32>,
        tpu.vector_store %arg10[%swap3A_1291, %swap3A_1292, %swap3A_1293], %add3A_1290 {strides = array<i32>} : memref<2x128x64xf32, #tpu.memory_space<vmem>>, vector<16xf32>,
        %add3A_1295 = arith.constant 1 : i32
        %add3A_1296 = arith.addi %select_n3A_1187, %add3A_1295 : i32
        %ge3A_1297 = arith.constant 200 : i32
        %ge3A_1298 = arith.cmpi sge, %add3A_1296, %ge3A_1297 : i32
        %sub3A_1299 = arith.constant 200 : i32
        %sub3A_1300 = arith.subi %add3A_1296, %sub3A_1299 : i32
        %select_n3A_1301 = arith.select %ge3A_1298, %sub3A_1300, %add3A_1296 : i32
        %mul3A_1302 = arith.constant 16 : i32
        %mul3A_1303 = arith.muli %mul3A_1302, %scan3A_271 : i32
        %add3A_1304 = arith.constant 9 : i32
        %add3A_1305 = arith.addi %mul3A_1303, %add3A_1304 : i32
        %broadcast_in_dim3A_1306 = arith.constant 0 : i32
        %broadcast_in_dim3A_1307 = vector.broadcast %broadcast_in_dim3A_1306 : i32 to vector<16xi32>
        %add3A_1308 = arith.constant 9 : i32
        %add3A_1309 = vector.broadcast %add3A_1308 : i32 to vector<16xi32>
        %add3A_1310 = arith.addi %broadcast_in_dim3A_1307, %add3A_1309 : vector<16xi32>
        %reshape3A_1311 = vector.shape_cast %add3A_1310 : vector<16xi32> to vector<16x1xi32>
        %gather3A_1312 = vector.shape_cast %reshape3A_1311 : vector<16x1xi32> to vector<16xi32>
        %gather3A_1313 = tpu.dynamic_gather %and3A_281[%gather3A_1312] in [0] : vector<16xi32>, vector<16xi32> -> vector<16xi32>
        %eq3A_1314 = arith.constant 1 : i32
        %eq3A_1315 = vector.broadcast %eq3A_1314 : i32 to vector<16xi32>
        %eq3A_1316 = arith.cmpi eq, %gather3A_1313, %eq3A_1315 : vector<16xi32>
        %get3A_1317 = arith.index_cast %rem3A_216 : i32 to index
        %get3A_1318 = arith.index_cast %add3A_1305 : i32 to index
        %get3A_1319 = arith.constant 0 : index
        %get3A_1320 = tpu.vector_load %arg9[%get3A_1317, %get3A_1318, %get3A_1319] {strides = array<i32>} : memref<3x128x128xf32, #tpu.memory_space<vmem>>, vector<16xf32>,
        %get3A_1321 = arith.index_cast %rem3A_216 : i32 to index
        %get3A_1322 = arith.index_cast %add3A_1305 : i32 to index
        %get3A_1323 = arith.constant 64 : index
        %get3A_1324 = tpu.vector_load %arg9[%get3A_1321, %get3A_1322, %get3A_1323] {strides = array<i32>} : memref<3x128x128xf32, #tpu.memory_space<vmem>>, vector<16xf32>,
        %select_n3A_1325 = arith.select %eq3A_1316, %get3A_1324, %get3A_1320 : vector<16xi1>, vector<16xf32>
        %mul3A_1326 = arith.constant 8.000000e+00 : f32
        %mul3A_1327 = vector.broadcast %mul3A_1326 : f32 to vector<16xf32>
        %mul3A_1328 = arith.mulf %select_n3A_1325, %mul3A_1327 : vector<16xf32>
        %mul3A_1329 = arith.constant 64 : i32
        %mul3A_1330 = arith.muli %select_n3A_1301, %mul3A_1329 : i32
        %add3A_1331 = arith.constant 0 : i32
        %add3A_1332 = arith.addi %mul3A_1330, %add3A_1331 : i32
        %get3A_1333 = arith.index_cast %add3A_1332 : i32 to index
        %get3A_1334 = tpu.vector_load %arg6[%get3A_1333] {strides = array<i32>} : memref<12800xf32, #tpu.memory_space<vmem>>, vector<16xf32>,
        %add3A_1335 = arith.addf %mul3A_1328, %get3A_1334 : vector<16xf32>
        %swap3A_1336 = arith.index_cast %rem3A_222 : i32 to index
        %swap3A_1337 = arith.index_cast %add3A_1305 : i32 to index
        %swap3A_1338 = arith.constant 0 : index
        %swap3A_1339 = tpu.vector_load %arg10[%swap3A_1336, %swap3A_1337, %swap3A_1338] {strides = array<i32>} : memref<2x128x64xf32, #tpu.memory_space<vmem>>, vector<16xf32>,
        tpu.vector_store %arg10[%swap3A_1336, %swap3A_1337, %swap3A_1338], %add3A_1335 {strides = array<i32>} : memref<2x128x64xf32, #tpu.memory_space<vmem>>, vector<16xf32>,
        %get3A_1340 = arith.index_cast %rem3A_216 : i32 to index
        %get3A_1341 = arith.index_cast %add3A_1305 : i32 to index
        %get3A_1342 = arith.constant 16 : index
        %get3A_1343 = tpu.vector_load %arg9[%get3A_1340, %get3A_1341, %get3A_1342] {strides = array<i32>} : memref<3x128x128xf32, #tpu.memory_space<vmem>>, vector<16xf32>,
        %get3A_1344 = arith.index_cast %rem3A_216 : i32 to index
        %get3A_1345 = arith.index_cast %add3A_1305 : i32 to index
        %get3A_1346 = arith.constant 80 : index
        %get3A_1347 = tpu.vector_load %arg9[%get3A_1344, %get3A_1345, %get3A_1346] {strides = array<i32>} : memref<3x128x128xf32, #tpu.memory_space<vmem>>, vector<16xf32>,
        %select_n3A_1348 = arith.select %eq3A_1316, %get3A_1347, %get3A_1343 : vector<16xi1>, vector<16xf32>
        %mul3A_1349 = arith.constant 8.000000e+00 : f32
        %mul3A_1350 = vector.broadcast %mul3A_1349 : f32 to vector<16xf32>
        %mul3A_1351 = arith.mulf %select_n3A_1348, %mul3A_1350 : vector<16xf32>
        %mul3A_1352 = arith.constant 64 : i32
        %mul3A_1353 = arith.muli %select_n3A_1301, %mul3A_1352 : i32
        %add3A_1354 = arith.constant 16 : i32
        %add3A_1355 = arith.addi %mul3A_1353, %add3A_1354 : i32
        %get3A_1356 = arith.index_cast %add3A_1355 : i32 to index
        %get3A_1357 = tpu.vector_load %arg6[%get3A_1356] {strides = array<i32>} : memref<12800xf32, #tpu.memory_space<vmem>>, vector<16xf32>,
        %add3A_1358 = arith.addf %mul3A_1351, %get3A_1357 : vector<16xf32>
        %swap3A_1359 = arith.index_cast %rem3A_222 : i32 to index
        %swap3A_1360 = arith.index_cast %add3A_1305 : i32 to index
        %swap3A_1361 = arith.constant 16 : index
        %swap3A_1362 = tpu.vector_load %arg10[%swap3A_1359, %swap3A_1360, %swap3A_1361] {strides = array<i32>} : memref<2x128x64xf32, #tpu.memory_space<vmem>>, vector<16xf32>,
        tpu.vector_store %arg10[%swap3A_1359, %swap3A_1360, %swap3A_1361], %add3A_1358 {strides = array<i32>} : memref<2x128x64xf32, #tpu.memory_space<vmem>>, vector<16xf32>,
        %get3A_1363 = arith.index_cast %rem3A_216 : i32 to index
        %get3A_1364 = arith.index_cast %add3A_1305 : i32 to index
        %get3A_1365 = arith.constant 32 : index
        %get3A_1366 = tpu.vector_load %arg9[%get3A_1363, %get3A_1364, %get3A_1365] {strides = array<i32>} : memref<3x128x128xf32, #tpu.memory_space<vmem>>, vector<16xf32>,
        %get3A_1367 = arith.index_cast %rem3A_216 : i32 to index
        %get3A_1368 = arith.index_cast %add3A_1305 : i32 to index
        %get3A_1369 = arith.constant 96 : index
        %get3A_1370 = tpu.vector_load %arg9[%get3A_1367, %get3A_1368, %get3A_1369] {strides = array<i32>} : memref<3x128x128xf32, #tpu.memory_space<vmem>>, vector<16xf32>,
        %select_n3A_1371 = arith.select %eq3A_1316, %get3A_1370, %get3A_1366 : vector<16xi1>, vector<16xf32>
        %mul3A_1372 = arith.constant 8.000000e+00 : f32
        %mul3A_1373 = vector.broadcast %mul3A_1372 : f32 to vector<16xf32>
        %mul3A_1374 = arith.mulf %select_n3A_1371, %mul3A_1373 : vector<16xf32>
        %mul3A_1375 = arith.constant 64 : i32
        %mul3A_1376 = arith.muli %select_n3A_1301, %mul3A_1375 : i32
        %add3A_1377 = arith.constant 32 : i32
        %add3A_1378 = arith.addi %mul3A_1376, %add3A_1377 : i32
        %get3A_1379 = arith.index_cast %add3A_1378 : i32 to index
        %get3A_1380 = tpu.vector_load %arg6[%get3A_1379] {strides = array<i32>} : memref<12800xf32, #tpu.memory_space<vmem>>, vector<16xf32>,
        %add3A_1381 = arith.addf %mul3A_1374, %get3A_1380 : vector<16xf32>
        %swap3A_1382 = arith.index_cast %rem3A_222 : i32 to index
        %swap3A_1383 = arith.index_cast %add3A_1305 : i32 to index
        %swap3A_1384 = arith.constant 32 : index
        %swap3A_1385 = tpu.vector_load %arg10[%swap3A_1382, %swap3A_1383, %swap3A_1384] {strides = array<i32>} : memref<2x128x64xf32, #tpu.memory_space<vmem>>, vector<16xf32>,
        tpu.vector_store %arg10[%swap3A_1382, %swap3A_1383, %swap3A_1384], %add3A_1381 {strides = array<i32>} : memref<2x128x64xf32, #tpu.memory_space<vmem>>, vector<16xf32>,
        %get3A_1386 = arith.index_cast %rem3A_216 : i32 to index
        %get3A_1387 = arith.index_cast %add3A_1305 : i32 to index
        %get3A_1388 = arith.constant 48 : index
        %get3A_1389 = tpu.vector_load %arg9[%get3A_1386, %get3A_1387, %get3A_1388] {strides = array<i32>} : memref<3x128x128xf32, #tpu.memory_space<vmem>>, vector<16xf32>,
        %get3A_1390 = arith.index_cast %rem3A_216 : i32 to index
        %get3A_1391 = arith.index_cast %add3A_1305 : i32 to index
        %get3A_1392 = arith.constant 112 : index
        %get3A_1393 = tpu.vector_load %arg9[%get3A_1390, %get3A_1391, %get3A_1392] {strides = array<i32>} : memref<3x128x128xf32, #tpu.memory_space<vmem>>, vector<16xf32>,
        %select_n3A_1394 = arith.select %eq3A_1316, %get3A_1393, %get3A_1389 : vector<16xi1>, vector<16xf32>
        %mul3A_1395 = arith.constant 8.000000e+00 : f32
        %mul3A_1396 = vector.broadcast %mul3A_1395 : f32 to vector<16xf32>
        %mul3A_1397 = arith.mulf %select_n3A_1394, %mul3A_1396 : vector<16xf32>
        %mul3A_1398 = arith.constant 64 : i32
        %mul3A_1399 = arith.muli %select_n3A_1301, %mul3A_1398 : i32
        %add3A_1400 = arith.constant 48 : i32
        %add3A_1401 = arith.addi %mul3A_1399, %add3A_1400 : i32
        %get3A_1402 = arith.index_cast %add3A_1401 : i32 to index
        %get3A_1403 = tpu.vector_load %arg6[%get3A_1402] {strides = array<i32>} : memref<12800xf32, #tpu.memory_space<vmem>>, vector<16xf32>,
        %add3A_1404 = arith.addf %mul3A_1397, %get3A_1403 : vector<16xf32>
        %swap3A_1405 = arith.index_cast %rem3A_222 : i32 to index
        %swap3A_1406 = arith.index_cast %add3A_1305 : i32 to index
        %swap3A_1407 = arith.constant 48 : index
        %swap3A_1408 = tpu.vector_load %arg10[%swap3A_1405, %swap3A_1406, %swap3A_1407] {strides = array<i32>} : memref<2x128x64xf32, #tpu.memory_space<vmem>>, vector<16xf32>,
        tpu.vector_store %arg10[%swap3A_1405, %swap3A_1406, %swap3A_1407], %add3A_1404 {strides = array<i32>} : memref<2x128x64xf32, #tpu.memory_space<vmem>>, vector<16xf32>,
        %add3A_1409 = arith.constant 1 : i32
        %add3A_1410 = arith.addi %select_n3A_1301, %add3A_1409 : i32
        %ge3A_1411 = arith.constant 200 : i32
        %ge3A_1412 = arith.cmpi sge, %add3A_1410, %ge3A_1411 : i32
        %sub3A_1413 = arith.constant 200 : i32
        %sub3A_1414 = arith.subi %add3A_1410, %sub3A_1413 : i32
        %select_n3A_1415 = arith.select %ge3A_1412, %sub3A_1414, %add3A_1410 : i32
        %mul3A_1416 = arith.constant 16 : i32
        %mul3A_1417 = arith.muli %mul3A_1416, %scan3A_271 : i32
        %add3A_1418 = arith.constant 10 : i32
        %add3A_1419 = arith.addi %mul3A_1417, %add3A_1418 : i32
        %broadcast_in_dim3A_1420 = arith.constant 0 : i32
        %broadcast_in_dim3A_1421 = vector.broadcast %broadcast_in_dim3A_1420 : i32 to vector<16xi32>
        %add3A_1422 = arith.constant 10 : i32
        %add3A_1423 = vector.broadcast %add3A_1422 : i32 to vector<16xi32>
        %add3A_1424 = arith.addi %broadcast_in_dim3A_1421, %add3A_1423 : vector<16xi32>
        %reshape3A_1425 = vector.shape_cast %add3A_1424 : vector<16xi32> to vector<16x1xi32>
        %gather3A_1426 = vector.shape_cast %reshape3A_1425 : vector<16x1xi32> to vector<16xi32>
        %gather3A_1427 = tpu.dynamic_gather %and3A_281[%gather3A_1426] in [0] : vector<16xi32>, vector<16xi32> -> vector<16xi32>
        %eq3A_1428 = arith.constant 1 : i32
        %eq3A_1429 = vector.broadcast %eq3A_1428 : i32 to vector<16xi32>
        %eq3A_1430 = arith.cmpi eq, %gather3A_1427, %eq3A_1429 : vector<16xi32>
        %get3A_1431 = arith.index_cast %rem3A_216 : i32 to index
        %get3A_1432 = arith.index_cast %add3A_1419 : i32 to index
        %get3A_1433 = arith.constant 0 : index
        %get3A_1434 = tpu.vector_load %arg9[%get3A_1431, %get3A_1432, %get3A_1433] {strides = array<i32>} : memref<3x128x128xf32, #tpu.memory_space<vmem>>, vector<16xf32>,
        %get3A_1435 = arith.index_cast %rem3A_216 : i32 to index
        %get3A_1436 = arith.index_cast %add3A_1419 : i32 to index
        %get3A_1437 = arith.constant 64 : index
        %get3A_1438 = tpu.vector_load %arg9[%get3A_1435, %get3A_1436, %get3A_1437] {strides = array<i32>} : memref<3x128x128xf32, #tpu.memory_space<vmem>>, vector<16xf32>,
        %select_n3A_1439 = arith.select %eq3A_1430, %get3A_1438, %get3A_1434 : vector<16xi1>, vector<16xf32>
        %mul3A_1440 = arith.constant 8.000000e+00 : f32
        %mul3A_1441 = vector.broadcast %mul3A_1440 : f32 to vector<16xf32>
        %mul3A_1442 = arith.mulf %select_n3A_1439, %mul3A_1441 : vector<16xf32>
        %mul3A_1443 = arith.constant 64 : i32
        %mul3A_1444 = arith.muli %select_n3A_1415, %mul3A_1443 : i32
        %add3A_1445 = arith.constant 0 : i32
        %add3A_1446 = arith.addi %mul3A_1444, %add3A_1445 : i32
        %get3A_1447 = arith.index_cast %add3A_1446 : i32 to index
        %get3A_1448 = tpu.vector_load %arg6[%get3A_1447] {strides = array<i32>} : memref<12800xf32, #tpu.memory_space<vmem>>, vector<16xf32>,
        %add3A_1449 = arith.addf %mul3A_1442, %get3A_1448 : vector<16xf32>
        %swap3A_1450 = arith.index_cast %rem3A_222 : i32 to index
        %swap3A_1451 = arith.index_cast %add3A_1419 : i32 to index
        %swap3A_1452 = arith.constant 0 : index
        %swap3A_1453 = tpu.vector_load %arg10[%swap3A_1450, %swap3A_1451, %swap3A_1452] {strides = array<i32>} : memref<2x128x64xf32, #tpu.memory_space<vmem>>, vector<16xf32>,
        tpu.vector_store %arg10[%swap3A_1450, %swap3A_1451, %swap3A_1452], %add3A_1449 {strides = array<i32>} : memref<2x128x64xf32, #tpu.memory_space<vmem>>, vector<16xf32>,
        %get3A_1454 = arith.index_cast %rem3A_216 : i32 to index
        %get3A_1455 = arith.index_cast %add3A_1419 : i32 to index
        %get3A_1456 = arith.constant 16 : index
        %get3A_1457 = tpu.vector_load %arg9[%get3A_1454, %get3A_1455, %get3A_1456] {strides = array<i32>} : memref<3x128x128xf32, #tpu.memory_space<vmem>>, vector<16xf32>,
        %get3A_1458 = arith.index_cast %rem3A_216 : i32 to index
        %get3A_1459 = arith.index_cast %add3A_1419 : i32 to index
        %get3A_1460 = arith.constant 80 : index
        %get3A_1461 = tpu.vector_load %arg9[%get3A_1458, %get3A_1459, %get3A_1460] {strides = array<i32>} : memref<3x128x128xf32, #tpu.memory_space<vmem>>, vector<16xf32>,
        %select_n3A_1462 = arith.select %eq3A_1430, %get3A_1461, %get3A_1457 : vector<16xi1>, vector<16xf32>
        %mul3A_1463 = arith.constant 8.000000e+00 : f32
        %mul3A_1464 = vector.broadcast %mul3A_1463 : f32 to vector<16xf32>
        %mul3A_1465 = arith.mulf %select_n3A_1462, %mul3A_1464 : vector<16xf32>
        %mul3A_1466 = arith.constant 64 : i32
        %mul3A_1467 = arith.muli %select_n3A_1415, %mul3A_1466 : i32
        %add3A_1468 = arith.constant 16 : i32
        %add3A_1469 = arith.addi %mul3A_1467, %add3A_1468 : i32
        %get3A_1470 = arith.index_cast %add3A_1469 : i32 to index
        %get3A_1471 = tpu.vector_load %arg6[%get3A_1470] {strides = array<i32>} : memref<12800xf32, #tpu.memory_space<vmem>>, vector<16xf32>,
        %add3A_1472 = arith.addf %mul3A_1465, %get3A_1471 : vector<16xf32>
        %swap3A_1473 = arith.index_cast %rem3A_222 : i32 to index
        %swap3A_1474 = arith.index_cast %add3A_1419 : i32 to index
        %swap3A_1475 = arith.constant 16 : index
        %swap3A_1476 = tpu.vector_load %arg10[%swap3A_1473, %swap3A_1474, %swap3A_1475] {strides = array<i32>} : memref<2x128x64xf32, #tpu.memory_space<vmem>>, vector<16xf32>,
        tpu.vector_store %arg10[%swap3A_1473, %swap3A_1474, %swap3A_1475], %add3A_1472 {strides = array<i32>} : memref<2x128x64xf32, #tpu.memory_space<vmem>>, vector<16xf32>,
        %get3A_1477 = arith.index_cast %rem3A_216 : i32 to index
        %get3A_1478 = arith.index_cast %add3A_1419 : i32 to index
        %get3A_1479 = arith.constant 32 : index
        %get3A_1480 = tpu.vector_load %arg9[%get3A_1477, %get3A_1478, %get3A_1479] {strides = array<i32>} : memref<3x128x128xf32, #tpu.memory_space<vmem>>, vector<16xf32>,
        %get3A_1481 = arith.index_cast %rem3A_216 : i32 to index
        %get3A_1482 = arith.index_cast %add3A_1419 : i32 to index
        %get3A_1483 = arith.constant 96 : index
        %get3A_1484 = tpu.vector_load %arg9[%get3A_1481, %get3A_1482, %get3A_1483] {strides = array<i32>} : memref<3x128x128xf32, #tpu.memory_space<vmem>>, vector<16xf32>,
        %select_n3A_1485 = arith.select %eq3A_1430, %get3A_1484, %get3A_1480 : vector<16xi1>, vector<16xf32>
        %mul3A_1486 = arith.constant 8.000000e+00 : f32
        %mul3A_1487 = vector.broadcast %mul3A_1486 : f32 to vector<16xf32>
        %mul3A_1488 = arith.mulf %select_n3A_1485, %mul3A_1487 : vector<16xf32>
        %mul3A_1489 = arith.constant 64 : i32
        %mul3A_1490 = arith.muli %select_n3A_1415, %mul3A_1489 : i32
        %add3A_1491 = arith.constant 32 : i32
        %add3A_1492 = arith.addi %mul3A_1490, %add3A_1491 : i32
        %get3A_1493 = arith.index_cast %add3A_1492 : i32 to index
        %get3A_1494 = tpu.vector_load %arg6[%get3A_1493] {strides = array<i32>} : memref<12800xf32, #tpu.memory_space<vmem>>, vector<16xf32>,
        %add3A_1495 = arith.addf %mul3A_1488, %get3A_1494 : vector<16xf32>
        %swap3A_1496 = arith.index_cast %rem3A_222 : i32 to index
        %swap3A_1497 = arith.index_cast %add3A_1419 : i32 to index
        %swap3A_1498 = arith.constant 32 : index
        %swap3A_1499 = tpu.vector_load %arg10[%swap3A_1496, %swap3A_1497, %swap3A_1498] {strides = array<i32>} : memref<2x128x64xf32, #tpu.memory_space<vmem>>, vector<16xf32>,
        tpu.vector_store %arg10[%swap3A_1496, %swap3A_1497, %swap3A_1498], %add3A_1495 {strides = array<i32>} : memref<2x128x64xf32, #tpu.memory_space<vmem>>, vector<16xf32>,
        %get3A_1500 = arith.index_cast %rem3A_216 : i32 to index
        %get3A_1501 = arith.index_cast %add3A_1419 : i32 to index
        %get3A_1502 = arith.constant 48 : index
        %get3A_1503 = tpu.vector_load %arg9[%get3A_1500, %get3A_1501, %get3A_1502] {strides = array<i32>} : memref<3x128x128xf32, #tpu.memory_space<vmem>>, vector<16xf32>,
        %get3A_1504 = arith.index_cast %rem3A_216 : i32 to index
        %get3A_1505 = arith.index_cast %add3A_1419 : i32 to index
        %get3A_1506 = arith.constant 112 : index
        %get3A_1507 = tpu.vector_load %arg9[%get3A_1504, %get3A_1505, %get3A_1506] {strides = array<i32>} : memref<3x128x128xf32, #tpu.memory_space<vmem>>, vector<16xf32>,
        %select_n3A_1508 = arith.select %eq3A_1430, %get3A_1507, %get3A_1503 : vector<16xi1>, vector<16xf32>
        %mul3A_1509 = arith.constant 8.000000e+00 : f32
        %mul3A_1510 = vector.broadcast %mul3A_1509 : f32 to vector<16xf32>
        %mul3A_1511 = arith.mulf %select_n3A_1508, %mul3A_1510 : vector<16xf32>
        %mul3A_1512 = arith.constant 64 : i32
        %mul3A_1513 = arith.muli %select_n3A_1415, %mul3A_1512 : i32
        %add3A_1514 = arith.constant 48 : i32
        %add3A_1515 = arith.addi %mul3A_1513, %add3A_1514 : i32
        %get3A_1516 = arith.index_cast %add3A_1515 : i32 to index
        %get3A_1517 = tpu.vector_load %arg6[%get3A_1516] {strides = array<i32>} : memref<12800xf32, #tpu.memory_space<vmem>>, vector<16xf32>,
        %add3A_1518 = arith.addf %mul3A_1511, %get3A_1517 : vector<16xf32>
        %swap3A_1519 = arith.index_cast %rem3A_222 : i32 to index
        %swap3A_1520 = arith.index_cast %add3A_1419 : i32 to index
        %swap3A_1521 = arith.constant 48 : index
        %swap3A_1522 = tpu.vector_load %arg10[%swap3A_1519, %swap3A_1520, %swap3A_1521] {strides = array<i32>} : memref<2x128x64xf32, #tpu.memory_space<vmem>>, vector<16xf32>,
        tpu.vector_store %arg10[%swap3A_1519, %swap3A_1520, %swap3A_1521], %add3A_1518 {strides = array<i32>} : memref<2x128x64xf32, #tpu.memory_space<vmem>>, vector<16xf32>,
        %add3A_1523 = arith.constant 1 : i32
        %add3A_1524 = arith.addi %select_n3A_1415, %add3A_1523 : i32
        %ge3A_1525 = arith.constant 200 : i32
        %ge3A_1526 = arith.cmpi sge, %add3A_1524, %ge3A_1525 : i32
        %sub3A_1527 = arith.constant 200 : i32
        %sub3A_1528 = arith.subi %add3A_1524, %sub3A_1527 : i32
        %select_n3A_1529 = arith.select %ge3A_1526, %sub3A_1528, %add3A_1524 : i32
        %mul3A_1530 = arith.constant 16 : i32
        %mul3A_1531 = arith.muli %mul3A_1530, %scan3A_271 : i32
        %add3A_1532 = arith.constant 11 : i32
        %add3A_1533 = arith.addi %mul3A_1531, %add3A_1532 : i32
        %broadcast_in_dim3A_1534 = arith.constant 0 : i32
        %broadcast_in_dim3A_1535 = vector.broadcast %broadcast_in_dim3A_1534 : i32 to vector<16xi32>
        %add3A_1536 = arith.constant 11 : i32
        %add3A_1537 = vector.broadcast %add3A_1536 : i32 to vector<16xi32>
        %add3A_1538 = arith.addi %broadcast_in_dim3A_1535, %add3A_1537 : vector<16xi32>
        %reshape3A_1539 = vector.shape_cast %add3A_1538 : vector<16xi32> to vector<16x1xi32>
        %gather3A_1540 = vector.shape_cast %reshape3A_1539 : vector<16x1xi32> to vector<16xi32>
        %gather3A_1541 = tpu.dynamic_gather %and3A_281[%gather3A_1540] in [0] : vector<16xi32>, vector<16xi32> -> vector<16xi32>
        %eq3A_1542 = arith.constant 1 : i32
        %eq3A_1543 = vector.broadcast %eq3A_1542 : i32 to vector<16xi32>
        %eq3A_1544 = arith.cmpi eq, %gather3A_1541, %eq3A_1543 : vector<16xi32>
        %get3A_1545 = arith.index_cast %rem3A_216 : i32 to index
        %get3A_1546 = arith.index_cast %add3A_1533 : i32 to index
        %get3A_1547 = arith.constant 0 : index
        %get3A_1548 = tpu.vector_load %arg9[%get3A_1545, %get3A_1546, %get3A_1547] {strides = array<i32>} : memref<3x128x128xf32, #tpu.memory_space<vmem>>, vector<16xf32>,
        %get3A_1549 = arith.index_cast %rem3A_216 : i32 to index
        %get3A_1550 = arith.index_cast %add3A_1533 : i32 to index
        %get3A_1551 = arith.constant 64 : index
        %get3A_1552 = tpu.vector_load %arg9[%get3A_1549, %get3A_1550, %get3A_1551] {strides = array<i32>} : memref<3x128x128xf32, #tpu.memory_space<vmem>>, vector<16xf32>,
        %select_n3A_1553 = arith.select %eq3A_1544, %get3A_1552, %get3A_1548 : vector<16xi1>, vector<16xf32>
        %mul3A_1554 = arith.constant 8.000000e+00 : f32
        %mul3A_1555 = vector.broadcast %mul3A_1554 : f32 to vector<16xf32>
        %mul3A_1556 = arith.mulf %select_n3A_1553, %mul3A_1555 : vector<16xf32>
        %mul3A_1557 = arith.constant 64 : i32
        %mul3A_1558 = arith.muli %select_n3A_1529, %mul3A_1557 : i32
        %add3A_1559 = arith.constant 0 : i32
        %add3A_1560 = arith.addi %mul3A_1558, %add3A_1559 : i32
        %get3A_1561 = arith.index_cast %add3A_1560 : i32 to index
        %get3A_1562 = tpu.vector_load %arg6[%get3A_1561] {strides = array<i32>} : memref<12800xf32, #tpu.memory_space<vmem>>, vector<16xf32>,
        %add3A_1563 = arith.addf %mul3A_1556, %get3A_1562 : vector<16xf32>
        %swap3A_1564 = arith.index_cast %rem3A_222 : i32 to index
        %swap3A_1565 = arith.index_cast %add3A_1533 : i32 to index
        %swap3A_1566 = arith.constant 0 : index
        %swap3A_1567 = tpu.vector_load %arg10[%swap3A_1564, %swap3A_1565, %swap3A_1566] {strides = array<i32>} : memref<2x128x64xf32, #tpu.memory_space<vmem>>, vector<16xf32>,
        tpu.vector_store %arg10[%swap3A_1564, %swap3A_1565, %swap3A_1566], %add3A_1563 {strides = array<i32>} : memref<2x128x64xf32, #tpu.memory_space<vmem>>, vector<16xf32>,
        %get3A_1568 = arith.index_cast %rem3A_216 : i32 to index
        %get3A_1569 = arith.index_cast %add3A_1533 : i32 to index
        %get3A_1570 = arith.constant 16 : index
        %get3A_1571 = tpu.vector_load %arg9[%get3A_1568, %get3A_1569, %get3A_1570] {strides = array<i32>} : memref<3x128x128xf32, #tpu.memory_space<vmem>>, vector<16xf32>,
        %get3A_1572 = arith.index_cast %rem3A_216 : i32 to index
        %get3A_1573 = arith.index_cast %add3A_1533 : i32 to index
        %get3A_1574 = arith.constant 80 : index
        %get3A_1575 = tpu.vector_load %arg9[%get3A_1572, %get3A_1573, %get3A_1574] {strides = array<i32>} : memref<3x128x128xf32, #tpu.memory_space<vmem>>, vector<16xf32>,
        %select_n3A_1576 = arith.select %eq3A_1544, %get3A_1575, %get3A_1571 : vector<16xi1>, vector<16xf32>
        %mul3A_1577 = arith.constant 8.000000e+00 : f32
        %mul3A_1578 = vector.broadcast %mul3A_1577 : f32 to vector<16xf32>
        %mul3A_1579 = arith.mulf %select_n3A_1576, %mul3A_1578 : vector<16xf32>
        %mul3A_1580 = arith.constant 64 : i32
        %mul3A_1581 = arith.muli %select_n3A_1529, %mul3A_1580 : i32
        %add3A_1582 = arith.constant 16 : i32
        %add3A_1583 = arith.addi %mul3A_1581, %add3A_1582 : i32
        %get3A_1584 = arith.index_cast %add3A_1583 : i32 to index
        %get3A_1585 = tpu.vector_load %arg6[%get3A_1584] {strides = array<i32>} : memref<12800xf32, #tpu.memory_space<vmem>>, vector<16xf32>,
        %add3A_1586 = arith.addf %mul3A_1579, %get3A_1585 : vector<16xf32>
        %swap3A_1587 = arith.index_cast %rem3A_222 : i32 to index
        %swap3A_1588 = arith.index_cast %add3A_1533 : i32 to index
        %swap3A_1589 = arith.constant 16 : index
        %swap3A_1590 = tpu.vector_load %arg10[%swap3A_1587, %swap3A_1588, %swap3A_1589] {strides = array<i32>} : memref<2x128x64xf32, #tpu.memory_space<vmem>>, vector<16xf32>,
        tpu.vector_store %arg10[%swap3A_1587, %swap3A_1588, %swap3A_1589], %add3A_1586 {strides = array<i32>} : memref<2x128x64xf32, #tpu.memory_space<vmem>>, vector<16xf32>,
        %get3A_1591 = arith.index_cast %rem3A_216 : i32 to index
        %get3A_1592 = arith.index_cast %add3A_1533 : i32 to index
        %get3A_1593 = arith.constant 32 : index
        %get3A_1594 = tpu.vector_load %arg9[%get3A_1591, %get3A_1592, %get3A_1593] {strides = array<i32>} : memref<3x128x128xf32, #tpu.memory_space<vmem>>, vector<16xf32>,
        %get3A_1595 = arith.index_cast %rem3A_216 : i32 to index
        %get3A_1596 = arith.index_cast %add3A_1533 : i32 to index
        %get3A_1597 = arith.constant 96 : index
        %get3A_1598 = tpu.vector_load %arg9[%get3A_1595, %get3A_1596, %get3A_1597] {strides = array<i32>} : memref<3x128x128xf32, #tpu.memory_space<vmem>>, vector<16xf32>,
        %select_n3A_1599 = arith.select %eq3A_1544, %get3A_1598, %get3A_1594 : vector<16xi1>, vector<16xf32>
        %mul3A_1600 = arith.constant 8.000000e+00 : f32
        %mul3A_1601 = vector.broadcast %mul3A_1600 : f32 to vector<16xf32>
        %mul3A_1602 = arith.mulf %select_n3A_1599, %mul3A_1601 : vector<16xf32>
        %mul3A_1603 = arith.constant 64 : i32
        %mul3A_1604 = arith.muli %select_n3A_1529, %mul3A_1603 : i32
        %add3A_1605 = arith.constant 32 : i32
        %add3A_1606 = arith.addi %mul3A_1604, %add3A_1605 : i32
        %get3A_1607 = arith.index_cast %add3A_1606 : i32 to index
        %get3A_1608 = tpu.vector_load %arg6[%get3A_1607] {strides = array<i32>} : memref<12800xf32, #tpu.memory_space<vmem>>, vector<16xf32>,
        %add3A_1609 = arith.addf %mul3A_1602, %get3A_1608 : vector<16xf32>
        %swap3A_1610 = arith.index_cast %rem3A_222 : i32 to index
        %swap3A_1611 = arith.index_cast %add3A_1533 : i32 to index
        %swap3A_1612 = arith.constant 32 : index
        %swap3A_1613 = tpu.vector_load %arg10[%swap3A_1610, %swap3A_1611, %swap3A_1612] {strides = array<i32>} : memref<2x128x64xf32, #tpu.memory_space<vmem>>, vector<16xf32>,
        tpu.vector_store %arg10[%swap3A_1610, %swap3A_1611, %swap3A_1612], %add3A_1609 {strides = array<i32>} : memref<2x128x64xf32, #tpu.memory_space<vmem>>, vector<16xf32>,
        %get3A_1614 = arith.index_cast %rem3A_216 : i32 to index
        %get3A_1615 = arith.index_cast %add3A_1533 : i32 to index
        %get3A_1616 = arith.constant 48 : index
        %get3A_1617 = tpu.vector_load %arg9[%get3A_1614, %get3A_1615, %get3A_1616] {strides = array<i32>} : memref<3x128x128xf32, #tpu.memory_space<vmem>>, vector<16xf32>,
        %get3A_1618 = arith.index_cast %rem3A_216 : i32 to index
        %get3A_1619 = arith.index_cast %add3A_1533 : i32 to index
        %get3A_1620 = arith.constant 112 : index
        %get3A_1621 = tpu.vector_load %arg9[%get3A_1618, %get3A_1619, %get3A_1620] {strides = array<i32>} : memref<3x128x128xf32, #tpu.memory_space<vmem>>, vector<16xf32>,
        %select_n3A_1622 = arith.select %eq3A_1544, %get3A_1621, %get3A_1617 : vector<16xi1>, vector<16xf32>
        %mul3A_1623 = arith.constant 8.000000e+00 : f32
        %mul3A_1624 = vector.broadcast %mul3A_1623 : f32 to vector<16xf32>
        %mul3A_1625 = arith.mulf %select_n3A_1622, %mul3A_1624 : vector<16xf32>
        %mul3A_1626 = arith.constant 64 : i32
        %mul3A_1627 = arith.muli %select_n3A_1529, %mul3A_1626 : i32
        %add3A_1628 = arith.constant 48 : i32
        %add3A_1629 = arith.addi %mul3A_1627, %add3A_1628 : i32
        %get3A_1630 = arith.index_cast %add3A_1629 : i32 to index
        %get3A_1631 = tpu.vector_load %arg6[%get3A_1630] {strides = array<i32>} : memref<12800xf32, #tpu.memory_space<vmem>>, vector<16xf32>,
        %add3A_1632 = arith.addf %mul3A_1625, %get3A_1631 : vector<16xf32>
        %swap3A_1633 = arith.index_cast %rem3A_222 : i32 to index
        %swap3A_1634 = arith.index_cast %add3A_1533 : i32 to index
        %swap3A_1635 = arith.constant 48 : index
        %swap3A_1636 = tpu.vector_load %arg10[%swap3A_1633, %swap3A_1634, %swap3A_1635] {strides = array<i32>} : memref<2x128x64xf32, #tpu.memory_space<vmem>>, vector<16xf32>,
        tpu.vector_store %arg10[%swap3A_1633, %swap3A_1634, %swap3A_1635], %add3A_1632 {strides = array<i32>} : memref<2x128x64xf32, #tpu.memory_space<vmem>>, vector<16xf32>,
        %add3A_1637 = arith.constant 1 : i32
        %add3A_1638 = arith.addi %select_n3A_1529, %add3A_1637 : i32
        %ge3A_1639 = arith.constant 200 : i32
        %ge3A_1640 = arith.cmpi sge, %add3A_1638, %ge3A_1639 : i32
        %sub3A_1641 = arith.constant 200 : i32
        %sub3A_1642 = arith.subi %add3A_1638, %sub3A_1641 : i32
        %select_n3A_1643 = arith.select %ge3A_1640, %sub3A_1642, %add3A_1638 : i32
        %mul3A_1644 = arith.constant 16 : i32
        %mul3A_1645 = arith.muli %mul3A_1644, %scan3A_271 : i32
        %add3A_1646 = arith.constant 12 : i32
        %add3A_1647 = arith.addi %mul3A_1645, %add3A_1646 : i32
        %broadcast_in_dim3A_1648 = arith.constant 0 : i32
        %broadcast_in_dim3A_1649 = vector.broadcast %broadcast_in_dim3A_1648 : i32 to vector<16xi32>
        %add3A_1650 = arith.constant 12 : i32
        %add3A_1651 = vector.broadcast %add3A_1650 : i32 to vector<16xi32>
        %add3A_1652 = arith.addi %broadcast_in_dim3A_1649, %add3A_1651 : vector<16xi32>
        %reshape3A_1653 = vector.shape_cast %add3A_1652 : vector<16xi32> to vector<16x1xi32>
        %gather3A_1654 = vector.shape_cast %reshape3A_1653 : vector<16x1xi32> to vector<16xi32>
        %gather3A_1655 = tpu.dynamic_gather %and3A_281[%gather3A_1654] in [0] : vector<16xi32>, vector<16xi32> -> vector<16xi32>
        %eq3A_1656 = arith.constant 1 : i32
        %eq3A_1657 = vector.broadcast %eq3A_1656 : i32 to vector<16xi32>
        %eq3A_1658 = arith.cmpi eq, %gather3A_1655, %eq3A_1657 : vector<16xi32>
        %get3A_1659 = arith.index_cast %rem3A_216 : i32 to index
        %get3A_1660 = arith.index_cast %add3A_1647 : i32 to index
        %get3A_1661 = arith.constant 0 : index
        %get3A_1662 = tpu.vector_load %arg9[%get3A_1659, %get3A_1660, %get3A_1661] {strides = array<i32>} : memref<3x128x128xf32, #tpu.memory_space<vmem>>, vector<16xf32>,
        %get3A_1663 = arith.index_cast %rem3A_216 : i32 to index
        %get3A_1664 = arith.index_cast %add3A_1647 : i32 to index
        %get3A_1665 = arith.constant 64 : index
        %get3A_1666 = tpu.vector_load %arg9[%get3A_1663, %get3A_1664, %get3A_1665] {strides = array<i32>} : memref<3x128x128xf32, #tpu.memory_space<vmem>>, vector<16xf32>,
        %select_n3A_1667 = arith.select %eq3A_1658, %get3A_1666, %get3A_1662 : vector<16xi1>, vector<16xf32>
        %mul3A_1668 = arith.constant 8.000000e+00 : f32
        %mul3A_1669 = vector.broadcast %mul3A_1668 : f32 to vector<16xf32>
        %mul3A_1670 = arith.mulf %select_n3A_1667, %mul3A_1669 : vector<16xf32>
        %mul3A_1671 = arith.constant 64 : i32
        %mul3A_1672 = arith.muli %select_n3A_1643, %mul3A_1671 : i32
        %add3A_1673 = arith.constant 0 : i32
        %add3A_1674 = arith.addi %mul3A_1672, %add3A_1673 : i32
        %get3A_1675 = arith.index_cast %add3A_1674 : i32 to index
        %get3A_1676 = tpu.vector_load %arg6[%get3A_1675] {strides = array<i32>} : memref<12800xf32, #tpu.memory_space<vmem>>, vector<16xf32>,
        %add3A_1677 = arith.addf %mul3A_1670, %get3A_1676 : vector<16xf32>
        %swap3A_1678 = arith.index_cast %rem3A_222 : i32 to index
        %swap3A_1679 = arith.index_cast %add3A_1647 : i32 to index
        %swap3A_1680 = arith.constant 0 : index
        %swap3A_1681 = tpu.vector_load %arg10[%swap3A_1678, %swap3A_1679, %swap3A_1680] {strides = array<i32>} : memref<2x128x64xf32, #tpu.memory_space<vmem>>, vector<16xf32>,
        tpu.vector_store %arg10[%swap3A_1678, %swap3A_1679, %swap3A_1680], %add3A_1677 {strides = array<i32>} : memref<2x128x64xf32, #tpu.memory_space<vmem>>, vector<16xf32>,
        %get3A_1682 = arith.index_cast %rem3A_216 : i32 to index
        %get3A_1683 = arith.index_cast %add3A_1647 : i32 to index
        %get3A_1684 = arith.constant 16 : index
        %get3A_1685 = tpu.vector_load %arg9[%get3A_1682, %get3A_1683, %get3A_1684] {strides = array<i32>} : memref<3x128x128xf32, #tpu.memory_space<vmem>>, vector<16xf32>,
        %get3A_1686 = arith.index_cast %rem3A_216 : i32 to index
        %get3A_1687 = arith.index_cast %add3A_1647 : i32 to index
        %get3A_1688 = arith.constant 80 : index
        %get3A_1689 = tpu.vector_load %arg9[%get3A_1686, %get3A_1687, %get3A_1688] {strides = array<i32>} : memref<3x128x128xf32, #tpu.memory_space<vmem>>, vector<16xf32>,
        %select_n3A_1690 = arith.select %eq3A_1658, %get3A_1689, %get3A_1685 : vector<16xi1>, vector<16xf32>
        %mul3A_1691 = arith.constant 8.000000e+00 : f32
        %mul3A_1692 = vector.broadcast %mul3A_1691 : f32 to vector<16xf32>
        %mul3A_1693 = arith.mulf %select_n3A_1690, %mul3A_1692 : vector<16xf32>
        %mul3A_1694 = arith.constant 64 : i32
        %mul3A_1695 = arith.muli %select_n3A_1643, %mul3A_1694 : i32
        %add3A_1696 = arith.constant 16 : i32
        %add3A_1697 = arith.addi %mul3A_1695, %add3A_1696 : i32
        %get3A_1698 = arith.index_cast %add3A_1697 : i32 to index
        %get3A_1699 = tpu.vector_load %arg6[%get3A_1698] {strides = array<i32>} : memref<12800xf32, #tpu.memory_space<vmem>>, vector<16xf32>,
        %add3A_1700 = arith.addf %mul3A_1693, %get3A_1699 : vector<16xf32>
        %swap3A_1701 = arith.index_cast %rem3A_222 : i32 to index
        %swap3A_1702 = arith.index_cast %add3A_1647 : i32 to index
        %swap3A_1703 = arith.constant 16 : index
        %swap3A_1704 = tpu.vector_load %arg10[%swap3A_1701, %swap3A_1702, %swap3A_1703] {strides = array<i32>} : memref<2x128x64xf32, #tpu.memory_space<vmem>>, vector<16xf32>,
        tpu.vector_store %arg10[%swap3A_1701, %swap3A_1702, %swap3A_1703], %add3A_1700 {strides = array<i32>} : memref<2x128x64xf32, #tpu.memory_space<vmem>>, vector<16xf32>,
        %get3A_1705 = arith.index_cast %rem3A_216 : i32 to index
        %get3A_1706 = arith.index_cast %add3A_1647 : i32 to index
        %get3A_1707 = arith.constant 32 : index
        %get3A_1708 = tpu.vector_load %arg9[%get3A_1705, %get3A_1706, %get3A_1707] {strides = array<i32>} : memref<3x128x128xf32, #tpu.memory_space<vmem>>, vector<16xf32>,
        %get3A_1709 = arith.index_cast %rem3A_216 : i32 to index
        %get3A_1710 = arith.index_cast %add3A_1647 : i32 to index
        %get3A_1711 = arith.constant 96 : index
        %get3A_1712 = tpu.vector_load %arg9[%get3A_1709, %get3A_1710, %get3A_1711] {strides = array<i32>} : memref<3x128x128xf32, #tpu.memory_space<vmem>>, vector<16xf32>,
        %select_n3A_1713 = arith.select %eq3A_1658, %get3A_1712, %get3A_1708 : vector<16xi1>, vector<16xf32>
        %mul3A_1714 = arith.constant 8.000000e+00 : f32
        %mul3A_1715 = vector.broadcast %mul3A_1714 : f32 to vector<16xf32>
        %mul3A_1716 = arith.mulf %select_n3A_1713, %mul3A_1715 : vector<16xf32>
        %mul3A_1717 = arith.constant 64 : i32
        %mul3A_1718 = arith.muli %select_n3A_1643, %mul3A_1717 : i32
        %add3A_1719 = arith.constant 32 : i32
        %add3A_1720 = arith.addi %mul3A_1718, %add3A_1719 : i32
        %get3A_1721 = arith.index_cast %add3A_1720 : i32 to index
        %get3A_1722 = tpu.vector_load %arg6[%get3A_1721] {strides = array<i32>} : memref<12800xf32, #tpu.memory_space<vmem>>, vector<16xf32>,
        %add3A_1723 = arith.addf %mul3A_1716, %get3A_1722 : vector<16xf32>
        %swap3A_1724 = arith.index_cast %rem3A_222 : i32 to index
        %swap3A_1725 = arith.index_cast %add3A_1647 : i32 to index
        %swap3A_1726 = arith.constant 32 : index
        %swap3A_1727 = tpu.vector_load %arg10[%swap3A_1724, %swap3A_1725, %swap3A_1726] {strides = array<i32>} : memref<2x128x64xf32, #tpu.memory_space<vmem>>, vector<16xf32>,
        tpu.vector_store %arg10[%swap3A_1724, %swap3A_1725, %swap3A_1726], %add3A_1723 {strides = array<i32>} : memref<2x128x64xf32, #tpu.memory_space<vmem>>, vector<16xf32>,
        %get3A_1728 = arith.index_cast %rem3A_216 : i32 to index
        %get3A_1729 = arith.index_cast %add3A_1647 : i32 to index
        %get3A_1730 = arith.constant 48 : index
        %get3A_1731 = tpu.vector_load %arg9[%get3A_1728, %get3A_1729, %get3A_1730] {strides = array<i32>} : memref<3x128x128xf32, #tpu.memory_space<vmem>>, vector<16xf32>,
        %get3A_1732 = arith.index_cast %rem3A_216 : i32 to index
        %get3A_1733 = arith.index_cast %add3A_1647 : i32 to index
        %get3A_1734 = arith.constant 112 : index
        %get3A_1735 = tpu.vector_load %arg9[%get3A_1732, %get3A_1733, %get3A_1734] {strides = array<i32>} : memref<3x128x128xf32, #tpu.memory_space<vmem>>, vector<16xf32>,
        %select_n3A_1736 = arith.select %eq3A_1658, %get3A_1735, %get3A_1731 : vector<16xi1>, vector<16xf32>
        %mul3A_1737 = arith.constant 8.000000e+00 : f32
        %mul3A_1738 = vector.broadcast %mul3A_1737 : f32 to vector<16xf32>
        %mul3A_1739 = arith.mulf %select_n3A_1736, %mul3A_1738 : vector<16xf32>
        %mul3A_1740 = arith.constant 64 : i32
        %mul3A_1741 = arith.muli %select_n3A_1643, %mul3A_1740 : i32
        %add3A_1742 = arith.constant 48 : i32
        %add3A_1743 = arith.addi %mul3A_1741, %add3A_1742 : i32
        %get3A_1744 = arith.index_cast %add3A_1743 : i32 to index
        %get3A_1745 = tpu.vector_load %arg6[%get3A_1744] {strides = array<i32>} : memref<12800xf32, #tpu.memory_space<vmem>>, vector<16xf32>,
        %add3A_1746 = arith.addf %mul3A_1739, %get3A_1745 : vector<16xf32>
        %swap3A_1747 = arith.index_cast %rem3A_222 : i32 to index
        %swap3A_1748 = arith.index_cast %add3A_1647 : i32 to index
        %swap3A_1749 = arith.constant 48 : index
        %swap3A_1750 = tpu.vector_load %arg10[%swap3A_1747, %swap3A_1748, %swap3A_1749] {strides = array<i32>} : memref<2x128x64xf32, #tpu.memory_space<vmem>>, vector<16xf32>,
        tpu.vector_store %arg10[%swap3A_1747, %swap3A_1748, %swap3A_1749], %add3A_1746 {strides = array<i32>} : memref<2x128x64xf32, #tpu.memory_space<vmem>>, vector<16xf32>,
        %add3A_1751 = arith.constant 1 : i32
        %add3A_1752 = arith.addi %select_n3A_1643, %add3A_1751 : i32
        %ge3A_1753 = arith.constant 200 : i32
        %ge3A_1754 = arith.cmpi sge, %add3A_1752, %ge3A_1753 : i32
        %sub3A_1755 = arith.constant 200 : i32
        %sub3A_1756 = arith.subi %add3A_1752, %sub3A_1755 : i32
        %select_n3A_1757 = arith.select %ge3A_1754, %sub3A_1756, %add3A_1752 : i32
        %mul3A_1758 = arith.constant 16 : i32
        %mul3A_1759 = arith.muli %mul3A_1758, %scan3A_271 : i32
        %add3A_1760 = arith.constant 13 : i32
        %add3A_1761 = arith.addi %mul3A_1759, %add3A_1760 : i32
        %broadcast_in_dim3A_1762 = arith.constant 0 : i32
        %broadcast_in_dim3A_1763 = vector.broadcast %broadcast_in_dim3A_1762 : i32 to vector<16xi32>
        %add3A_1764 = arith.constant 13 : i32
        %add3A_1765 = vector.broadcast %add3A_1764 : i32 to vector<16xi32>
        %add3A_1766 = arith.addi %broadcast_in_dim3A_1763, %add3A_1765 : vector<16xi32>
        %reshape3A_1767 = vector.shape_cast %add3A_1766 : vector<16xi32> to vector<16x1xi32>
        %gather3A_1768 = vector.shape_cast %reshape3A_1767 : vector<16x1xi32> to vector<16xi32>
        %gather3A_1769 = tpu.dynamic_gather %and3A_281[%gather3A_1768] in [0] : vector<16xi32>, vector<16xi32> -> vector<16xi32>
        %eq3A_1770 = arith.constant 1 : i32
        %eq3A_1771 = vector.broadcast %eq3A_1770 : i32 to vector<16xi32>
        %eq3A_1772 = arith.cmpi eq, %gather3A_1769, %eq3A_1771 : vector<16xi32>
        %get3A_1773 = arith.index_cast %rem3A_216 : i32 to index
        %get3A_1774 = arith.index_cast %add3A_1761 : i32 to index
        %get3A_1775 = arith.constant 0 : index
        %get3A_1776 = tpu.vector_load %arg9[%get3A_1773, %get3A_1774, %get3A_1775] {strides = array<i32>} : memref<3x128x128xf32, #tpu.memory_space<vmem>>, vector<16xf32>,
        %get3A_1777 = arith.index_cast %rem3A_216 : i32 to index
        %get3A_1778 = arith.index_cast %add3A_1761 : i32 to index
        %get3A_1779 = arith.constant 64 : index
        %get3A_1780 = tpu.vector_load %arg9[%get3A_1777, %get3A_1778, %get3A_1779] {strides = array<i32>} : memref<3x128x128xf32, #tpu.memory_space<vmem>>, vector<16xf32>,
        %select_n3A_1781 = arith.select %eq3A_1772, %get3A_1780, %get3A_1776 : vector<16xi1>, vector<16xf32>
        %mul3A_1782 = arith.constant 8.000000e+00 : f32
        %mul3A_1783 = vector.broadcast %mul3A_1782 : f32 to vector<16xf32>
        %mul3A_1784 = arith.mulf %select_n3A_1781, %mul3A_1783 : vector<16xf32>
        %mul3A_1785 = arith.constant 64 : i32
        %mul3A_1786 = arith.muli %select_n3A_1757, %mul3A_1785 : i32
        %add3A_1787 = arith.constant 0 : i32
        %add3A_1788 = arith.addi %mul3A_1786, %add3A_1787 : i32
        %get3A_1789 = arith.index_cast %add3A_1788 : i32 to index
        %get3A_1790 = tpu.vector_load %arg6[%get3A_1789] {strides = array<i32>} : memref<12800xf32, #tpu.memory_space<vmem>>, vector<16xf32>,
        %add3A_1791 = arith.addf %mul3A_1784, %get3A_1790 : vector<16xf32>
        %swap3A_1792 = arith.index_cast %rem3A_222 : i32 to index
        %swap3A_1793 = arith.index_cast %add3A_1761 : i32 to index
        %swap3A_1794 = arith.constant 0 : index
        %swap3A_1795 = tpu.vector_load %arg10[%swap3A_1792, %swap3A_1793, %swap3A_1794] {strides = array<i32>} : memref<2x128x64xf32, #tpu.memory_space<vmem>>, vector<16xf32>,
        tpu.vector_store %arg10[%swap3A_1792, %swap3A_1793, %swap3A_1794], %add3A_1791 {strides = array<i32>} : memref<2x128x64xf32, #tpu.memory_space<vmem>>, vector<16xf32>,
        %get3A_1796 = arith.index_cast %rem3A_216 : i32 to index
        %get3A_1797 = arith.index_cast %add3A_1761 : i32 to index
        %get3A_1798 = arith.constant 16 : index
        %get3A_1799 = tpu.vector_load %arg9[%get3A_1796, %get3A_1797, %get3A_1798] {strides = array<i32>} : memref<3x128x128xf32, #tpu.memory_space<vmem>>, vector<16xf32>,
        %get3A_1800 = arith.index_cast %rem3A_216 : i32 to index
        %get3A_1801 = arith.index_cast %add3A_1761 : i32 to index
        %get3A_1802 = arith.constant 80 : index
        %get3A_1803 = tpu.vector_load %arg9[%get3A_1800, %get3A_1801, %get3A_1802] {strides = array<i32>} : memref<3x128x128xf32, #tpu.memory_space<vmem>>, vector<16xf32>,
        %select_n3A_1804 = arith.select %eq3A_1772, %get3A_1803, %get3A_1799 : vector<16xi1>, vector<16xf32>
        %mul3A_1805 = arith.constant 8.000000e+00 : f32
        %mul3A_1806 = vector.broadcast %mul3A_1805 : f32 to vector<16xf32>
        %mul3A_1807 = arith.mulf %select_n3A_1804, %mul3A_1806 : vector<16xf32>
        %mul3A_1808 = arith.constant 64 : i32
        %mul3A_1809 = arith.muli %select_n3A_1757, %mul3A_1808 : i32
        %add3A_1810 = arith.constant 16 : i32
        %add3A_1811 = arith.addi %mul3A_1809, %add3A_1810 : i32
        %get3A_1812 = arith.index_cast %add3A_1811 : i32 to index
        %get3A_1813 = tpu.vector_load %arg6[%get3A_1812] {strides = array<i32>} : memref<12800xf32, #tpu.memory_space<vmem>>, vector<16xf32>,
        %add3A_1814 = arith.addf %mul3A_1807, %get3A_1813 : vector<16xf32>
        %swap3A_1815 = arith.index_cast %rem3A_222 : i32 to index
        %swap3A_1816 = arith.index_cast %add3A_1761 : i32 to index
        %swap3A_1817 = arith.constant 16 : index
        %swap3A_1818 = tpu.vector_load %arg10[%swap3A_1815, %swap3A_1816, %swap3A_1817] {strides = array<i32>} : memref<2x128x64xf32, #tpu.memory_space<vmem>>, vector<16xf32>,
        tpu.vector_store %arg10[%swap3A_1815, %swap3A_1816, %swap3A_1817], %add3A_1814 {strides = array<i32>} : memref<2x128x64xf32, #tpu.memory_space<vmem>>, vector<16xf32>,
        %get3A_1819 = arith.index_cast %rem3A_216 : i32 to index
        %get3A_1820 = arith.index_cast %add3A_1761 : i32 to index
        %get3A_1821 = arith.constant 32 : index
        %get3A_1822 = tpu.vector_load %arg9[%get3A_1819, %get3A_1820, %get3A_1821] {strides = array<i32>} : memref<3x128x128xf32, #tpu.memory_space<vmem>>, vector<16xf32>,
        %get3A_1823 = arith.index_cast %rem3A_216 : i32 to index
        %get3A_1824 = arith.index_cast %add3A_1761 : i32 to index
        %get3A_1825 = arith.constant 96 : index
        %get3A_1826 = tpu.vector_load %arg9[%get3A_1823, %get3A_1824, %get3A_1825] {strides = array<i32>} : memref<3x128x128xf32, #tpu.memory_space<vmem>>, vector<16xf32>,
        %select_n3A_1827 = arith.select %eq3A_1772, %get3A_1826, %get3A_1822 : vector<16xi1>, vector<16xf32>
        %mul3A_1828 = arith.constant 8.000000e+00 : f32
        %mul3A_1829 = vector.broadcast %mul3A_1828 : f32 to vector<16xf32>
        %mul3A_1830 = arith.mulf %select_n3A_1827, %mul3A_1829 : vector<16xf32>
        %mul3A_1831 = arith.constant 64 : i32
        %mul3A_1832 = arith.muli %select_n3A_1757, %mul3A_1831 : i32
        %add3A_1833 = arith.constant 32 : i32
        %add3A_1834 = arith.addi %mul3A_1832, %add3A_1833 : i32
        %get3A_1835 = arith.index_cast %add3A_1834 : i32 to index
        %get3A_1836 = tpu.vector_load %arg6[%get3A_1835] {strides = array<i32>} : memref<12800xf32, #tpu.memory_space<vmem>>, vector<16xf32>,
        %add3A_1837 = arith.addf %mul3A_1830, %get3A_1836 : vector<16xf32>
        %swap3A_1838 = arith.index_cast %rem3A_222 : i32 to index
        %swap3A_1839 = arith.index_cast %add3A_1761 : i32 to index
        %swap3A_1840 = arith.constant 32 : index
        %swap3A_1841 = tpu.vector_load %arg10[%swap3A_1838, %swap3A_1839, %swap3A_1840] {strides = array<i32>} : memref<2x128x64xf32, #tpu.memory_space<vmem>>, vector<16xf32>,
        tpu.vector_store %arg10[%swap3A_1838, %swap3A_1839, %swap3A_1840], %add3A_1837 {strides = array<i32>} : memref<2x128x64xf32, #tpu.memory_space<vmem>>, vector<16xf32>,
        %get3A_1842 = arith.index_cast %rem3A_216 : i32 to index
        %get3A_1843 = arith.index_cast %add3A_1761 : i32 to index
        %get3A_1844 = arith.constant 48 : index
        %get3A_1845 = tpu.vector_load %arg9[%get3A_1842, %get3A_1843, %get3A_1844] {strides = array<i32>} : memref<3x128x128xf32, #tpu.memory_space<vmem>>, vector<16xf32>,
        %get3A_1846 = arith.index_cast %rem3A_216 : i32 to index
        %get3A_1847 = arith.index_cast %add3A_1761 : i32 to index
        %get3A_1848 = arith.constant 112 : index
        %get3A_1849 = tpu.vector_load %arg9[%get3A_1846, %get3A_1847, %get3A_1848] {strides = array<i32>} : memref<3x128x128xf32, #tpu.memory_space<vmem>>, vector<16xf32>,
        %select_n3A_1850 = arith.select %eq3A_1772, %get3A_1849, %get3A_1845 : vector<16xi1>, vector<16xf32>
        %mul3A_1851 = arith.constant 8.000000e+00 : f32
        %mul3A_1852 = vector.broadcast %mul3A_1851 : f32 to vector<16xf32>
        %mul3A_1853 = arith.mulf %select_n3A_1850, %mul3A_1852 : vector<16xf32>
        %mul3A_1854 = arith.constant 64 : i32
        %mul3A_1855 = arith.muli %select_n3A_1757, %mul3A_1854 : i32
        %add3A_1856 = arith.constant 48 : i32
        %add3A_1857 = arith.addi %mul3A_1855, %add3A_1856 : i32
        %get3A_1858 = arith.index_cast %add3A_1857 : i32 to index
        %get3A_1859 = tpu.vector_load %arg6[%get3A_1858] {strides = array<i32>} : memref<12800xf32, #tpu.memory_space<vmem>>, vector<16xf32>,
        %add3A_1860 = arith.addf %mul3A_1853, %get3A_1859 : vector<16xf32>
        %swap3A_1861 = arith.index_cast %rem3A_222 : i32 to index
        %swap3A_1862 = arith.index_cast %add3A_1761 : i32 to index
        %swap3A_1863 = arith.constant 48 : index
        %swap3A_1864 = tpu.vector_load %arg10[%swap3A_1861, %swap3A_1862, %swap3A_1863] {strides = array<i32>} : memref<2x128x64xf32, #tpu.memory_space<vmem>>, vector<16xf32>,
        tpu.vector_store %arg10[%swap3A_1861, %swap3A_1862, %swap3A_1863], %add3A_1860 {strides = array<i32>} : memref<2x128x64xf32, #tpu.memory_space<vmem>>, vector<16xf32>,
        %add3A_1865 = arith.constant 1 : i32
        %add3A_1866 = arith.addi %select_n3A_1757, %add3A_1865 : i32
        %ge3A_1867 = arith.constant 200 : i32
        %ge3A_1868 = arith.cmpi sge, %add3A_1866, %ge3A_1867 : i32
        %sub3A_1869 = arith.constant 200 : i32
        %sub3A_1870 = arith.subi %add3A_1866, %sub3A_1869 : i32
        %select_n3A_1871 = arith.select %ge3A_1868, %sub3A_1870, %add3A_1866 : i32
        %mul3A_1872 = arith.constant 16 : i32
        %mul3A_1873 = arith.muli %mul3A_1872, %scan3A_271 : i32
        %add3A_1874 = arith.constant 14 : i32
        %add3A_1875 = arith.addi %mul3A_1873, %add3A_1874 : i32
        %broadcast_in_dim3A_1876 = arith.constant 0 : i32
        %broadcast_in_dim3A_1877 = vector.broadcast %broadcast_in_dim3A_1876 : i32 to vector<16xi32>
        %add3A_1878 = arith.constant 14 : i32
        %add3A_1879 = vector.broadcast %add3A_1878 : i32 to vector<16xi32>
        %add3A_1880 = arith.addi %broadcast_in_dim3A_1877, %add3A_1879 : vector<16xi32>
        %reshape3A_1881 = vector.shape_cast %add3A_1880 : vector<16xi32> to vector<16x1xi32>
        %gather3A_1882 = vector.shape_cast %reshape3A_1881 : vector<16x1xi32> to vector<16xi32>
        %gather3A_1883 = tpu.dynamic_gather %and3A_281[%gather3A_1882] in [0] : vector<16xi32>, vector<16xi32> -> vector<16xi32>
        %eq3A_1884 = arith.constant 1 : i32
        %eq3A_1885 = vector.broadcast %eq3A_1884 : i32 to vector<16xi32>
        %eq3A_1886 = arith.cmpi eq, %gather3A_1883, %eq3A_1885 : vector<16xi32>
        %get3A_1887 = arith.index_cast %rem3A_216 : i32 to index
        %get3A_1888 = arith.index_cast %add3A_1875 : i32 to index
        %get3A_1889 = arith.constant 0 : index
        %get3A_1890 = tpu.vector_load %arg9[%get3A_1887, %get3A_1888, %get3A_1889] {strides = array<i32>} : memref<3x128x128xf32, #tpu.memory_space<vmem>>, vector<16xf32>,
        %get3A_1891 = arith.index_cast %rem3A_216 : i32 to index
        %get3A_1892 = arith.index_cast %add3A_1875 : i32 to index
        %get3A_1893 = arith.constant 64 : index
        %get3A_1894 = tpu.vector_load %arg9[%get3A_1891, %get3A_1892, %get3A_1893] {strides = array<i32>} : memref<3x128x128xf32, #tpu.memory_space<vmem>>, vector<16xf32>,
        %select_n3A_1895 = arith.select %eq3A_1886, %get3A_1894, %get3A_1890 : vector<16xi1>, vector<16xf32>
        %mul3A_1896 = arith.constant 8.000000e+00 : f32
        %mul3A_1897 = vector.broadcast %mul3A_1896 : f32 to vector<16xf32>
        %mul3A_1898 = arith.mulf %select_n3A_1895, %mul3A_1897 : vector<16xf32>
        %mul3A_1899 = arith.constant 64 : i32
        %mul3A_1900 = arith.muli %select_n3A_1871, %mul3A_1899 : i32
        %add3A_1901 = arith.constant 0 : i32
        %add3A_1902 = arith.addi %mul3A_1900, %add3A_1901 : i32
        %get3A_1903 = arith.index_cast %add3A_1902 : i32 to index
        %get3A_1904 = tpu.vector_load %arg6[%get3A_1903] {strides = array<i32>} : memref<12800xf32, #tpu.memory_space<vmem>>, vector<16xf32>,
        %add3A_1905 = arith.addf %mul3A_1898, %get3A_1904 : vector<16xf32>
        %swap3A_1906 = arith.index_cast %rem3A_222 : i32 to index
        %swap3A_1907 = arith.index_cast %add3A_1875 : i32 to index
        %swap3A_1908 = arith.constant 0 : index
        %swap3A_1909 = tpu.vector_load %arg10[%swap3A_1906, %swap3A_1907, %swap3A_1908] {strides = array<i32>} : memref<2x128x64xf32, #tpu.memory_space<vmem>>, vector<16xf32>,
        tpu.vector_store %arg10[%swap3A_1906, %swap3A_1907, %swap3A_1908], %add3A_1905 {strides = array<i32>} : memref<2x128x64xf32, #tpu.memory_space<vmem>>, vector<16xf32>,
        %get3A_1910 = arith.index_cast %rem3A_216 : i32 to index
        %get3A_1911 = arith.index_cast %add3A_1875 : i32 to index
        %get3A_1912 = arith.constant 16 : index
        %get3A_1913 = tpu.vector_load %arg9[%get3A_1910, %get3A_1911, %get3A_1912] {strides = array<i32>} : memref<3x128x128xf32, #tpu.memory_space<vmem>>, vector<16xf32>,
        %get3A_1914 = arith.index_cast %rem3A_216 : i32 to index
        %get3A_1915 = arith.index_cast %add3A_1875 : i32 to index
        %get3A_1916 = arith.constant 80 : index
        %get3A_1917 = tpu.vector_load %arg9[%get3A_1914, %get3A_1915, %get3A_1916] {strides = array<i32>} : memref<3x128x128xf32, #tpu.memory_space<vmem>>, vector<16xf32>,
        %select_n3A_1918 = arith.select %eq3A_1886, %get3A_1917, %get3A_1913 : vector<16xi1>, vector<16xf32>
        %mul3A_1919 = arith.constant 8.000000e+00 : f32
        %mul3A_1920 = vector.broadcast %mul3A_1919 : f32 to vector<16xf32>
        %mul3A_1921 = arith.mulf %select_n3A_1918, %mul3A_1920 : vector<16xf32>
        %mul3A_1922 = arith.constant 64 : i32
        %mul3A_1923 = arith.muli %select_n3A_1871, %mul3A_1922 : i32
        %add3A_1924 = arith.constant 16 : i32
        %add3A_1925 = arith.addi %mul3A_1923, %add3A_1924 : i32
        %get3A_1926 = arith.index_cast %add3A_1925 : i32 to index
        %get3A_1927 = tpu.vector_load %arg6[%get3A_1926] {strides = array<i32>} : memref<12800xf32, #tpu.memory_space<vmem>>, vector<16xf32>,
        %add3A_1928 = arith.addf %mul3A_1921, %get3A_1927 : vector<16xf32>
        %swap3A_1929 = arith.index_cast %rem3A_222 : i32 to index
        %swap3A_1930 = arith.index_cast %add3A_1875 : i32 to index
        %swap3A_1931 = arith.constant 16 : index
        %swap3A_1932 = tpu.vector_load %arg10[%swap3A_1929, %swap3A_1930, %swap3A_1931] {strides = array<i32>} : memref<2x128x64xf32, #tpu.memory_space<vmem>>, vector<16xf32>,
        tpu.vector_store %arg10[%swap3A_1929, %swap3A_1930, %swap3A_1931], %add3A_1928 {strides = array<i32>} : memref<2x128x64xf32, #tpu.memory_space<vmem>>, vector<16xf32>,
        %get3A_1933 = arith.index_cast %rem3A_216 : i32 to index
        %get3A_1934 = arith.index_cast %add3A_1875 : i32 to index
        %get3A_1935 = arith.constant 32 : index
        %get3A_1936 = tpu.vector_load %arg9[%get3A_1933, %get3A_1934, %get3A_1935] {strides = array<i32>} : memref<3x128x128xf32, #tpu.memory_space<vmem>>, vector<16xf32>,
        %get3A_1937 = arith.index_cast %rem3A_216 : i32 to index
        %get3A_1938 = arith.index_cast %add3A_1875 : i32 to index
        %get3A_1939 = arith.constant 96 : index
        %get3A_1940 = tpu.vector_load %arg9[%get3A_1937, %get3A_1938, %get3A_1939] {strides = array<i32>} : memref<3x128x128xf32, #tpu.memory_space<vmem>>, vector<16xf32>,
        %select_n3A_1941 = arith.select %eq3A_1886, %get3A_1940, %get3A_1936 : vector<16xi1>, vector<16xf32>
        %mul3A_1942 = arith.constant 8.000000e+00 : f32
        %mul3A_1943 = vector.broadcast %mul3A_1942 : f32 to vector<16xf32>
        %mul3A_1944 = arith.mulf %select_n3A_1941, %mul3A_1943 : vector<16xf32>
        %mul3A_1945 = arith.constant 64 : i32
        %mul3A_1946 = arith.muli %select_n3A_1871, %mul3A_1945 : i32
        %add3A_1947 = arith.constant 32 : i32
        %add3A_1948 = arith.addi %mul3A_1946, %add3A_1947 : i32
        %get3A_1949 = arith.index_cast %add3A_1948 : i32 to index
        %get3A_1950 = tpu.vector_load %arg6[%get3A_1949] {strides = array<i32>} : memref<12800xf32, #tpu.memory_space<vmem>>, vector<16xf32>,
        %add3A_1951 = arith.addf %mul3A_1944, %get3A_1950 : vector<16xf32>
        %swap3A_1952 = arith.index_cast %rem3A_222 : i32 to index
        %swap3A_1953 = arith.index_cast %add3A_1875 : i32 to index
        %swap3A_1954 = arith.constant 32 : index
        %swap3A_1955 = tpu.vector_load %arg10[%swap3A_1952, %swap3A_1953, %swap3A_1954] {strides = array<i32>} : memref<2x128x64xf32, #tpu.memory_space<vmem>>, vector<16xf32>,
        tpu.vector_store %arg10[%swap3A_1952, %swap3A_1953, %swap3A_1954], %add3A_1951 {strides = array<i32>} : memref<2x128x64xf32, #tpu.memory_space<vmem>>, vector<16xf32>,
        %get3A_1956 = arith.index_cast %rem3A_216 : i32 to index
        %get3A_1957 = arith.index_cast %add3A_1875 : i32 to index
        %get3A_1958 = arith.constant 48 : index
        %get3A_1959 = tpu.vector_load %arg9[%get3A_1956, %get3A_1957, %get3A_1958] {strides = array<i32>} : memref<3x128x128xf32, #tpu.memory_space<vmem>>, vector<16xf32>,
        %get3A_1960 = arith.index_cast %rem3A_216 : i32 to index
        %get3A_1961 = arith.index_cast %add3A_1875 : i32 to index
        %get3A_1962 = arith.constant 112 : index
        %get3A_1963 = tpu.vector_load %arg9[%get3A_1960, %get3A_1961, %get3A_1962] {strides = array<i32>} : memref<3x128x128xf32, #tpu.memory_space<vmem>>, vector<16xf32>,
        %select_n3A_1964 = arith.select %eq3A_1886, %get3A_1963, %get3A_1959 : vector<16xi1>, vector<16xf32>
        %mul3A_1965 = arith.constant 8.000000e+00 : f32
        %mul3A_1966 = vector.broadcast %mul3A_1965 : f32 to vector<16xf32>
        %mul3A_1967 = arith.mulf %select_n3A_1964, %mul3A_1966 : vector<16xf32>
        %mul3A_1968 = arith.constant 64 : i32
        %mul3A_1969 = arith.muli %select_n3A_1871, %mul3A_1968 : i32
        %add3A_1970 = arith.constant 48 : i32
        %add3A_1971 = arith.addi %mul3A_1969, %add3A_1970 : i32
        %get3A_1972 = arith.index_cast %add3A_1971 : i32 to index
        %get3A_1973 = tpu.vector_load %arg6[%get3A_1972] {strides = array<i32>} : memref<12800xf32, #tpu.memory_space<vmem>>, vector<16xf32>,
        %add3A_1974 = arith.addf %mul3A_1967, %get3A_1973 : vector<16xf32>
        %swap3A_1975 = arith.index_cast %rem3A_222 : i32 to index
        %swap3A_1976 = arith.index_cast %add3A_1875 : i32 to index
        %swap3A_1977 = arith.constant 48 : index
        %swap3A_1978 = tpu.vector_load %arg10[%swap3A_1975, %swap3A_1976, %swap3A_1977] {strides = array<i32>} : memref<2x128x64xf32, #tpu.memory_space<vmem>>, vector<16xf32>,
        tpu.vector_store %arg10[%swap3A_1975, %swap3A_1976, %swap3A_1977], %add3A_1974 {strides = array<i32>} : memref<2x128x64xf32, #tpu.memory_space<vmem>>, vector<16xf32>,
        %add3A_1979 = arith.constant 1 : i32
        %add3A_1980 = arith.addi %select_n3A_1871, %add3A_1979 : i32
        %ge3A_1981 = arith.constant 200 : i32
        %ge3A_1982 = arith.cmpi sge, %add3A_1980, %ge3A_1981 : i32
        %sub3A_1983 = arith.constant 200 : i32
        %sub3A_1984 = arith.subi %add3A_1980, %sub3A_1983 : i32
        %select_n3A_1985 = arith.select %ge3A_1982, %sub3A_1984, %add3A_1980 : i32
        %mul3A_1986 = arith.constant 16 : i32
        %mul3A_1987 = arith.muli %mul3A_1986, %scan3A_271 : i32
        %add3A_1988 = arith.constant 15 : i32
        %add3A_1989 = arith.addi %mul3A_1987, %add3A_1988 : i32
        %broadcast_in_dim3A_1990 = arith.constant 0 : i32
        %broadcast_in_dim3A_1991 = vector.broadcast %broadcast_in_dim3A_1990 : i32 to vector<16xi32>
        %add3A_1992 = arith.constant 15 : i32
        %add3A_1993 = vector.broadcast %add3A_1992 : i32 to vector<16xi32>
        %add3A_1994 = arith.addi %broadcast_in_dim3A_1991, %add3A_1993 : vector<16xi32>
        %reshape3A_1995 = vector.shape_cast %add3A_1994 : vector<16xi32> to vector<16x1xi32>
        %gather3A_1996 = vector.shape_cast %reshape3A_1995 : vector<16x1xi32> to vector<16xi32>
        %gather3A_1997 = tpu.dynamic_gather %and3A_281[%gather3A_1996] in [0] : vector<16xi32>, vector<16xi32> -> vector<16xi32>
        %eq3A_1998 = arith.constant 1 : i32
        %eq3A_1999 = vector.broadcast %eq3A_1998 : i32 to vector<16xi32>
        %eq3A_2000 = arith.cmpi eq, %gather3A_1997, %eq3A_1999 : vector<16xi32>
        %get3A_2001 = arith.index_cast %rem3A_216 : i32 to index
        %get3A_2002 = arith.index_cast %add3A_1989 : i32 to index
        %get3A_2003 = arith.constant 0 : index
        %get3A_2004 = tpu.vector_load %arg9[%get3A_2001, %get3A_2002, %get3A_2003] {strides = array<i32>} : memref<3x128x128xf32, #tpu.memory_space<vmem>>, vector<16xf32>,
        %get3A_2005 = arith.index_cast %rem3A_216 : i32 to index
        %get3A_2006 = arith.index_cast %add3A_1989 : i32 to index
        %get3A_2007 = arith.constant 64 : index
        %get3A_2008 = tpu.vector_load %arg9[%get3A_2005, %get3A_2006, %get3A_2007] {strides = array<i32>} : memref<3x128x128xf32, #tpu.memory_space<vmem>>, vector<16xf32>,
        %select_n3A_2009 = arith.select %eq3A_2000, %get3A_2008, %get3A_2004 : vector<16xi1>, vector<16xf32>
        %mul3A_2010 = arith.constant 8.000000e+00 : f32
        %mul3A_2011 = vector.broadcast %mul3A_2010 : f32 to vector<16xf32>
        %mul3A_2012 = arith.mulf %select_n3A_2009, %mul3A_2011 : vector<16xf32>
        %mul3A_2013 = arith.constant 64 : i32
        %mul3A_2014 = arith.muli %select_n3A_1985, %mul3A_2013 : i32
        %add3A_2015 = arith.constant 0 : i32
        %add3A_2016 = arith.addi %mul3A_2014, %add3A_2015 : i32
        %get3A_2017 = arith.index_cast %add3A_2016 : i32 to index
        %get3A_2018 = tpu.vector_load %arg6[%get3A_2017] {strides = array<i32>} : memref<12800xf32, #tpu.memory_space<vmem>>, vector<16xf32>,
        %add3A_2019 = arith.addf %mul3A_2012, %get3A_2018 : vector<16xf32>
        %swap3A_2020 = arith.index_cast %rem3A_222 : i32 to index
        %swap3A_2021 = arith.index_cast %add3A_1989 : i32 to index
        %swap3A_2022 = arith.constant 0 : index
        %swap3A_2023 = tpu.vector_load %arg10[%swap3A_2020, %swap3A_2021, %swap3A_2022] {strides = array<i32>} : memref<2x128x64xf32, #tpu.memory_space<vmem>>, vector<16xf32>,
        tpu.vector_store %arg10[%swap3A_2020, %swap3A_2021, %swap3A_2022], %add3A_2019 {strides = array<i32>} : memref<2x128x64xf32, #tpu.memory_space<vmem>>, vector<16xf32>,
        %get3A_2024 = arith.index_cast %rem3A_216 : i32 to index
        %get3A_2025 = arith.index_cast %add3A_1989 : i32 to index
        %get3A_2026 = arith.constant 16 : index
        %get3A_2027 = tpu.vector_load %arg9[%get3A_2024, %get3A_2025, %get3A_2026] {strides = array<i32>} : memref<3x128x128xf32, #tpu.memory_space<vmem>>, vector<16xf32>,
        %get3A_2028 = arith.index_cast %rem3A_216 : i32 to index
        %get3A_2029 = arith.index_cast %add3A_1989 : i32 to index
        %get3A_2030 = arith.constant 80 : index
        %get3A_2031 = tpu.vector_load %arg9[%get3A_2028, %get3A_2029, %get3A_2030] {strides = array<i32>} : memref<3x128x128xf32, #tpu.memory_space<vmem>>, vector<16xf32>,
        %select_n3A_2032 = arith.select %eq3A_2000, %get3A_2031, %get3A_2027 : vector<16xi1>, vector<16xf32>
        %mul3A_2033 = arith.constant 8.000000e+00 : f32
        %mul3A_2034 = vector.broadcast %mul3A_2033 : f32 to vector<16xf32>
        %mul3A_2035 = arith.mulf %select_n3A_2032, %mul3A_2034 : vector<16xf32>
        %mul3A_2036 = arith.constant 64 : i32
        %mul3A_2037 = arith.muli %select_n3A_1985, %mul3A_2036 : i32
        %add3A_2038 = arith.constant 16 : i32
        %add3A_2039 = arith.addi %mul3A_2037, %add3A_2038 : i32
        %get3A_2040 = arith.index_cast %add3A_2039 : i32 to index
        %get3A_2041 = tpu.vector_load %arg6[%get3A_2040] {strides = array<i32>} : memref<12800xf32, #tpu.memory_space<vmem>>, vector<16xf32>,
        %add3A_2042 = arith.addf %mul3A_2035, %get3A_2041 : vector<16xf32>
        %swap3A_2043 = arith.index_cast %rem3A_222 : i32 to index
        %swap3A_2044 = arith.index_cast %add3A_1989 : i32 to index
        %swap3A_2045 = arith.constant 16 : index
        %swap3A_2046 = tpu.vector_load %arg10[%swap3A_2043, %swap3A_2044, %swap3A_2045] {strides = array<i32>} : memref<2x128x64xf32, #tpu.memory_space<vmem>>, vector<16xf32>,
        tpu.vector_store %arg10[%swap3A_2043, %swap3A_2044, %swap3A_2045], %add3A_2042 {strides = array<i32>} : memref<2x128x64xf32, #tpu.memory_space<vmem>>, vector<16xf32>,
        %get3A_2047 = arith.index_cast %rem3A_216 : i32 to index
        %get3A_2048 = arith.index_cast %add3A_1989 : i32 to index
        %get3A_2049 = arith.constant 32 : index
        %get3A_2050 = tpu.vector_load %arg9[%get3A_2047, %get3A_2048, %get3A_2049] {strides = array<i32>} : memref<3x128x128xf32, #tpu.memory_space<vmem>>, vector<16xf32>,
        %get3A_2051 = arith.index_cast %rem3A_216 : i32 to index
        %get3A_2052 = arith.index_cast %add3A_1989 : i32 to index
        %get3A_2053 = arith.constant 96 : index
        %get3A_2054 = tpu.vector_load %arg9[%get3A_2051, %get3A_2052, %get3A_2053] {strides = array<i32>} : memref<3x128x128xf32, #tpu.memory_space<vmem>>, vector<16xf32>,
        %select_n3A_2055 = arith.select %eq3A_2000, %get3A_2054, %get3A_2050 : vector<16xi1>, vector<16xf32>
        %mul3A_2056 = arith.constant 8.000000e+00 : f32
        %mul3A_2057 = vector.broadcast %mul3A_2056 : f32 to vector<16xf32>
        %mul3A_2058 = arith.mulf %select_n3A_2055, %mul3A_2057 : vector<16xf32>
        %mul3A_2059 = arith.constant 64 : i32
        %mul3A_2060 = arith.muli %select_n3A_1985, %mul3A_2059 : i32
        %add3A_2061 = arith.constant 32 : i32
        %add3A_2062 = arith.addi %mul3A_2060, %add3A_2061 : i32
        %get3A_2063 = arith.index_cast %add3A_2062 : i32 to index
        %get3A_2064 = tpu.vector_load %arg6[%get3A_2063] {strides = array<i32>} : memref<12800xf32, #tpu.memory_space<vmem>>, vector<16xf32>,
        %add3A_2065 = arith.addf %mul3A_2058, %get3A_2064 : vector<16xf32>
        %swap3A_2066 = arith.index_cast %rem3A_222 : i32 to index
        %swap3A_2067 = arith.index_cast %add3A_1989 : i32 to index
        %swap3A_2068 = arith.constant 32 : index
        %swap3A_2069 = tpu.vector_load %arg10[%swap3A_2066, %swap3A_2067, %swap3A_2068] {strides = array<i32>} : memref<2x128x64xf32, #tpu.memory_space<vmem>>, vector<16xf32>,
        tpu.vector_store %arg10[%swap3A_2066, %swap3A_2067, %swap3A_2068], %add3A_2065 {strides = array<i32>} : memref<2x128x64xf32, #tpu.memory_space<vmem>>, vector<16xf32>,
        %get3A_2070 = arith.index_cast %rem3A_216 : i32 to index
        %get3A_2071 = arith.index_cast %add3A_1989 : i32 to index
        %get3A_2072 = arith.constant 48 : index
        %get3A_2073 = tpu.vector_load %arg9[%get3A_2070, %get3A_2071, %get3A_2072] {strides = array<i32>} : memref<3x128x128xf32, #tpu.memory_space<vmem>>, vector<16xf32>,
        %get3A_2074 = arith.index_cast %rem3A_216 : i32 to index
        %get3A_2075 = arith.index_cast %add3A_1989 : i32 to index
        %get3A_2076 = arith.constant 112 : index
        %get3A_2077 = tpu.vector_load %arg9[%get3A_2074, %get3A_2075, %get3A_2076] {strides = array<i32>} : memref<3x128x128xf32, #tpu.memory_space<vmem>>, vector<16xf32>,
        %select_n3A_2078 = arith.select %eq3A_2000, %get3A_2077, %get3A_2073 : vector<16xi1>, vector<16xf32>
        %mul3A_2079 = arith.constant 8.000000e+00 : f32
        %mul3A_2080 = vector.broadcast %mul3A_2079 : f32 to vector<16xf32>
        %mul3A_2081 = arith.mulf %select_n3A_2078, %mul3A_2080 : vector<16xf32>
        %mul3A_2082 = arith.constant 64 : i32
        %mul3A_2083 = arith.muli %select_n3A_1985, %mul3A_2082 : i32
        %add3A_2084 = arith.constant 48 : i32
        %add3A_2085 = arith.addi %mul3A_2083, %add3A_2084 : i32
        %get3A_2086 = arith.index_cast %add3A_2085 : i32 to index
        %get3A_2087 = tpu.vector_load %arg6[%get3A_2086] {strides = array<i32>} : memref<12800xf32, #tpu.memory_space<vmem>>, vector<16xf32>,
        %add3A_2088 = arith.addf %mul3A_2081, %get3A_2087 : vector<16xf32>
        %swap3A_2089 = arith.index_cast %rem3A_222 : i32 to index
        %swap3A_2090 = arith.index_cast %add3A_1989 : i32 to index
        %swap3A_2091 = arith.constant 48 : index
        %swap3A_2092 = tpu.vector_load %arg10[%swap3A_2089, %swap3A_2090, %swap3A_2091] {strides = array<i32>} : memref<2x128x64xf32, #tpu.memory_space<vmem>>, vector<16xf32>,
        tpu.vector_store %arg10[%swap3A_2089, %swap3A_2090, %swap3A_2091], %add3A_2088 {strides = array<i32>} : memref<2x128x64xf32, #tpu.memory_space<vmem>>, vector<16xf32>,
        %add3A_2093 = arith.constant 1 : i32
        %add3A_2094 = arith.addi %select_n3A_1985, %add3A_2093 : i32
        %ge3A_2095 = arith.constant 200 : i32
        %ge3A_2096 = arith.cmpi sge, %add3A_2094, %ge3A_2095 : i32
        %sub3A_2097 = arith.constant 200 : i32
        %sub3A_2098 = arith.subi %add3A_2094, %sub3A_2097 : i32
        %select_n3A_2099 = arith.select %ge3A_2096, %sub3A_2098, %add3A_2094 : i32
        scf.yield %select_n3A_2099 : i32
      }
      %scan3A_253 = arith.constant 8 : i32
      %mul3A_254 = arith.constant 128 : i32
      %mul3A_255 = arith.muli %mul3A_254, %scan3A_214 : i32
      %add3A_256 = arith.addi %multiple_of3A, %mul3A_255 : i32
      %dma_start3A_257 = arith.constant 0 : i32
      %dma_start3A_258 = arith.constant 0 : i32
      %dma_start3A_259 = tpu.memref_slice %arg10[%rem3A_222, %dma_start3A_257, %dma_start3A_258] : memref<2x128x64xf32, #tpu.memory_space<vmem>> -> memref<1x128x64xf32, #tpu.memory_space<vmem>>
      %dma_start3A_260 = tpu.memref_squeeze %dma_start3A_259 : memref<1x128x64xf32, #tpu.memory_space<vmem>> -> memref<128x64xf32, #tpu.memory_space<vmem>>
      %dma_start3A_261 = arith.constant 0 : i32
      %dma_start3A_262 = tpu.memref_slice %arg5[%add3A_256, %dma_start3A_261] : memref<819200x64xf32, #tpu.memory_space<hbm>> -> memref<128x64xf32, #tpu.memory_space<hbm>>
      %dma_start3A_263 = tpu.memref_slice %arg12[%rem3A_222] : memref<2x!tpu.dma_semaphore, #tpu.memory_space<semaphore_mem>> -> memref<1x!tpu.dma_semaphore, #tpu.memory_space<semaphore_mem>>
      %dma_start3A_264 = tpu.memref_squeeze %dma_start3A_263 : memref<1x!tpu.dma_semaphore, #tpu.memory_space<semaphore_mem>> -> memref<!tpu.dma_semaphore, #tpu.memory_space<semaphore_mem>>
      %dma_start3A_265 = arith.constant 0 : i32
      %dma_start3A_266 = tpu.memref_slice %arg5[%add3A_256, %dma_start3A_265] : memref<819200x64xf32, #tpu.memory_space<hbm>> -> memref<128x64xf32, #tpu.memory_space<hbm>>
      %dma_start3A_267 = arith.constant 0 : i32
      %dma_start3A_268 = arith.constant 0 : i32
      %dma_start3A_269 = tpu.memref_slice %arg10[%rem3A_222, %dma_start3A_267, %dma_start3A_268] : memref<2x128x64xf32, #tpu.memory_space<vmem>> -> memref<1x128x64xf32, #tpu.memory_space<vmem>>
      %dma_start3A_270 = tpu.memref_squeeze %dma_start3A_269 : memref<1x128x64xf32, #tpu.memory_space<vmem>> -> memref<128x64xf32, #tpu.memory_space<vmem>>
      tpu.enqueue_dma source(%dma_start3A_270 : memref<128x64xf32, #tpu.memory_space<vmem>>) target(%dma_start3A_266 : memref<128x64xf32, #tpu.memory_space<hbm>>) target_semaphore(%dma_start3A_264 : memref<!tpu.dma_semaphore, #tpu.memory_space<semaphore_mem>>)
    }
    %scan3A_177 = arith.constant 200 : i32
    %rem3A = arith.constant 198 : i32
    %rem3A_178 = arith.constant 2 : i32
    %rem3A_179 = arith.remsi %rem3A, %rem3A_178 : i32
    %add3A_180 = arith.constant 25344 : i32
    %add3A_181 = arith.addi %multiple_of3A, %add3A_180 : i32
    %dma_wait3A = arith.constant 0 : i32
    %dma_wait3A_182 = arith.constant 0 : i32
    %dma_wait3A_183 = tpu.memref_slice %arg10[%rem3A_179, %dma_wait3A, %dma_wait3A_182] : memref<2x128x64xf32, #tpu.memory_space<vmem>> -> memref<1x128x64xf32, #tpu.memory_space<vmem>>
    %dma_wait3A_184 = tpu.memref_squeeze %dma_wait3A_183 : memref<1x128x64xf32, #tpu.memory_space<vmem>> -> memref<128x64xf32, #tpu.memory_space<vmem>>
    %dma_wait3A_185 = arith.constant 0 : i32
    %dma_wait3A_186 = tpu.memref_slice %arg5[%add3A_181, %dma_wait3A_185] : memref<819200x64xf32, #tpu.memory_space<hbm>> -> memref<128x64xf32, #tpu.memory_space<hbm>>
    %dma_wait3A_187 = tpu.memref_slice %arg12[%rem3A_179] : memref<2x!tpu.dma_semaphore, #tpu.memory_space<semaphore_mem>> -> memref<1x!tpu.dma_semaphore, #tpu.memory_space<semaphore_mem>>
    %dma_wait3A_188 = tpu.memref_squeeze %dma_wait3A_187 : memref<1x!tpu.dma_semaphore, #tpu.memory_space<semaphore_mem>> -> memref<!tpu.dma_semaphore, #tpu.memory_space<semaphore_mem>>
    %dma_wait3A_189 = arith.constant 0 : i32
    %dma_wait3A_190 = tpu.memref_slice %arg5[%add3A_181, %dma_wait3A_189] : memref<819200x64xf32, #tpu.memory_space<hbm>> -> memref<128x64xf32, #tpu.memory_space<hbm>>
    %dma_wait3A_191 = arith.constant 0 : i32
    %dma_wait3A_192 = arith.constant 0 : i32
    %dma_wait3A_193 = tpu.memref_slice %arg10[%rem3A_179, %dma_wait3A_191, %dma_wait3A_192] : memref<2x128x64xf32, #tpu.memory_space<vmem>> -> memref<1x128x64xf32, #tpu.memory_space<vmem>>
    %dma_wait3A_194 = tpu.memref_squeeze %dma_wait3A_193 : memref<1x128x64xf32, #tpu.memory_space<vmem>> -> memref<128x64xf32, #tpu.memory_space<vmem>>
    tpu.wait_dma2 semaphore(%dma_wait3A_188 : memref<!tpu.dma_semaphore, #tpu.memory_space<semaphore_mem>>) src(%dma_wait3A_194 : memref<128x64xf32, #tpu.memory_space<vmem>>) dst(%dma_wait3A_190 : memref<128x64xf32, #tpu.memory_space<hbm>>)
    %rem3A_195 = arith.constant 199 : i32
    %rem3A_196 = arith.constant 2 : i32
    %rem3A_197 = arith.remsi %rem3A_195, %rem3A_196 : i32
    %add3A_198 = arith.constant 25472 : i32
    %add3A_199 = arith.addi %multiple_of3A, %add3A_198 : i32
    %dma_wait3A_200 = arith.constant 0 : i32
    %dma_wait3A_201 = arith.constant 0 : i32
    %dma_wait3A_202 = tpu.memref_slice %arg10[%rem3A_197, %dma_wait3A_200, %dma_wait3A_201] : memref<2x128x64xf32, #tpu.memory_space<vmem>> -> memref<1x128x64xf32, #tpu.memory_space<vmem>>
    %dma_wait3A_203 = tpu.memref_squeeze %dma_wait3A_202 : memref<1x128x64xf32, #tpu.memory_space<vmem>> -> memref<128x64xf32, #tpu.memory_space<vmem>>
    %dma_wait3A_204 = arith.constant 0 : i32
    %dma_wait3A_205 = tpu.memref_slice %arg5[%add3A_199, %dma_wait3A_204] : memref<819200x64xf32, #tpu.memory_space<hbm>> -> memref<128x64xf32, #tpu.memory_space<hbm>>
    %dma_wait3A_206 = tpu.memref_slice %arg12[%rem3A_197] : memref<2x!tpu.dma_semaphore, #tpu.memory_space<semaphore_mem>> -> memref<1x!tpu.dma_semaphore, #tpu.memory_space<semaphore_mem>>
    %dma_wait3A_207 = tpu.memref_squeeze %dma_wait3A_206 : memref<1x!tpu.dma_semaphore, #tpu.memory_space<semaphore_mem>> -> memref<!tpu.dma_semaphore, #tpu.memory_space<semaphore_mem>>
    %dma_wait3A_208 = arith.constant 0 : i32
    %dma_wait3A_209 = tpu.memref_slice %arg5[%add3A_199, %dma_wait3A_208] : memref<819200x64xf32, #tpu.memory_space<hbm>> -> memref<128x64xf32, #tpu.memory_space<hbm>>
    %dma_wait3A_210 = arith.constant 0 : i32
    %dma_wait3A_211 = arith.constant 0 : i32
    %dma_wait3A_212 = tpu.memref_slice %arg10[%rem3A_197, %dma_wait3A_210, %dma_wait3A_211] : memref<2x128x64xf32, #tpu.memory_space<vmem>> -> memref<1x128x64xf32, #tpu.memory_space<vmem>>
    %dma_wait3A_213 = tpu.memref_squeeze %dma_wait3A_212 : memref<1x128x64xf32, #tpu.memory_space<vmem>> -> memref<128x64xf32, #tpu.memory_space<vmem>>
    tpu.wait_dma2 semaphore(%dma_wait3A_207 : memref<!tpu.dma_semaphore, #tpu.memory_space<semaphore_mem>>) src(%dma_wait3A_213 : memref<128x64xf32, #tpu.memory_space<vmem>>) dst(%dma_wait3A_209 : memref<128x64xf32, #tpu.memory_space<hbm>>)
    return
  }
}

</mosaic_0001>

<sc_bundles>
// kernel: kernel.3.cloned.1.call-start
scs
__scs_entry_jumppad:
0x0: {  	(pc) =	sbr.rel $0x88, $3  }
0x1: {  	(tag) =	ssettag $0x0;
	lr =	simm.s32 $0x1  }
0x2: {  	[smem:$0x3F9F] =	sst lr;
	_ =	strace $0xD0000000  }
0x3: {  	_ = 	snop  }
0x4: {  	_ = 	snop  }
0x5: {  	_ = 	snop  }
0x6: {  	_ = 	snop  }
0x7: {  	_ = 	snop  }
__scs_overlays_trampoline_lowered:
0x8: {  	[smem:$0x3FAE] =	sst s0  }
0x9: {  	[smem:$0x3FAF] =	sst s1  }
0xa: {  	[smem:$0x3FB0] =	sst s2  }
0xb: {  	[smem:$0x3FB1] =	sst s3  }
0xc: {  	[smem:$0x3FB2] =	sst s4  }
0xd: {  	[smem:$0x3FB3] =	sst s5  }
0xe: {  	[smem:$0x3FB4] =	sst s6  }
0xf: {  	[smem:$0x3FB5] =	sst s7  }
0x10: {  	[smem:$0x3FB6] =	sst s8  }
0x11: {  	[smem:$0x3FB7] =	sst s9;
	s0 =	simm.s32 @!p0 $0x0  }
0x12: {  	s1 =	sld [smem:$0x3F9D];
	s0 =	simm.s32 @p0 $0x1  }
0x13: {  	[smem:$0x3FB8] =	sst s0;
	s0 =	simm.s32 @!p1 $0x0  }
0x14: {  	s2 =	sld [smem:$0x3F9C];
	s0 =	simm.s32 @p1 $0x1  }
0x15: {  	[smem:$0x3FB9] =	sst s0;
	s0 =	simm.s32 @!p2 $0x0  }
0x16: {  	s3 =	sld [smem:$0x3FDB];
	s0 =	simm.s32 @p2 $0x1  }
0x17: {  	s4 =	simm.s32 $0x1BF5;
	[smem:$0x3FBB] =	sst s0  }
0x18: {  	s0 =	sld [smem:$0x3F9E];
	_ =	swait.ge [sflag:s4], $0x0  }
0x19: {  	s7 =	sld [smem:$0x3F9F]  }
0x1a: {  	s8 =	sadd.s32 $0xFFFFE003, lr  }
0x1b: {  	s9 =	sadd.s32 $0xFFFFFEF7, lr;
	s5 =	simm.s32 $0xFFFFFFFF;
	p2 =	slt.u32 s8, $0xFFFFF086  }
0x1c: {  	p1 =	slt.u32 s9, $0xF7A;
	s5 =	simm.s32 @!p2 $0x0  }
0x1d: {  	s5 =	simm.s32 @p1 $0x1;
	p0 =	seq.s32 s7, s2  }
0x1e: {  	s7 =	smul.u32 @!p0 $0xF7A, s2;
	p2 =	seq.s32 @!p0 s5, $0x0  }
0x1f: {  	s9 =	smul.u32 $0xF7A, s1;
	s8 =	simm.s32 @!p0 $0x1BF5;
	p2 =	por !p2, p0  }
0x20: {  	[sflag:s8] =	ssyncset.s32 @!p0 $0xFFFFF086;
	s6 =	sadd.s32 @!p0 s3, s7;
	s7 =	simm.s32 @!p0 $0x108  }
0x21: {  	s3 =	sadd.s32 s3, s9;
	s6 =	sadd.s32 @!p0 $0x88, s6;
	s7 =	simm.s32 @p2 $0x1082  }
0x22: {  	[simem:s7], [sflag:s8] =	dma.local @!p0 [hbm:s6], $0xF7A  }
0x23: {  	s9 =	sor.u32 $0xD0000000, s2;
	s6 =	simm.s32 $0x108;
	_ =	swait.ge @!p0 [sflag:s8], $0x0  }
0x24: {  	s3 =	sadd.s32 $0x88, s3;
	s6 =	simm.s32 @!p1 $0x1082;
	[sflag:s4] =	ssyncset.s32 $0xFFFFF086  }
0x25: {  	[simem:s6], [sflag:s4] =	dma.local [hbm:s3], $0xF7A  }
0x26: {  	[smem:$0x3F9F] =	sst s1;
	(tag) =	ssettag s2;
	_ =	strace s9  }
0x27: {  	s1 =	sld [smem:$0x3FAF]  }
0x28: {  	s2 =	sld [smem:$0x3FB0]  }
0x29: {  	s4 =	sld [smem:$0x3FB2]  }
0x2a: {  	p0 =	seq.s32 s5, $0x0;
	s5 =	sld [smem:$0x3FB3]  }
0x2b: {  	s6 =	sld [smem:$0x3FB4]  }
0x2c: {  	s7 =	sld [smem:$0x3FB5]  }
0x2d: {  	s3 =	simm.s32 $0x108;
	s8 =	sld [smem:$0x3FB6]  }
0x2e: {  	s3 =	simm.s32 @!p0 $0x1082;
	s9 =	sld [smem:$0x3FB7]  }
0x2f: {  	lr =	sadd.s32 s0, s3;
	s0 =	sld [smem:$0x3FAE]  }
0x30: {  	s3 =	sld [smem:$0x3FB1]  }
0x31: {  	[smem:$0x3FBA] =	sst s10  }
0x32: {  	s10 =	sld [smem:$0x3FB8];
	_ =	sdelay $0x3  }
0x33: {  	p0 =	seq.s32 s10, $0x1;
	s10 =	sld [smem:$0x3FBA];
	_ =	sdelay $0x3  }
0x34: {  	[smem:$0x3FBA] =	sst s10  }
0x35: {  	s10 =	sld [smem:$0x3FB9];
	_ =	sdelay $0x3  }
0x36: {  	p1 =	seq.s32 s10, $0x1;
	s10 =	sld [smem:$0x3FBA];
	_ =	sdelay $0x3  }
0x37: {  	[smem:$0x3FBA] =	sst s10  }
0x38: {  	s10 =	sld [smem:$0x3FBB]  }
0x39: {  	_ = 	snop;
	(pc) =	sbr.ind lr, $3  }
0x3a: {  	_ = 	snop  }
0x3b: {  	_ = 	snop  }
0x3c: {  	p2 =	seq.s32 s10, $0x1;
	s10 =	sld [smem:$0x3FBA]  }
0x3d: {  	_ =	shalt  }
0x3e: {  	_ =	shalt  }
0x3f: {  	_ =	shalt  }
0x40: {  	_ =	shalt  }
0x41: {  	_ =	shalt  }
0x42: {  	_ =	shalt  }
0x43: {  	_ =	shalt  }
0x44: {  	_ =	shalt  }
0x45: {  	_ =	shalt  }
0x46: {  	_ =	shalt  }
0x47: {  	_ =	shalt  }
0x48: {  	_ =	shalt  }
0x49: {  	_ =	shalt  }
0x4a: {  	_ =	shalt  }
0x4b: {  	_ =	shalt  }
0x4c: {  	_ =	shalt  }
0x4d: {  	_ =	shalt  }
0x4e: {  	_ =	shalt  }
0x4f: {  	_ =	shalt  }
0x50: {  	_ =	shalt  }
0x51: {  	_ =	shalt  }
0x52: {  	_ =	shalt  }
0x53: {  	_ =	shalt  }
0x54: {  	_ =	shalt  }
0x55: {  	_ =	shalt  }
0x56: {  	_ =	shalt  }
0x57: {  	_ =	shalt  }
0x58: {  	_ =	shalt  }
0x59: {  	_ =	shalt  }
0x5a: {  	_ =	shalt  }
0x5b: {  	_ =	shalt  }
0x5c: {  	_ =	shalt  }
0x5d: {  	_ =	shalt  }
0x5e: {  	_ =	shalt  }
0x5f: {  	_ =	shalt  }
0x60: {  	_ =	shalt  }
0x61: {  	_ =	shalt  }
0x62: {  	_ =	shalt  }
0x63: {  	_ =	shalt  }
0x64: {  	_ =	shalt  }
0x65: {  	_ =	shalt  }
0x66: {  	_ =	shalt  }
0x67: {  	_ =	shalt  }
0x68: {  	_ =	shalt  }
0x69: {  	_ =	shalt  }
0x6a: {  	_ =	shalt  }
0x6b: {  	_ =	shalt  }
0x6c: {  	_ =	shalt  }
0x6d: {  	_ =	shalt  }
0x6e: {  	_ =	shalt  }
0x6f: {  	_ =	shalt  }
0x70: {  	_ =	shalt  }
0x71: {  	_ =	shalt  }
0x72: {  	_ =	shalt  }
0x73: {  	_ =	shalt  }
0x74: {  	_ =	shalt  }
0x75: {  	_ =	shalt  }
0x76: {  	_ =	shalt  }
0x77: {  	_ =	shalt  }
0x78: {  	_ =	shalt  }
0x79: {  	_ =	shalt  }
0x7a: {  	_ =	shalt  }
0x7b: {  	_ =	shalt  }
0x7c: {  	_ =	shalt  }
0x7d: {  	_ =	shalt  }
0x7e: {  	_ =	shalt  }
0x7f: {  	_ =	shalt  }
0x80: {  	_ =	shalt  }
0x81: {  	_ =	shalt  }
0x82: {  	_ =	shalt  }
0x83: {  	_ =	shalt  }
0x84: {  	_ =	shalt  }
0x85: {  	_ =	shalt  }
0x86: {  	_ =	shalt  }
0x87: {  	_ =	shalt  }
.Lfunc_end0:
.L_simem_size_0:
called_computation.1_lowered:
.L_overlay_start_0:
0x88: {  	s2 =	sld [smem:$0x3FD9]  }
0x89: {  	s3 =	sld [smem:$0x3FFE];
	_ =	sdelay $0x1  }
0x8a: {  	s1 =	srdreg.scid  }
0x8b: {  	s0 =	sand.u32 $0x1, s1  }
0x8c: {  	s17 =	sshll.u32 s0, $0xA;
	s2 =	sadd.s32 s3, s2  }
0x8d: {  	s2 =	sadd.s32 s2, s17  }
0x8e: {  	[smem:$0x3FC6] =	sst s2  }
0x8f: {  	_ = 	snop  }
0x90: {  	s2 =	sld [smem:$0x3FD0];
	(tm) =	ssettm $0x1  }
0x91: {  	s18 =	sld [smem:$0x3FFB];
	_ =	sdelay $0x3  }
0x92: {  	_ =	strace s18  }
0x93: {  	s3 =	sld [smem:$0x3FFC];
	_ =	sdelay $0x3  }
0x94: {  	_ =	strace s3  }
0x95: {  	s3 =	sld [smem:$0x3FFD];
	_ =	sdelay $0x3  }
0x96: {  	_ =	strace s3  }
0x97: {  	_ =	strace $0x8FFFFFFF  }
0x98: {  	s19 =	sld [smem:$0x3FDB];
	_ =	sdelay $0x1  }
0x99: {  	s4 =	simm.s32 $_scs_section_size  }
0x9a: {  	s5 =	simm.s32 $_size__tile_overlayer_lowered;
	s6 =	simm.s32 $_tile_overlayer_lowered  }
0x9b: {  	s22 =	simm.s32 $0x1BFF;
	s21 =	sshll.u32 s6, $0x1;
	s3 =	sadd.s32 s4, s19  }
0x9c: {  	s7 =	simm.s32 $0x0;
	s20 =	sshll.u32 s5, $0x1;
	s5 =	sadd.s32 s21, s3  }
0x9d: {  	[timem:s7], [sflag:s22] =	dma.local [hbm:s5], s20  }
0x9e: {  	_ =	swait.ge [sflag:s22], s20  }
0x9f: {  	s4 =	ssub.s32 $0x0, s20;
	[sflag:s22] =	ssyncset.done $0x0  }
0xa0: {  	[sflag:s22] =	ssyncadd.s32 s4;
	_ =	sdelay $0x1  }
0xa1: {  	s23 =	simm.s32 $0x1B8B  }
0xa2: {  	_ =	swait.ge [sflag:s23], $0x1  }
0xa3: {  	[sflag:s23] =	ssyncset.done $0x0  }
0xa4: {  	s25 =	simm.s32 $0x1B8E;
	s24 =	sld [smem:$0x3FFE];
	[sflag:s23] =	ssyncadd.s32 $0xFFFFFFFF  }
0xa5: {  	s26 =	simm.s32 $execute0_lowered;
	[smem:$0x3FD2] =	sst s25  }
0xa6: {  	s5 =	sshll.u32 s26, $0x1;
	_ =	strace $0x80000046;
	[dreg:$0x1] =	wrdreg $0xFFFFFFFF  }
0xa7: {  	s28 =	simm.s32 $_size_execute0_lowered;
	s3 =	sadd.s32 s3, s5;
	[dreg:$0x0] =	wrdreg $0x0  }
0xa8: {  	s5 =	sshll.u32 s28, $0x1;
	[dreg:$0x2] =	wrdreg s3  }
0xa9: {  	[dreg:$0x3] =	wrdreg s5  }
0xaa: {  	[dreg:$0x4] =	wrdreg $0xC0  }
0xab: {  	_ =	task [dreg:s7], $0x5FFFF  }
0xac: {  	[dreg:$0x1] =	wrdreg $0xFFFFFFFF  }
0xad: {  	[dreg:$0x0] =	wrdreg $0x60  }
0xae: {  	[dreg:$0x2] =	wrdreg s2  }
0xaf: {  	[dreg:$0x3] =	wrdreg s24  }
0xb0: {  	[dreg:$0x4] =	wrdreg $0x9  }
0xb1: {  	_ =	task.clear_ibuf [dreg:s7], $0x5FFFF;
	_ =	strace $0x90000046  }
0xb2: {  	s29 =	simm.s32 $0x9;
	_ =	strace $0x80000048  }
0xb3: {  	_ =	swait.ge [sflag:s29], $0x1  }
0xb4: {  	[sflag:s29] =	ssyncadd.s32 $0xFFFFFFFF  }
0xb5: {  	_ =	strace $0x90000048  }
0xb6: {  	_ =	sfence  }
0xb7: {  	s30 =	sld [smem:$0x0];
	_ =	sdelay $0x2  }
0xb8: {  	s31 =	sshll.u32 s1, $0xD;
	s1 =	sshrl.u32 s1, $0x2  }
0xb9: {  	s3 =	sand.u32 $0x4000, s31;
	s1 =	sadd.s32 s1, s30  }
0xba: {  	s0 =	sor.u32 s3, s0;
	s1 =	sshll.u32 s1, $0x11  }
0xbb: {  	s0 =	sor.u32 s1, s0  }
0xbc: {  	s0 =	sadd.s32 $0x8F2B, s0  }
0xbd: {  	[sflag:s0] =	ssyncadd.remote.s32 $0x1  }
0xbe: {  	_ =	sfence.sel $0xFFFF  }
0xbf: {  	[dreg:$0x0] =	wrdreg $0xFFFFFFFF;
	(pc) =	sbr.abs _section_cstart, $3  }
0xc0: {  	[dreg:$0x1] =	wrdreg $0xFFFFFFFF  }
0xc1: {  	_ =	task.clear_ibuf [dreg:s7], $0x2FFFF;
	_ =	strace $0x9FFFFFFF  }
0xc2: {  	(tm) =	ssettm $0x7FFFFFFF  }
0xc3: {  	_ =	shalt  }
tec
execute0_lowered:
.L_overlay_start_1:
0x0: {  	(tag) =	ssettag $0x1  }
0x1: {  	s7 =	rddreg [dreg:$0x0];
	s1 =	srdreg.scid  }
0x2: {  	s0 =	stileid.u32;
	s6 =	rddreg [dreg:$0x1];
	s2 =	simm.s32 $0x0  }
0x3: {  	s11 =	simm.s32 $0x9600;
	s12 =	simm.s32 $0x9680;
	s13 =	simm.s32 $0xD800  }
0x4: {  	s14 =	simm.s32 $0x4;
	s15 =	simm.s32 $0x5;
	s16 =	simm.s32 $0x0  }
0x5: {  	v0 =	vimm.s32 $0x1;
	s5 =	sand.u32 $0x1, s1;
	s3 =	sshll.u32 s0, $0x1;
	s1 =	rddreg [dreg:$0x2]  }
0x6: {  	v1 =	vimm.s32 $0x0;
	v2 =	vimm.s32 $0x2;
	v3 =	vimm.s32 $0x3;
	[smem:$0x7FF] =	sst s2;
	s4 =	sadd.s32 $0xC00, s6;
	s3 =	sor.u32 s5, s3  }
0x7: {  	v4 =	vimm.s32 $0x4;
	v5 =	vimm.s32 $0x5;
	v6 =	vimm.s32 $0x6;
	_ =	strace $0x80000047;
	s8 =	ssub.s32 $0x2, s5;
	s3 =	smul.u32 $0x6400, s3  }
0x8: {  	v7 =	vimm.s32 $0x7;
	v8 =	vimm.s32 $0x8;
	v9 =	vimm.s32 $0x9;
	s5 =	sadd.s32 $0xF43000, s6;
	s6 =	sadd.s32 $0x1400, s6;
	s9 =	sshrl.u32 s8, $0x1  }
0x9: {  	v10 =	vimm.s32 $0xA;
	v11 =	vimm.s32 $0xB;
	v12 =	vimm.s32 $0xC;
	s8 =	ssub.s32 s8, s9;
	s9 =	simm.s32 $0x6;
	s10 =	sshrl.u32 s3, $0x3  }
0xa: {  	v13 =	vimm.s32 $0xD;
	v14 =	vimm.s32 $0xE;
	v15 =	vimm.s32 $0xF;
	s8 =	smax.u32 s8, $0x1;
	s7 =	sadd.s32 s7, s10;
	s10 =	simm.s32 $0x80  }
.LBB2_1:
0xb: {  	[tilespmem:s2], [sflag:$0x6] =	stream.linear.gather [hbm4b:s4+s2], $0x3200, $0x38;
	[tilespmem:$0x1D800] =	vst v63  }
0xc: {  	_ =	swait.ge [sflag:s9], $0x3200  }
0xd: {  	[sflag:s9] =	ssyncset.done $0x0  }
0xe: {  	s17 =	simm.s32 $0x3200;
	[sflag:s9] =	ssyncadd.s32 $0xFFFFCE00  }
0xf: {  	[tilespmem:s17], [sflag:$0x6] =	stream.linear.gather [hbm4b:s7+s2], $0x6400, $0x38;
	[tilespmem:$0x1D800] =	vst v63  }
0x10: {  	_ =	swait.ge [sflag:s9], $0x6400  }
0x11: {  	[sflag:s9] =	ssyncset.done $0x0  }
0x12: {  	[sflag:s9] =	ssyncadd.s32 $0xFFFF9C00  }
0x13: {  	v16 =	vld [tilespmem:$0x3200]  }
0x14: {  	v17 =	vld [tilespmem:$0x3210]  }
0x15: {  	v18 =	vld [tilespmem:$0x3220]  }
0x16: {  	v19 =	vld [tilespmem:$0x3230]  }
0x17: {  	v20 =	vld [tilespmem:$0x3240]  }
0x18: {  	v21 =	vld [tilespmem:$0x3250];
	v16 =	vshrl.u32 v16, $0x1  }
0x19: {  	[tilespmem:$0x9600] =	vst v16;
	v16 =	vshrl.u32 v17, $0x1;
	v17 =	vld [tilespmem:$0x3260]  }
0x1a: {  	v58 =	vld [tilespmem:$0x3270];
	[tilespmem:$0x9610] =	vst v16;
	v16 =	vshrl.u32 v18, $0x1  }
0x1b: {  	[tilespmem:$0x9620] =	vst v16;
	v16 =	vshrl.u32 v19, $0x1  }
0x1c: {  	[tilespmem:$0x9630] =	vst v16;
	v16 =	vshrl.u32 v20, $0x1  }
0x1d: {  	[tilespmem:$0x9640] =	vst v16;
	v16 =	vshrl.u32 v21, $0x1  }
0x1e: {  	[tilespmem:$0x9650] =	vst v16;
	v16 =	vshrl.u32 v17, $0x1  }
0x1f: {  	[tilespmem:$0x9660] =	vst v16;
	v16 =	vshrl.u32 v58, $0x1  }
0x20: {  	s18 =	simm.s32 $0x9800;
	[tilespmem:$0x9670] =	vst v16  }
0x21: {  	[tilespmem:s18], [sflag:$0x1] =	stream.indirect.gather [hbm4b:s5+s10], $0x80, s11, s10, $0xb8;
	[tilespmem:$0x1D800] =	vst v63  }
0x22: {  	v16 =	vld [tilespmem:$0x3280]  }
0x23: {  	v17 =	vld [tilespmem:$0x3290]  }
0x24: {  	v59 =	vld [tilespmem:$0x32A0]  }
0x25: {  	v60 =	vld [tilespmem:$0x32B0]  }
0x26: {  	v61 =	vld [tilespmem:$0x32C0]  }
0x27: {  	v62 =	vld [tilespmem:$0x32D0];
	v16 =	vshrl.u32 v16, $0x1  }
0x28: {  	[tilespmem:$0x9680] =	vst v16;
	v16 =	vshrl.u32 v17, $0x1;
	v17 =	vld [tilespmem:$0x32E0]  }
0x29: {  	v63 =	vld [tilespmem:$0x32F0];
	[tilespmem:$0x9690] =	vst v16;
	v16 =	vshrl.u32 v59, $0x1  }
0x2a: {  	[tilespmem:$0x96A0] =	vst v16;
	v16 =	vshrl.u32 v60, $0x1  }
0x2b: {  	[tilespmem:$0x96B0] =	vst v16;
	v16 =	vshrl.u32 v61, $0x1  }
0x2c: {  	[tilespmem:$0x96C0] =	vst v16;
	v16 =	vshrl.u32 v62, $0x1  }
0x2d: {  	[tilespmem:$0x96D0] =	vst v16;
	v16 =	vshrl.u32 v17, $0x1  }
0x2e: {  	[tilespmem:$0x96E0] =	vst v16;
	v16 =	vshrl.u32 v63, $0x1  }
0x2f: {  	p0 =	por $0x0, $0x0;
	s19 =	simm.s32 $0x0;
	[tilespmem:$0x96F0] =	vst v16  }
0x30: {  	[tilespmem:s13], [sflag:$0x2] =	stream.indirect.gather [hbm4b:s5+s10], $0x80, s12, s10, $0xb8;
	[tilespmem:$0x1D800] =	vst v63  }
.LBB2_2:
0x31: {  	p1 =	sgt.u32 s19, $0xC5  }
0x32: {  	s20 =	sadd.s32 @!p1 $0x2, s19  }
0x33: {  	s21 =	smul.u32 @!p1 $0xAB, s20;
	_ =	sdelay $0x1  }
0x34: {  	s22 =	sshll.u32 @!p1 s20, $0x7;
	s21 =	sshrl.u32 @!p1 s21, $0x9  }
0x35: {  	s22 =	sand.u32 @!p1 $0x3FFFFF80, s22;
	s21 =	sand.u32 @!p1 $0x7F, s21  }
0x36: {  	v16 =	vld @!p1 [tilespmem:s22+$0x3200];
	s21 =	smul.u32 @!p1 $0x3, s21;
	_ =	sdelay $0x1  }
0x37: {  	s20 =	ssub.s32 @!p1 s20, s21  }
0x38: {  	s20 =	sand.u32 @!p1 $0xFF, s20  }
0x39: {  	s21 =	sshll.u32 @!p1 s20, $0x7  }
0x3a: {  	v16 =	vshrl.u32 @!p1 v16, $0x1;
	s23 =	sor.u32 @!p1 $0x9600, s21  }
0x3b: {  	[tilespmem:s23+$0x0] =	vst @!p1 v16  }
0x3c: {  	v16 =	vld @!p1 [tilespmem:s22+$0x3210];
	_ =	sdelay $0x4  }
0x3d: {  	s24 =	sor.u32 @!p1 $0x9610, s21;
	v16 =	vshrl.u32 @!p1 v16, $0x1  }
0x3e: {  	[tilespmem:s24+$0x0] =	vst @!p1 v16  }
0x3f: {  	v16 =	vld @!p1 [tilespmem:s22+$0x3220];
	_ =	sdelay $0x4  }
0x40: {  	s24 =	sor.u32 @!p1 $0x9620, s21;
	v16 =	vshrl.u32 @!p1 v16, $0x1  }
0x41: {  	[tilespmem:s24+$0x0] =	vst @!p1 v16  }
0x42: {  	v16 =	vld @!p1 [tilespmem:s22+$0x3230];
	_ =	sdelay $0x4  }
0x43: {  	s24 =	sor.u32 @!p1 $0x9630, s21;
	v16 =	vshrl.u32 @!p1 v16, $0x1  }
0x44: {  	[tilespmem:s24+$0x0] =	vst @!p1 v16  }
0x45: {  	v16 =	vld @!p1 [tilespmem:s22+$0x3240];
	_ =	sdelay $0x4  }
0x46: {  	s24 =	sor.u32 @!p1 $0x9640, s21;
	v16 =	vshrl.u32 @!p1 v16, $0x1  }
0x47: {  	[tilespmem:s24+$0x0] =	vst @!p1 v16  }
0x48: {  	v16 =	vld @!p1 [tilespmem:s22+$0x3250];
	_ =	sdelay $0x4  }
0x49: {  	s24 =	sor.u32 @!p1 $0x9650, s21;
	v16 =	vshrl.u32 @!p1 v16, $0x1  }
0x4a: {  	[tilespmem:s24+$0x0] =	vst @!p1 v16  }
0x4b: {  	v16 =	vld @!p1 [tilespmem:s22+$0x3260];
	_ =	sdelay $0x4  }
0x4c: {  	s29 =	smul.u32 $0xAB, s19;
	s25 =	sor.u32 @!p1 $0x9660, s21;
	v16 =	vshrl.u32 @!p1 v16, $0x1  }
0x4d: {  	[tilespmem:s25+$0x0] =	vst @!p1 v16  }
0x4e: {  	s31 =	smulhi.u32 $0xAAAAAAAB, s19;
	s24 =	sshrl.u32 s29, $0x9;
	v16 =	vld @!p1 [tilespmem:s22+$0x3270]  }
0x4f: {  	s30 =	sand.u32 $0x7F, s24;
	s24 =	simm.s32 $0x1  }
0x50: {  	s28 =	sshrl.u32 s31, $0x1;
	s24 =	simm.s32 @!p0 $0x0  }
0x51: {  	s26 =	sshll.u32 @!p1 s20, $0xE;
	s24 =	sshll.u32 s24, $0xE;
	s22 =	smul.u32 $0x3, s30  }
0x52: {  	s20 =	sadd.s32 @!p1 $0x1, s20;
	s21 =	sor.u32 @!p1 $0x9670, s21;
	s24 =	sadd.s32 $0x15FB0, s24  }
0x53: {  	s29 =	sshll.u32 s19, $0x7;
	v17 =	vmov s24;
	s24 =	smov.u32 s17;
	s22 =	ssub.s32 s19, s22;
	v16 =	vshrl.u32 @!p1 v16, $0x1  }
0x54: {  	s22 =	sand.u32 $0xFF, s22;
	[tilespmem:s21+$0x0] =	vst @!p1 v16;
	s21 =	sadd.s32 @!p1 $0x9800, s26;
	s26 =	simm.s32 @!p1 $0x80  }
0x55: {  	[tilespmem:s21], [sflag:s20] =	stream.indirect.gather @!p1 [hbm4b:s5+s26], $0x80, s23, s26, $0xb8;
	[tilespmem:$0x1D800] =	vst v63  }
0x56: {  	s22 =	sadd.s32 $0x1, s22;
	s21 =	sadd.s32 s3, s29;
	s23 =	smul.u32 $0xFFFD0000, s28  }
0x57: {  	s20 =	sand.u32 $0x1, s19;
	_ =	swait.ge [sflag:s22], $0x4000;
	s30 =	smulhi.u32 $0x51EB851F, s21  }
0x58: {  	p1 =	slt.u32 s19, $0x2;
	[sflag:s22] =	ssyncset.done $0x0;
	s23 =	sshra.s32 s23, $0x2  }
0x59: {  	[sflag:s22] =	ssyncadd.s32 $0xFFFFC000;
	s22 =	sor.u32 @!p1 $0x4, s20;
	s25 =	sshrl.u32 s30, $0x6  }
0x5a: {  	s28 =	sadd.s32 s23, s18;
	_ =	swait.ge @!p1 [sflag:s22], $0x4000;
	s25 =	smul.u32 $0xC8, s25  }
0x5b: {  	s31 =	sshll.u32 s20, $0xE;
	s23 =	simm.s32 $0x0;
	v16 =	vmov s28;
	[sflag:s22] =	ssyncset.done @!p1 $0x0  }
0x5c: {  	[sflag:s22] =	ssyncadd.s32 @!p1 $0xFFFFC000;
	s26 =	ssub.s32 s21, s25;
	s22 =	sadd.s32 $0x15800, s31  }
.LBB2_3:
0x5d: {  	v18 =	vld [tilespmem:s24+$0x0];
	_ =	sdelay $0x1  }
0x5e: {  	s25 =	sshra.s32 s23, $0x2  }
0x5f: {  	v19 =	vld.idx.msk [tilespmem:v16+s25+$0x0 ss:$0x1], $0xffff  }
0x60: {  	v20 =	vld.idx.msk [tilespmem:v16+s25+$0x40 ss:$0x1], $0xffff  }
0x61: {  	s28 =	sshll.u32 s26, $0x8;
	v18 =	vand.u32 $0x1, v18  }
0x62: {  	s28 =	sshra.s32 s28, $0x2;
	v21 =	vperm.xlane v18, v1  }
0x63: {  	v22 =	vld [tilespmem:s28+$0x0]  }
0x64: {  	vm0 =	veq.s32 v21, $0x1  }
0x65: {  	v19 =	vsel vm0, v20, v19  }
0x66: {  	v19 =	vmul.f32 $8.000000000e+00, v19;
	_ =	sdelay $0x1  }
0x67: {  	v19 =	vadd.f32 v19, v22;
	_ =	sdelay $0x1  }
0x68: {  	[tilespmem:v17+s25+$0xFFFFF850 ss:$0x1] =	vst.idx.msk $0xffff, v19  }
0x69: {  	v19 =	vld.idx.msk [tilespmem:v16+s25+$0x10 ss:$0x1], $0xffff  }
0x6a: {  	v47 =	vld.idx.msk [tilespmem:v16+s25+$0x50 ss:$0x1], $0xffff;
	_ =	sdelay $0x2  }
0x6b: {  	v48 =	vld [tilespmem:s28+$0x10];
	_ =	sdelay $0x1  }
0x6c: {  	v19 =	vsel vm0, v47, v19  }
0x6d: {  	v19 =	vmul.f32 $8.000000000e+00, v19;
	_ =	sdelay $0x1  }
0x6e: {  	v19 =	vadd.f32 v19, v48;
	_ =	sdelay $0x1  }
0x6f: {  	[tilespmem:v17+s25+$0xFFFFF860 ss:$0x1] =	vst.idx.msk $0xffff, v19  }
0x70: {  	v19 =	vld.idx.msk [tilespmem:v16+s25+$0x20 ss:$0x1], $0xffff  }
0x71: {  	v49 =	vld.idx.msk [tilespmem:v16+s25+$0x60 ss:$0x1], $0xffff;
	_ =	sdelay $0x2  }
0x72: {  	v50 =	vld [tilespmem:s28+$0x20];
	_ =	sdelay $0x1  }
0x73: {  	v19 =	vsel vm0, v49, v19  }
0x74: {  	v19 =	vmul.f32 $8.000000000e+00, v19;
	_ =	sdelay $0x1  }
0x75: {  	v19 =	vadd.f32 v19, v50;
	_ =	sdelay $0x1  }
0x76: {  	[tilespmem:v17+s25+$0xFFFFF870 ss:$0x1] =	vst.idx.msk $0xffff, v19  }
0x77: {  	v19 =	vld.idx.msk [tilespmem:v16+s25+$0x30 ss:$0x1], $0xffff  }
0x78: {  	v51 =	vld.idx.msk [tilespmem:v16+s25+$0x70 ss:$0x1], $0xffff;
	_ =	sdelay $0x2  }
0x79: {  	v52 =	vld [tilespmem:s28+$0x30];
	_ =	sdelay $0x1  }
0x7a: {  	v19 =	vsel vm0, v51, v19  }
0x7b: {  	v19 =	vmul.f32 $8.000000000e+00, v19;
	_ =	sdelay $0x1  }
0x7c: {  	v19 =	vadd.f32 v19, v52;
	_ =	sdelay $0x1  }
0x7d: {  	s28 =	sadd.s32 $0x1, s26;
	[tilespmem:v17+s25+$0xFFFFF880 ss:$0x1] =	vst.idx.msk $0xffff, v19  }
0x7e: {  	s26 =	sadd.s32 $0xFFFFFF39, s26;
	p1 =	sgt.s32 s28, $0xC7;
	v19 =	vld.idx.msk [tilespmem:v16+s25+$0x80 ss:$0x1], $0xffff  }
0x7f: {  	s28 =	smov.u32 @p1 s26;
	v53 =	vld.idx.msk [tilespmem:v16+s25+$0xC0 ss:$0x1], $0xffff  }
0x80: {  	s26 =	sshll.u32 s28, $0x8  }
0x81: {  	v54 =	vperm.xlane v18, v0;
	s26 =	sshra.s32 s26, $0x2  }
0x82: {  	v55 =	vld [tilespmem:s26+$0x0]  }
0x83: {  	vm13 =	veq.s32 v54, $0x1  }
0x84: {  	v19 =	vsel vm13, v53, v19  }
0x85: {  	v19 =	vmul.f32 $8.000000000e+00, v19;
	_ =	sdelay $0x1  }
0x86: {  	v19 =	vadd.f32 v19, v55;
	_ =	sdelay $0x1  }
0x87: {  	[tilespmem:v17+s25+$0xFFFFF8D0 ss:$0x1] =	vst.idx.msk $0xffff, v19  }
0x88: {  	v19 =	vld.idx.msk [tilespmem:v16+s25+$0x90 ss:$0x1], $0xffff  }
0x89: {  	v56 =	vld.idx.msk [tilespmem:v16+s25+$0xD0 ss:$0x1], $0xffff;
	_ =	sdelay $0x2  }
0x8a: {  	v57 =	vld [tilespmem:s26+$0x10];
	_ =	sdelay $0x1  }
0x8b: {  	v19 =	vsel vm13, v56, v19  }
0x8c: {  	v19 =	vmul.f32 $8.000000000e+00, v19;
	_ =	sdelay $0x1  }
0x8d: {  	v19 =	vadd.f32 v19, v57;
	_ =	sdelay $0x1  }
0x8e: {  	[tilespmem:v17+s25+$0xFFFFF8E0 ss:$0x1] =	vst.idx.msk $0xffff, v19  }
0x8f: {  	v19 =	vld.idx.msk [tilespmem:v16+s25+$0xA0 ss:$0x1], $0xffff  }
0x90: {  	v58 =	vld.idx.msk [tilespmem:v16+s25+$0xE0 ss:$0x1], $0xffff;
	_ =	sdelay $0x2  }
0x91: {  	v59 =	vld [tilespmem:s26+$0x20];
	_ =	sdelay $0x1  }
0x92: {  	v19 =	vsel vm13, v58, v19  }
0x93: {  	v19 =	vmul.f32 $8.000000000e+00, v19;
	_ =	sdelay $0x1  }
0x94: {  	v19 =	vadd.f32 v19, v59;
	_ =	sdelay $0x1  }
0x95: {  	[tilespmem:v17+s25+$0xFFFFF8F0 ss:$0x1] =	vst.idx.msk $0xffff, v19  }
0x96: {  	v19 =	vld.idx.msk [tilespmem:v16+s25+$0xB0 ss:$0x1], $0xffff  }
0x97: {  	v60 =	vld.idx.msk [tilespmem:v16+s25+$0xF0 ss:$0x1], $0xffff;
	_ =	sdelay $0x2  }
0x98: {  	v61 =	vld [tilespmem:s26+$0x30];
	_ =	sdelay $0x1  }
0x99: {  	v19 =	vsel vm13, v60, v19  }
0x9a: {  	v19 =	vmul.f32 $8.000000000e+00, v19;
	_ =	sdelay $0x1  }
0x9b: {  	v19 =	vadd.f32 v19, v61;
	_ =	sdelay $0x1  }
0x9c: {  	s26 =	sadd.s32 $0x1, s28;
	[tilespmem:v17+s25+$0xFFFFF900 ss:$0x1] =	vst.idx.msk $0xffff, v19  }
0x9d: {  	s28 =	sadd.s32 $0xFFFFFF39, s28;
	p1 =	sgt.s32 s26, $0xC7;
	v19 =	vld.idx.msk [tilespmem:v16+s25+$0x100 ss:$0x1], $0xffff  }
0x9e: {  	s26 =	smov.u32 @p1 s28;
	v62 =	vld.idx.msk [tilespmem:v16+s25+$0x140 ss:$0x1], $0xffff  }
0x9f: {  	s28 =	sshll.u32 s26, $0x8  }
0xa0: {  	v63 =	vperm.xlane v18, v2;
	s28 =	sshra.s32 s28, $0x2  }
0xa1: {  	v24 =	vld [tilespmem:s28+$0x0]  }
0xa2: {  	vm14 =	veq.s32 v63, $0x1  }
0xa3: {  	v19 =	vsel vm14, v62, v19  }
0xa4: {  	v19 =	vmul.f32 $8.000000000e+00, v19;
	_ =	sdelay $0x1  }
0xa5: {  	v19 =	vadd.f32 v19, v24;
	_ =	sdelay $0x1  }
0xa6: {  	[tilespmem:v17+s25+$0xFFFFF950 ss:$0x1] =	vst.idx.msk $0xffff, v19  }
0xa7: {  	v19 =	vld.idx.msk [tilespmem:v16+s25+$0x110 ss:$0x1], $0xffff  }
0xa8: {  	v25 =	vld.idx.msk [tilespmem:v16+s25+$0x150 ss:$0x1], $0xffff;
	_ =	sdelay $0x2  }
0xa9: {  	v26 =	vld [tilespmem:s28+$0x10];
	_ =	sdelay $0x1  }
0xaa: {  	v19 =	vsel vm14, v25, v19  }
0xab: {  	v19 =	vmul.f32 $8.000000000e+00, v19;
	_ =	sdelay $0x1  }
0xac: {  	v19 =	vadd.f32 v19, v26;
	_ =	sdelay $0x1  }
0xad: {  	[tilespmem:v17+s25+$0xFFFFF960 ss:$0x1] =	vst.idx.msk $0xffff, v19  }
0xae: {  	v19 =	vld.idx.msk [tilespmem:v16+s25+$0x120 ss:$0x1], $0xffff  }
0xaf: {  	v27 =	vld.idx.msk [tilespmem:v16+s25+$0x160 ss:$0x1], $0xffff;
	_ =	sdelay $0x2  }
0xb0: {  	v28 =	vld [tilespmem:s28+$0x20];
	_ =	sdelay $0x1  }
0xb1: {  	v19 =	vsel vm14, v27, v19  }
0xb2: {  	v19 =	vmul.f32 $8.000000000e+00, v19;
	_ =	sdelay $0x1  }
0xb3: {  	v19 =	vadd.f32 v19, v28;
	_ =	sdelay $0x1  }
0xb4: {  	[tilespmem:v17+s25+$0xFFFFF970 ss:$0x1] =	vst.idx.msk $0xffff, v19  }
0xb5: {  	v19 =	vld.idx.msk [tilespmem:v16+s25+$0x130 ss:$0x1], $0xffff  }
0xb6: {  	v29 =	vld.idx.msk [tilespmem:v16+s25+$0x170 ss:$0x1], $0xffff;
	_ =	sdelay $0x2  }
0xb7: {  	v30 =	vld [tilespmem:s28+$0x30];
	_ =	sdelay $0x1  }
0xb8: {  	v19 =	vsel vm14, v29, v19  }
0xb9: {  	v19 =	vmul.f32 $8.000000000e+00, v19;
	_ =	sdelay $0x1  }
0xba: {  	v19 =	vadd.f32 v19, v30;
	_ =	sdelay $0x1  }
0xbb: {  	s28 =	sadd.s32 $0x1, s26;
	[tilespmem:v17+s25+$0xFFFFF980 ss:$0x1] =	vst.idx.msk $0xffff, v19  }
0xbc: {  	s26 =	sadd.s32 $0xFFFFFF39, s26;
	p1 =	sgt.s32 s28, $0xC7;
	v19 =	vld.idx.msk [tilespmem:v16+s25+$0x180 ss:$0x1], $0xffff  }
0xbd: {  	s28 =	smov.u32 @p1 s26;
	v31 =	vld.idx.msk [tilespmem:v16+s25+$0x1C0 ss:$0x1], $0xffff  }
0xbe: {  	s26 =	sshll.u32 s28, $0x8  }
0xbf: {  	v32 =	vperm.xlane v18, v3;
	s26 =	sshra.s32 s26, $0x2  }
0xc0: {  	v33 =	vld [tilespmem:s26+$0x0]  }
0xc1: {  	vm15 =	veq.s32 v32, $0x1  }
0xc2: {  	v19 =	vsel vm15, v31, v19  }
0xc3: {  	v19 =	vmul.f32 $8.000000000e+00, v19;
	_ =	sdelay $0x1  }
0xc4: {  	v19 =	vadd.f32 v19, v33;
	_ =	sdelay $0x1  }
0xc5: {  	[tilespmem:v17+s25+$0xFFFFF9D0 ss:$0x1] =	vst.idx.msk $0xffff, v19  }
0xc6: {  	v19 =	vld.idx.msk [tilespmem:v16+s25+$0x190 ss:$0x1], $0xffff  }
0xc7: {  	v34 =	vld.idx.msk [tilespmem:v16+s25+$0x1D0 ss:$0x1], $0xffff;
	_ =	sdelay $0x2  }
0xc8: {  	v35 =	vld [tilespmem:s26+$0x10];
	_ =	sdelay $0x1  }
0xc9: {  	v19 =	vsel vm15, v34, v19  }
0xca: {  	v19 =	vmul.f32 $8.000000000e+00, v19;
	_ =	sdelay $0x1  }
0xcb: {  	v19 =	vadd.f32 v19, v35;
	_ =	sdelay $0x1  }
0xcc: {  	[tilespmem:v17+s25+$0xFFFFF9E0 ss:$0x1] =	vst.idx.msk $0xffff, v19  }
0xcd: {  	v19 =	vld.idx.msk [tilespmem:v16+s25+$0x1A0 ss:$0x1], $0xffff  }
0xce: {  	v36 =	vld.idx.msk [tilespmem:v16+s25+$0x1E0 ss:$0x1], $0xffff;
	_ =	sdelay $0x2  }
0xcf: {  	v37 =	vld [tilespmem:s26+$0x20];
	_ =	sdelay $0x1  }
0xd0: {  	v19 =	vsel vm15, v36, v19  }
0xd1: {  	v19 =	vmul.f32 $8.000000000e+00, v19;
	_ =	sdelay $0x1  }
0xd2: {  	v19 =	vadd.f32 v19, v37;
	_ =	sdelay $0x1  }
0xd3: {  	[tilespmem:v17+s25+$0xFFFFF9F0 ss:$0x1] =	vst.idx.msk $0xffff, v19  }
0xd4: {  	v19 =	vld.idx.msk [tilespmem:v16+s25+$0x1B0 ss:$0x1], $0xffff  }
0xd5: {  	v38 =	vld.idx.msk [tilespmem:v16+s25+$0x1F0 ss:$0x1], $0xffff;
	_ =	sdelay $0x2  }
0xd6: {  	v39 =	vld [tilespmem:s26+$0x30];
	_ =	sdelay $0x1  }
0xd7: {  	v19 =	vsel vm15, v38, v19  }
0xd8: {  	v19 =	vmul.f32 $8.000000000e+00, v19;
	_ =	sdelay $0x1  }
0xd9: {  	v19 =	vadd.f32 v19, v39;
	_ =	sdelay $0x1  }
0xda: {  	s26 =	sadd.s32 $0x1, s28;
	[tilespmem:v17+s25+$0xFFFFFA00 ss:$0x1] =	vst.idx.msk $0xffff, v19  }
0xdb: {  	s28 =	sadd.s32 $0xFFFFFF39, s28;
	p1 =	sgt.s32 s26, $0xC7;
	v19 =	vld.idx.msk [tilespmem:v16+s25+$0x200 ss:$0x1], $0xffff  }
0xdc: {  	s26 =	smov.u32 @p1 s28;
	v40 =	vld.idx.msk [tilespmem:v16+s25+$0x240 ss:$0x1], $0xffff  }
0xdd: {  	s28 =	sshll.u32 s26, $0x8  }
0xde: {  	v41 =	vperm.xlane v18, v4;
	s28 =	sshra.s32 s28, $0x2  }
0xdf: {  	v42 =	vld [tilespmem:s28+$0x0]  }
0xe0: {  	vm4 =	veq.s32 v41, $0x1  }
0xe1: {  	v19 =	vsel vm4, v40, v19  }
0xe2: {  	v19 =	vmul.f32 $8.000000000e+00, v19;
	_ =	sdelay $0x1  }
0xe3: {  	v19 =	vadd.f32 v19, v42;
	_ =	sdelay $0x1  }
0xe4: {  	[tilespmem:v17+s25+$0xFFFFFA50 ss:$0x1] =	vst.idx.msk $0xffff, v19  }
0xe5: {  	v19 =	vld.idx.msk [tilespmem:v16+s25+$0x210 ss:$0x1], $0xffff  }
0xe6: {  	v43 =	vld.idx.msk [tilespmem:v16+s25+$0x250 ss:$0x1], $0xffff;
	_ =	sdelay $0x2  }
0xe7: {  	v44 =	vld [tilespmem:s28+$0x10];
	_ =	sdelay $0x1  }
0xe8: {  	v19 =	vsel vm4, v43, v19  }
0xe9: {  	v19 =	vmul.f32 $8.000000000e+00, v19;
	_ =	sdelay $0x1  }
0xea: {  	v19 =	vadd.f32 v19, v44;
	_ =	sdelay $0x1  }
0xeb: {  	[tilespmem:v17+s25+$0xFFFFFA60 ss:$0x1] =	vst.idx.msk $0xffff, v19  }
0xec: {  	v19 =	vld.idx.msk [tilespmem:v16+s25+$0x220 ss:$0x1], $0xffff  }
0xed: {  	v45 =	vld.idx.msk [tilespmem:v16+s25+$0x260 ss:$0x1], $0xffff;
	_ =	sdelay $0x2  }
0xee: {  	v46 =	vld [tilespmem:s28+$0x20];
	_ =	sdelay $0x1  }
0xef: {  	v19 =	vsel vm4, v45, v19  }
0xf0: {  	v19 =	vmul.f32 $8.000000000e+00, v19;
	_ =	sdelay $0x1  }
0xf1: {  	v19 =	vadd.f32 v19, v46;
	_ =	sdelay $0x1  }
0xf2: {  	[tilespmem:v17+s25+$0xFFFFFA70 ss:$0x1] =	vst.idx.msk $0xffff, v19  }
0xf3: {  	v19 =	vld.idx.msk [tilespmem:v16+s25+$0x230 ss:$0x1], $0xffff  }
0xf4: {  	v47 =	vld.idx.msk [tilespmem:v16+s25+$0x270 ss:$0x1], $0xffff;
	_ =	sdelay $0x2  }
0xf5: {  	v48 =	vld [tilespmem:s28+$0x30];
	_ =	sdelay $0x1  }
0xf6: {  	v19 =	vsel vm4, v47, v19  }
0xf7: {  	v19 =	vmul.f32 $8.000000000e+00, v19;
	_ =	sdelay $0x1  }
0xf8: {  	v19 =	vadd.f32 v19, v48;
	_ =	sdelay $0x1  }
0xf9: {  	s28 =	sadd.s32 $0x1, s26;
	[tilespmem:v17+s25+$0xFFFFFA80 ss:$0x1] =	vst.idx.msk $0xffff, v19  }
0xfa: {  	s26 =	sadd.s32 $0xFFFFFF39, s26;
	p1 =	sgt.s32 s28, $0xC7;
	v19 =	vld.idx.msk [tilespmem:v16+s25+$0x280 ss:$0x1], $0xffff  }
0xfb: {  	s28 =	smov.u32 @p1 s26;
	v49 =	vld.idx.msk [tilespmem:v16+s25+$0x2C0 ss:$0x1], $0xffff  }
0xfc: {  	s26 =	sshll.u32 s28, $0x8  }
0xfd: {  	v50 =	vperm.xlane v18, v5;
	s26 =	sshra.s32 s26, $0x2  }
0xfe: {  	v51 =	vld [tilespmem:s26+$0x0]  }
0xff: {  	vm5 =	veq.s32 v50, $0x1  }
0x100: {  	v19 =	vsel vm5, v49, v19  }
0x101: {  	v19 =	vmul.f32 $8.000000000e+00, v19;
	_ =	sdelay $0x1  }
0x102: {  	v19 =	vadd.f32 v19, v51;
	_ =	sdelay $0x1  }
0x103: {  	[tilespmem:v17+s25+$0xFFFFFAD0 ss:$0x1] =	vst.idx.msk $0xffff, v19  }
0x104: {  	v19 =	vld.idx.msk [tilespmem:v16+s25+$0x290 ss:$0x1], $0xffff  }
0x105: {  	v52 =	vld.idx.msk [tilespmem:v16+s25+$0x2D0 ss:$0x1], $0xffff;
	_ =	sdelay $0x2  }
0x106: {  	v53 =	vld [tilespmem:s26+$0x10];
	_ =	sdelay $0x1  }
0x107: {  	v19 =	vsel vm5, v52, v19  }
0x108: {  	v19 =	vmul.f32 $8.000000000e+00, v19;
	_ =	sdelay $0x1  }
0x109: {  	v19 =	vadd.f32 v19, v53;
	_ =	sdelay $0x1  }
0x10a: {  	[tilespmem:v17+s25+$0xFFFFFAE0 ss:$0x1] =	vst.idx.msk $0xffff, v19  }
0x10b: {  	v19 =	vld.idx.msk [tilespmem:v16+s25+$0x2A0 ss:$0x1], $0xffff  }
0x10c: {  	v54 =	vld.idx.msk [tilespmem:v16+s25+$0x2E0 ss:$0x1], $0xffff;
	_ =	sdelay $0x2  }
0x10d: {  	v55 =	vld [tilespmem:s26+$0x20];
	_ =	sdelay $0x1  }
0x10e: {  	v19 =	vsel vm5, v54, v19  }
0x10f: {  	v19 =	vmul.f32 $8.000000000e+00, v19;
	_ =	sdelay $0x1  }
0x110: {  	v19 =	vadd.f32 v19, v55;
	_ =	sdelay $0x1  }
0x111: {  	[tilespmem:v17+s25+$0xFFFFFAF0 ss:$0x1] =	vst.idx.msk $0xffff, v19  }
0x112: {  	v19 =	vld.idx.msk [tilespmem:v16+s25+$0x2B0 ss:$0x1], $0xffff  }
0x113: {  	v56 =	vld.idx.msk [tilespmem:v16+s25+$0x2F0 ss:$0x1], $0xffff;
	_ =	sdelay $0x2  }
0x114: {  	v57 =	vld [tilespmem:s26+$0x30];
	_ =	sdelay $0x1  }
0x115: {  	v19 =	vsel vm5, v56, v19  }
0x116: {  	v19 =	vmul.f32 $8.000000000e+00, v19;
	_ =	sdelay $0x1  }
0x117: {  	v19 =	vadd.f32 v19, v57;
	_ =	sdelay $0x1  }
0x118: {  	s26 =	sadd.s32 $0x1, s28;
	[tilespmem:v17+s25+$0xFFFFFB00 ss:$0x1] =	vst.idx.msk $0xffff, v19  }
0x119: {  	s28 =	sadd.s32 $0xFFFFFF39, s28;
	p1 =	sgt.s32 s26, $0xC7;
	v19 =	vld.idx.msk [tilespmem:v16+s25+$0x300 ss:$0x1], $0xffff  }
0x11a: {  	s26 =	smov.u32 @p1 s28;
	v58 =	vld.idx.msk [tilespmem:v16+s25+$0x340 ss:$0x1], $0xffff  }
0x11b: {  	s28 =	sshll.u32 s26, $0x8  }
0x11c: {  	v59 =	vperm.xlane v18, v6;
	s28 =	sshra.s32 s28, $0x2  }
0x11d: {  	v60 =	vld [tilespmem:s28+$0x0]  }
0x11e: {  	vm6 =	veq.s32 v59, $0x1  }
0x11f: {  	v19 =	vsel vm6, v58, v19  }
0x120: {  	v19 =	vmul.f32 $8.000000000e+00, v19;
	_ =	sdelay $0x1  }
0x121: {  	v19 =	vadd.f32 v19, v60;
	_ =	sdelay $0x1  }
0x122: {  	[tilespmem:v17+s25+$0xFFFFFB50 ss:$0x1] =	vst.idx.msk $0xffff, v19  }
0x123: {  	v19 =	vld.idx.msk [tilespmem:v16+s25+$0x310 ss:$0x1], $0xffff  }
0x124: {  	v61 =	vld.idx.msk [tilespmem:v16+s25+$0x350 ss:$0x1], $0xffff;
	_ =	sdelay $0x2  }
0x125: {  	v62 =	vld [tilespmem:s28+$0x10];
	_ =	sdelay $0x1  }
0x126: {  	v19 =	vsel vm6, v61, v19  }
0x127: {  	v19 =	vmul.f32 $8.000000000e+00, v19;
	_ =	sdelay $0x1  }
0x128: {  	v19 =	vadd.f32 v19, v62;
	_ =	sdelay $0x1  }
0x129: {  	[tilespmem:v17+s25+$0xFFFFFB60 ss:$0x1] =	vst.idx.msk $0xffff, v19  }
0x12a: {  	v19 =	vld.idx.msk [tilespmem:v16+s25+$0x320 ss:$0x1], $0xffff  }
0x12b: {  	v63 =	vld.idx.msk [tilespmem:v16+s25+$0x360 ss:$0x1], $0xffff;
	_ =	sdelay $0x2  }
0x12c: {  	v24 =	vld [tilespmem:s28+$0x20];
	_ =	sdelay $0x1  }
0x12d: {  	v19 =	vsel vm6, v63, v19  }
0x12e: {  	v19 =	vmul.f32 $8.000000000e+00, v19;
	_ =	sdelay $0x1  }
0x12f: {  	v19 =	vadd.f32 v19, v24;
	_ =	sdelay $0x1  }
0x130: {  	[tilespmem:v17+s25+$0xFFFFFB70 ss:$0x1] =	vst.idx.msk $0xffff, v19  }
0x131: {  	v19 =	vld.idx.msk [tilespmem:v16+s25+$0x330 ss:$0x1], $0xffff  }
0x132: {  	v25 =	vld.idx.msk [tilespmem:v16+s25+$0x370 ss:$0x1], $0xffff;
	_ =	sdelay $0x2  }
0x133: {  	v26 =	vld [tilespmem:s28+$0x30];
	_ =	sdelay $0x1  }
0x134: {  	v19 =	vsel vm6, v25, v19  }
0x135: {  	v19 =	vmul.f32 $8.000000000e+00, v19;
	_ =	sdelay $0x1  }
0x136: {  	v19 =	vadd.f32 v19, v26;
	_ =	sdelay $0x1  }
0x137: {  	s28 =	sadd.s32 $0x1, s26;
	[tilespmem:v17+s25+$0xFFFFFB80 ss:$0x1] =	vst.idx.msk $0xffff, v19  }
0x138: {  	s26 =	sadd.s32 $0xFFFFFF39, s26;
	p1 =	sgt.s32 s28, $0xC7;
	v19 =	vld.idx.msk [tilespmem:v16+s25+$0x380 ss:$0x1], $0xffff  }
0x139: {  	s28 =	smov.u32 @p1 s26;
	v27 =	vld.idx.msk [tilespmem:v16+s25+$0x3C0 ss:$0x1], $0xffff  }
0x13a: {  	s26 =	sshll.u32 s28, $0x8  }
0x13b: {  	v28 =	vperm.xlane v18, v7;
	s26 =	sshra.s32 s26, $0x2  }
0x13c: {  	v29 =	vld [tilespmem:s26+$0x0]  }
0x13d: {  	vm7 =	veq.s32 v28, $0x1  }
0x13e: {  	v19 =	vsel vm7, v27, v19  }
0x13f: {  	v19 =	vmul.f32 $8.000000000e+00, v19;
	_ =	sdelay $0x1  }
0x140: {  	v19 =	vadd.f32 v19, v29;
	_ =	sdelay $0x1  }
0x141: {  	[tilespmem:v17+s25+$0xFFFFFBD0 ss:$0x1] =	vst.idx.msk $0xffff, v19  }
0x142: {  	v19 =	vld.idx.msk [tilespmem:v16+s25+$0x390 ss:$0x1], $0xffff  }
0x143: {  	v30 =	vld.idx.msk [tilespmem:v16+s25+$0x3D0 ss:$0x1], $0xffff;
	_ =	sdelay $0x2  }
0x144: {  	v31 =	vld [tilespmem:s26+$0x10];
	_ =	sdelay $0x1  }
0x145: {  	v19 =	vsel vm7, v30, v19  }
0x146: {  	v19 =	vmul.f32 $8.000000000e+00, v19;
	_ =	sdelay $0x1  }
0x147: {  	v19 =	vadd.f32 v19, v31;
	_ =	sdelay $0x1  }
0x148: {  	[tilespmem:v17+s25+$0xFFFFFBE0 ss:$0x1] =	vst.idx.msk $0xffff, v19  }
0x149: {  	v19 =	vld.idx.msk [tilespmem:v16+s25+$0x3A0 ss:$0x1], $0xffff  }
0x14a: {  	v32 =	vld.idx.msk [tilespmem:v16+s25+$0x3E0 ss:$0x1], $0xffff;
	_ =	sdelay $0x2  }
0x14b: {  	v33 =	vld [tilespmem:s26+$0x20];
	_ =	sdelay $0x1  }
0x14c: {  	v19 =	vsel vm7, v32, v19  }
0x14d: {  	v19 =	vmul.f32 $8.000000000e+00, v19;
	_ =	sdelay $0x1  }
0x14e: {  	v19 =	vadd.f32 v19, v33;
	_ =	sdelay $0x1  }
0x14f: {  	[tilespmem:v17+s25+$0xFFFFFBF0 ss:$0x1] =	vst.idx.msk $0xffff, v19  }
0x150: {  	v19 =	vld.idx.msk [tilespmem:v16+s25+$0x3B0 ss:$0x1], $0xffff  }
0x151: {  	v34 =	vld.idx.msk [tilespmem:v16+s25+$0x3F0 ss:$0x1], $0xffff;
	_ =	sdelay $0x2  }
0x152: {  	v35 =	vld [tilespmem:s26+$0x30];
	_ =	sdelay $0x1  }
0x153: {  	v19 =	vsel vm7, v34, v19  }
0x154: {  	v19 =	vmul.f32 $8.000000000e+00, v19;
	_ =	sdelay $0x1  }
0x155: {  	v19 =	vadd.f32 v19, v35;
	_ =	sdelay $0x1  }
0x156: {  	s26 =	sadd.s32 $0x1, s28;
	[tilespmem:v17+s25+$0xFFFFFC00 ss:$0x1] =	vst.idx.msk $0xffff, v19  }
0x157: {  	s28 =	sadd.s32 $0xFFFFFF39, s28;
	p1 =	sgt.s32 s26, $0xC7;
	v19 =	vld.idx.msk [tilespmem:v16+s25+$0x400 ss:$0x1], $0xffff  }
0x158: {  	s26 =	smov.u32 @p1 s28;
	v36 =	vld.idx.msk [tilespmem:v16+s25+$0x440 ss:$0x1], $0xffff  }
0x159: {  	s28 =	sshll.u32 s26, $0x8  }
0x15a: {  	v37 =	vperm.xlane v18, v8;
	s28 =	sshra.s32 s28, $0x2  }
0x15b: {  	v38 =	vld [tilespmem:s28+$0x0]  }
0x15c: {  	vm8 =	veq.s32 v37, $0x1  }
0x15d: {  	v19 =	vsel vm8, v36, v19  }
0x15e: {  	v19 =	vmul.f32 $8.000000000e+00, v19;
	_ =	sdelay $0x1  }
0x15f: {  	v19 =	vadd.f32 v19, v38;
	_ =	sdelay $0x1  }
0x160: {  	[tilespmem:v17+s25+$0xFFFFFC50 ss:$0x1] =	vst.idx.msk $0xffff, v19  }
0x161: {  	v19 =	vld.idx.msk [tilespmem:v16+s25+$0x410 ss:$0x1], $0xffff  }
0x162: {  	v39 =	vld.idx.msk [tilespmem:v16+s25+$0x450 ss:$0x1], $0xffff;
	_ =	sdelay $0x2  }
0x163: {  	v40 =	vld [tilespmem:s28+$0x10];
	_ =	sdelay $0x1  }
0x164: {  	v19 =	vsel vm8, v39, v19  }
0x165: {  	v19 =	vmul.f32 $8.000000000e+00, v19;
	_ =	sdelay $0x1  }
0x166: {  	v19 =	vadd.f32 v19, v40;
	_ =	sdelay $0x1  }
0x167: {  	[tilespmem:v17+s25+$0xFFFFFC60 ss:$0x1] =	vst.idx.msk $0xffff, v19  }
0x168: {  	v19 =	vld.idx.msk [tilespmem:v16+s25+$0x420 ss:$0x1], $0xffff  }
0x169: {  	v41 =	vld.idx.msk [tilespmem:v16+s25+$0x460 ss:$0x1], $0xffff;
	_ =	sdelay $0x2  }
0x16a: {  	v42 =	vld [tilespmem:s28+$0x20];
	_ =	sdelay $0x1  }
0x16b: {  	v19 =	vsel vm8, v41, v19  }
0x16c: {  	v19 =	vmul.f32 $8.000000000e+00, v19;
	_ =	sdelay $0x1  }
0x16d: {  	v19 =	vadd.f32 v19, v42;
	_ =	sdelay $0x1  }
0x16e: {  	[tilespmem:v17+s25+$0xFFFFFC70 ss:$0x1] =	vst.idx.msk $0xffff, v19  }
0x16f: {  	v19 =	vld.idx.msk [tilespmem:v16+s25+$0x430 ss:$0x1], $0xffff  }
0x170: {  	v43 =	vld.idx.msk [tilespmem:v16+s25+$0x470 ss:$0x1], $0xffff;
	_ =	sdelay $0x2  }
0x171: {  	v44 =	vld [tilespmem:s28+$0x30];
	_ =	sdelay $0x1  }
0x172: {  	v19 =	vsel vm8, v43, v19  }
0x173: {  	v19 =	vmul.f32 $8.000000000e+00, v19;
	_ =	sdelay $0x1  }
0x174: {  	v19 =	vadd.f32 v19, v44;
	_ =	sdelay $0x1  }
0x175: {  	s28 =	sadd.s32 $0x1, s26;
	[tilespmem:v17+s25+$0xFFFFFC80 ss:$0x1] =	vst.idx.msk $0xffff, v19  }
0x176: {  	s26 =	sadd.s32 $0xFFFFFF39, s26;
	p1 =	sgt.s32 s28, $0xC7;
	v19 =	vld.idx.msk [tilespmem:v16+s25+$0x480 ss:$0x1], $0xffff  }
0x177: {  	s28 =	smov.u32 @p1 s26;
	v45 =	vld.idx.msk [tilespmem:v16+s25+$0x4C0 ss:$0x1], $0xffff  }
0x178: {  	s26 =	sshll.u32 s28, $0x8  }
0x179: {  	v46 =	vperm.xlane v18, v9;
	s26 =	sshra.s32 s26, $0x2  }
0x17a: {  	v47 =	vld [tilespmem:s26+$0x0]  }
0x17b: {  	vm9 =	veq.s32 v46, $0x1  }
0x17c: {  	v19 =	vsel vm9, v45, v19  }
0x17d: {  	v19 =	vmul.f32 $8.000000000e+00, v19;
	_ =	sdelay $0x1  }
0x17e: {  	v19 =	vadd.f32 v19, v47;
	_ =	sdelay $0x1  }
0x17f: {  	[tilespmem:v17+s25+$0xFFFFFCD0 ss:$0x1] =	vst.idx.msk $0xffff, v19  }
0x180: {  	v19 =	vld.idx.msk [tilespmem:v16+s25+$0x490 ss:$0x1], $0xffff  }
0x181: {  	v48 =	vld.idx.msk [tilespmem:v16+s25+$0x4D0 ss:$0x1], $0xffff;
	_ =	sdelay $0x2  }
0x182: {  	v49 =	vld [tilespmem:s26+$0x10];
	_ =	sdelay $0x1  }
0x183: {  	v19 =	vsel vm9, v48, v19  }
0x184: {  	v19 =	vmul.f32 $8.000000000e+00, v19;
	_ =	sdelay $0x1  }
0x185: {  	v19 =	vadd.f32 v19, v49;
	_ =	sdelay $0x1  }
0x186: {  	[tilespmem:v17+s25+$0xFFFFFCE0 ss:$0x1] =	vst.idx.msk $0xffff, v19  }
0x187: {  	v19 =	vld.idx.msk [tilespmem:v16+s25+$0x4A0 ss:$0x1], $0xffff  }
0x188: {  	v50 =	vld.idx.msk [tilespmem:v16+s25+$0x4E0 ss:$0x1], $0xffff;
	_ =	sdelay $0x2  }
0x189: {  	v51 =	vld [tilespmem:s26+$0x20];
	_ =	sdelay $0x1  }
0x18a: {  	v19 =	vsel vm9, v50, v19  }
0x18b: {  	v19 =	vmul.f32 $8.000000000e+00, v19;
	_ =	sdelay $0x1  }
0x18c: {  	v19 =	vadd.f32 v19, v51;
	_ =	sdelay $0x1  }
0x18d: {  	[tilespmem:v17+s25+$0xFFFFFCF0 ss:$0x1] =	vst.idx.msk $0xffff, v19  }
0x18e: {  	v19 =	vld.idx.msk [tilespmem:v16+s25+$0x4B0 ss:$0x1], $0xffff  }
0x18f: {  	v52 =	vld.idx.msk [tilespmem:v16+s25+$0x4F0 ss:$0x1], $0xffff;
	_ =	sdelay $0x2  }
0x190: {  	v53 =	vld [tilespmem:s26+$0x30];
	_ =	sdelay $0x1  }
0x191: {  	v19 =	vsel vm9, v52, v19  }
0x192: {  	v19 =	vmul.f32 $8.000000000e+00, v19;
	_ =	sdelay $0x1  }
0x193: {  	v19 =	vadd.f32 v19, v53;
	_ =	sdelay $0x1  }
0x194: {  	s26 =	sadd.s32 $0x1, s28;
	[tilespmem:v17+s25+$0xFFFFFD00 ss:$0x1] =	vst.idx.msk $0xffff, v19  }
0x195: {  	s28 =	sadd.s32 $0xFFFFFF39, s28;
	p1 =	sgt.s32 s26, $0xC7;
	v19 =	vld.idx.msk [tilespmem:v16+s25+$0x500 ss:$0x1], $0xffff  }
0x196: {  	s26 =	smov.u32 @p1 s28;
	v54 =	vld.idx.msk [tilespmem:v16+s25+$0x540 ss:$0x1], $0xffff  }
0x197: {  	s28 =	sshll.u32 s26, $0x8  }
0x198: {  	v55 =	vperm.xlane v18, v10;
	s28 =	sshra.s32 s28, $0x2  }
0x199: {  	v56 =	vld [tilespmem:s28+$0x0]  }
0x19a: {  	vm10 =	veq.s32 v55, $0x1  }
0x19b: {  	v19 =	vsel vm10, v54, v19  }
0x19c: {  	v19 =	vmul.f32 $8.000000000e+00, v19;
	_ =	sdelay $0x1  }
0x19d: {  	v19 =	vadd.f32 v19, v56;
	_ =	sdelay $0x1  }
0x19e: {  	[tilespmem:v17+s25+$0xFFFFFD50 ss:$0x1] =	vst.idx.msk $0xffff, v19  }
0x19f: {  	v19 =	vld.idx.msk [tilespmem:v16+s25+$0x510 ss:$0x1], $0xffff  }
0x1a0: {  	v57 =	vld.idx.msk [tilespmem:v16+s25+$0x550 ss:$0x1], $0xffff;
	_ =	sdelay $0x2  }
0x1a1: {  	v58 =	vld [tilespmem:s28+$0x10];
	_ =	sdelay $0x1  }
0x1a2: {  	v19 =	vsel vm10, v57, v19  }
0x1a3: {  	v19 =	vmul.f32 $8.000000000e+00, v19;
	_ =	sdelay $0x1  }
0x1a4: {  	v19 =	vadd.f32 v19, v58;
	_ =	sdelay $0x1  }
0x1a5: {  	[tilespmem:v17+s25+$0xFFFFFD60 ss:$0x1] =	vst.idx.msk $0xffff, v19  }
0x1a6: {  	v19 =	vld.idx.msk [tilespmem:v16+s25+$0x520 ss:$0x1], $0xffff  }
0x1a7: {  	v59 =	vld.idx.msk [tilespmem:v16+s25+$0x560 ss:$0x1], $0xffff;
	_ =	sdelay $0x2  }
0x1a8: {  	v60 =	vld [tilespmem:s28+$0x20];
	_ =	sdelay $0x1  }
0x1a9: {  	v19 =	vsel vm10, v59, v19  }
0x1aa: {  	v19 =	vmul.f32 $8.000000000e+00, v19;
	_ =	sdelay $0x1  }
0x1ab: {  	v19 =	vadd.f32 v19, v60;
	_ =	sdelay $0x1  }
0x1ac: {  	[tilespmem:v17+s25+$0xFFFFFD70 ss:$0x1] =	vst.idx.msk $0xffff, v19  }
0x1ad: {  	v19 =	vld.idx.msk [tilespmem:v16+s25+$0x530 ss:$0x1], $0xffff  }
0x1ae: {  	v61 =	vld.idx.msk [tilespmem:v16+s25+$0x570 ss:$0x1], $0xffff;
	_ =	sdelay $0x2  }
0x1af: {  	v62 =	vld [tilespmem:s28+$0x30];
	_ =	sdelay $0x1  }
0x1b0: {  	v19 =	vsel vm10, v61, v19  }
0x1b1: {  	v19 =	vmul.f32 $8.000000000e+00, v19;
	_ =	sdelay $0x1  }
0x1b2: {  	v19 =	vadd.f32 v19, v62;
	_ =	sdelay $0x1  }
0x1b3: {  	s28 =	sadd.s32 $0x1, s26;
	[tilespmem:v17+s25+$0xFFFFFD80 ss:$0x1] =	vst.idx.msk $0xffff, v19  }
0x1b4: {  	s26 =	sadd.s32 $0xFFFFFF39, s26;
	p1 =	sgt.s32 s28, $0xC7;
	v19 =	vld.idx.msk [tilespmem:v16+s25+$0x580 ss:$0x1], $0xffff  }
0x1b5: {  	s28 =	smov.u32 @p1 s26;
	v63 =	vld.idx.msk [tilespmem:v16+s25+$0x5C0 ss:$0x1], $0xffff  }
0x1b6: {  	s26 =	sshll.u32 s28, $0x8  }
0x1b7: {  	v24 =	vperm.xlane v18, v11;
	s26 =	sshra.s32 s26, $0x2  }
0x1b8: {  	v25 =	vld [tilespmem:s26+$0x0]  }
0x1b9: {  	vm11 =	veq.s32 v24, $0x1  }
0x1ba: {  	v19 =	vsel vm11, v63, v19  }
0x1bb: {  	v19 =	vmul.f32 $8.000000000e+00, v19;
	_ =	sdelay $0x1  }
0x1bc: {  	v19 =	vadd.f32 v19, v25;
	_ =	sdelay $0x1  }
0x1bd: {  	[tilespmem:v17+s25+$0xFFFFFDD0 ss:$0x1] =	vst.idx.msk $0xffff, v19  }
0x1be: {  	v19 =	vld.idx.msk [tilespmem:v16+s25+$0x590 ss:$0x1], $0xffff  }
0x1bf: {  	v26 =	vld.idx.msk [tilespmem:v16+s25+$0x5D0 ss:$0x1], $0xffff;
	_ =	sdelay $0x2  }
0x1c0: {  	v27 =	vld [tilespmem:s26+$0x10];
	_ =	sdelay $0x1  }
0x1c1: {  	v19 =	vsel vm11, v26, v19  }
0x1c2: {  	v19 =	vmul.f32 $8.000000000e+00, v19;
	_ =	sdelay $0x1  }
0x1c3: {  	v19 =	vadd.f32 v19, v27;
	_ =	sdelay $0x1  }
0x1c4: {  	[tilespmem:v17+s25+$0xFFFFFDE0 ss:$0x1] =	vst.idx.msk $0xffff, v19  }
0x1c5: {  	v19 =	vld.idx.msk [tilespmem:v16+s25+$0x5A0 ss:$0x1], $0xffff  }
0x1c6: {  	v28 =	vld.idx.msk [tilespmem:v16+s25+$0x5E0 ss:$0x1], $0xffff;
	_ =	sdelay $0x2  }
0x1c7: {  	v29 =	vld [tilespmem:s26+$0x20];
	_ =	sdelay $0x1  }
0x1c8: {  	v19 =	vsel vm11, v28, v19  }
0x1c9: {  	v19 =	vmul.f32 $8.000000000e+00, v19;
	_ =	sdelay $0x1  }
0x1ca: {  	v19 =	vadd.f32 v19, v29;
	_ =	sdelay $0x1  }
0x1cb: {  	[tilespmem:v17+s25+$0xFFFFFDF0 ss:$0x1] =	vst.idx.msk $0xffff, v19  }
0x1cc: {  	v19 =	vld.idx.msk [tilespmem:v16+s25+$0x5B0 ss:$0x1], $0xffff  }
0x1cd: {  	v30 =	vld.idx.msk [tilespmem:v16+s25+$0x5F0 ss:$0x1], $0xffff;
	_ =	sdelay $0x2  }
0x1ce: {  	v31 =	vld [tilespmem:s26+$0x30];
	_ =	sdelay $0x1  }
0x1cf: {  	v19 =	vsel vm11, v30, v19  }
0x1d0: {  	v19 =	vmul.f32 $8.000000000e+00, v19;
	_ =	sdelay $0x1  }
0x1d1: {  	v19 =	vadd.f32 v19, v31;
	_ =	sdelay $0x1  }
0x1d2: {  	s26 =	sadd.s32 $0x1, s28;
	[tilespmem:v17+s25+$0xFFFFFE00 ss:$0x1] =	vst.idx.msk $0xffff, v19  }
0x1d3: {  	s28 =	sadd.s32 $0xFFFFFF39, s28;
	p1 =	sgt.s32 s26, $0xC7;
	v19 =	vld.idx.msk [tilespmem:v16+s25+$0x600 ss:$0x1], $0xffff  }
0x1d4: {  	s26 =	smov.u32 @p1 s28;
	v32 =	vld.idx.msk [tilespmem:v16+s25+$0x640 ss:$0x1], $0xffff  }
0x1d5: {  	s28 =	sshll.u32 s26, $0x8  }
0x1d6: {  	v33 =	vperm.xlane v18, v12;
	s28 =	sshra.s32 s28, $0x2  }
0x1d7: {  	v34 =	vld [tilespmem:s28+$0x0]  }
0x1d8: {  	vm12 =	veq.s32 v33, $0x1  }
0x1d9: {  	v19 =	vsel vm12, v32, v19  }
0x1da: {  	v19 =	vmul.f32 $8.000000000e+00, v19;
	_ =	sdelay $0x1  }
0x1db: {  	v19 =	vadd.f32 v19, v34;
	_ =	sdelay $0x1  }
0x1dc: {  	[tilespmem:v17+s25+$0xFFFFFE50 ss:$0x1] =	vst.idx.msk $0xffff, v19  }
0x1dd: {  	v19 =	vld.idx.msk [tilespmem:v16+s25+$0x610 ss:$0x1], $0xffff  }
0x1de: {  	v35 =	vld.idx.msk [tilespmem:v16+s25+$0x650 ss:$0x1], $0xffff;
	_ =	sdelay $0x2  }
0x1df: {  	v36 =	vld [tilespmem:s28+$0x10];
	_ =	sdelay $0x1  }
0x1e0: {  	v19 =	vsel vm12, v35, v19  }
0x1e1: {  	v19 =	vmul.f32 $8.000000000e+00, v19;
	_ =	sdelay $0x1  }
0x1e2: {  	v19 =	vadd.f32 v19, v36;
	_ =	sdelay $0x1  }
0x1e3: {  	[tilespmem:v17+s25+$0xFFFFFE60 ss:$0x1] =	vst.idx.msk $0xffff, v19  }
0x1e4: {  	v19 =	vld.idx.msk [tilespmem:v16+s25+$0x620 ss:$0x1], $0xffff  }
0x1e5: {  	v37 =	vld.idx.msk [tilespmem:v16+s25+$0x660 ss:$0x1], $0xffff;
	_ =	sdelay $0x2  }
0x1e6: {  	v38 =	vld [tilespmem:s28+$0x20];
	_ =	sdelay $0x1  }
0x1e7: {  	v19 =	vsel vm12, v37, v19  }
0x1e8: {  	v19 =	vmul.f32 $8.000000000e+00, v19;
	_ =	sdelay $0x1  }
0x1e9: {  	v19 =	vadd.f32 v19, v38;
	_ =	sdelay $0x1  }
0x1ea: {  	[tilespmem:v17+s25+$0xFFFFFE70 ss:$0x1] =	vst.idx.msk $0xffff, v19  }
0x1eb: {  	v19 =	vld.idx.msk [tilespmem:v16+s25+$0x630 ss:$0x1], $0xffff  }
0x1ec: {  	v39 =	vld.idx.msk [tilespmem:v16+s25+$0x670 ss:$0x1], $0xffff;
	_ =	sdelay $0x2  }
0x1ed: {  	v40 =	vld [tilespmem:s28+$0x30];
	_ =	sdelay $0x1  }
0x1ee: {  	v19 =	vsel vm12, v39, v19  }
0x1ef: {  	v19 =	vmul.f32 $8.000000000e+00, v19;
	_ =	sdelay $0x1  }
0x1f0: {  	v19 =	vadd.f32 v19, v40;
	_ =	sdelay $0x1  }
0x1f1: {  	s28 =	sadd.s32 $0x1, s26;
	[tilespmem:v17+s25+$0xFFFFFE80 ss:$0x1] =	vst.idx.msk $0xffff, v19  }
0x1f2: {  	s26 =	sadd.s32 $0xFFFFFF39, s26;
	p1 =	sgt.s32 s28, $0xC7;
	v19 =	vld.idx.msk [tilespmem:v16+s25+$0x680 ss:$0x1], $0xffff  }
0x1f3: {  	s28 =	smov.u32 @p1 s26;
	v41 =	vld.idx.msk [tilespmem:v16+s25+$0x6C0 ss:$0x1], $0xffff  }
0x1f4: {  	s26 =	sshll.u32 s28, $0x8  }
0x1f5: {  	v42 =	vperm.xlane v18, v13;
	s26 =	sshra.s32 s26, $0x2  }
0x1f6: {  	v43 =	vld [tilespmem:s26+$0x0]  }
0x1f7: {  	vm13 =	veq.s32 v42, $0x1  }
0x1f8: {  	v19 =	vsel vm13, v41, v19  }
0x1f9: {  	v19 =	vmul.f32 $8.000000000e+00, v19;
	_ =	sdelay $0x1  }
0x1fa: {  	v19 =	vadd.f32 v19, v43;
	_ =	sdelay $0x1  }
0x1fb: {  	[tilespmem:v17+s25+$0xFFFFFED0 ss:$0x1] =	vst.idx.msk $0xffff, v19  }
0x1fc: {  	v19 =	vld.idx.msk [tilespmem:v16+s25+$0x690 ss:$0x1], $0xffff  }
0x1fd: {  	v44 =	vld.idx.msk [tilespmem:v16+s25+$0x6D0 ss:$0x1], $0xffff;
	_ =	sdelay $0x2  }
0x1fe: {  	v45 =	vld [tilespmem:s26+$0x10];
	_ =	sdelay $0x1  }
0x1ff: {  	v19 =	vsel vm13, v44, v19  }
0x200: {  	v19 =	vmul.f32 $8.000000000e+00, v19;
	_ =	sdelay $0x1  }
0x201: {  	v19 =	vadd.f32 v19, v45;
	_ =	sdelay $0x1  }
0x202: {  	[tilespmem:v17+s25+$0xFFFFFEE0 ss:$0x1] =	vst.idx.msk $0xffff, v19  }
0x203: {  	v19 =	vld.idx.msk [tilespmem:v16+s25+$0x6A0 ss:$0x1], $0xffff  }
0x204: {  	v46 =	vld.idx.msk [tilespmem:v16+s25+$0x6E0 ss:$0x1], $0xffff;
	_ =	sdelay $0x2  }
0x205: {  	v47 =	vld [tilespmem:s26+$0x20];
	_ =	sdelay $0x1  }
0x206: {  	v19 =	vsel vm13, v46, v19  }
0x207: {  	v19 =	vmul.f32 $8.000000000e+00, v19;
	_ =	sdelay $0x1  }
0x208: {  	v19 =	vadd.f32 v19, v47;
	_ =	sdelay $0x1  }
0x209: {  	[tilespmem:v17+s25+$0xFFFFFEF0 ss:$0x1] =	vst.idx.msk $0xffff, v19  }
0x20a: {  	v19 =	vld.idx.msk [tilespmem:v16+s25+$0x6B0 ss:$0x1], $0xffff  }
0x20b: {  	v48 =	vld.idx.msk [tilespmem:v16+s25+$0x6F0 ss:$0x1], $0xffff;
	_ =	sdelay $0x2  }
0x20c: {  	v49 =	vld [tilespmem:s26+$0x30];
	_ =	sdelay $0x1  }
0x20d: {  	v19 =	vsel vm13, v48, v19  }
0x20e: {  	v19 =	vmul.f32 $8.000000000e+00, v19;
	_ =	sdelay $0x1  }
0x20f: {  	v19 =	vadd.f32 v19, v49;
	_ =	sdelay $0x1  }
0x210: {  	s26 =	sadd.s32 $0x1, s28;
	[tilespmem:v17+s25+$0xFFFFFF00 ss:$0x1] =	vst.idx.msk $0xffff, v19  }
0x211: {  	s28 =	sadd.s32 $0xFFFFFF39, s28;
	p1 =	sgt.s32 s26, $0xC7;
	v19 =	vld.idx.msk [tilespmem:v16+s25+$0x700 ss:$0x1], $0xffff  }
0x212: {  	s26 =	smov.u32 @p1 s28;
	v50 =	vld.idx.msk [tilespmem:v16+s25+$0x740 ss:$0x1], $0xffff  }
0x213: {  	s28 =	sshll.u32 s26, $0x8  }
0x214: {  	v51 =	vperm.xlane v18, v14;
	s28 =	sshra.s32 s28, $0x2  }
0x215: {  	v52 =	vld [tilespmem:s28+$0x0]  }
0x216: {  	vm14 =	veq.s32 v51, $0x1  }
0x217: {  	v19 =	vsel vm14, v50, v19  }
0x218: {  	v19 =	vmul.f32 $8.000000000e+00, v19;
	_ =	sdelay $0x1  }
0x219: {  	v19 =	vadd.f32 v19, v52;
	_ =	sdelay $0x1  }
0x21a: {  	[tilespmem:v17+s25+$0xFFFFFF50 ss:$0x1] =	vst.idx.msk $0xffff, v19  }
0x21b: {  	v19 =	vld.idx.msk [tilespmem:v16+s25+$0x710 ss:$0x1], $0xffff  }
0x21c: {  	v53 =	vld.idx.msk [tilespmem:v16+s25+$0x750 ss:$0x1], $0xffff;
	_ =	sdelay $0x2  }
0x21d: {  	v54 =	vld [tilespmem:s28+$0x10];
	_ =	sdelay $0x1  }
0x21e: {  	v19 =	vsel vm14, v53, v19  }
0x21f: {  	v19 =	vmul.f32 $8.000000000e+00, v19;
	_ =	sdelay $0x1  }
0x220: {  	v19 =	vadd.f32 v19, v54;
	_ =	sdelay $0x1  }
0x221: {  	[tilespmem:v17+s25+$0xFFFFFF60 ss:$0x1] =	vst.idx.msk $0xffff, v19  }
0x222: {  	v19 =	vld.idx.msk [tilespmem:v16+s25+$0x720 ss:$0x1], $0xffff  }
0x223: {  	v55 =	vld.idx.msk [tilespmem:v16+s25+$0x760 ss:$0x1], $0xffff;
	_ =	sdelay $0x2  }
0x224: {  	v56 =	vld [tilespmem:s28+$0x20];
	_ =	sdelay $0x1  }
0x225: {  	v19 =	vsel vm14, v55, v19  }
0x226: {  	v19 =	vmul.f32 $8.000000000e+00, v19;
	_ =	sdelay $0x1  }
0x227: {  	v19 =	vadd.f32 v19, v56;
	_ =	sdelay $0x1  }
0x228: {  	[tilespmem:v17+s25+$0xFFFFFF70 ss:$0x1] =	vst.idx.msk $0xffff, v19  }
0x229: {  	v19 =	vld.idx.msk [tilespmem:v16+s25+$0x730 ss:$0x1], $0xffff  }
0x22a: {  	v57 =	vld.idx.msk [tilespmem:v16+s25+$0x770 ss:$0x1], $0xffff;
	_ =	sdelay $0x2  }
0x22b: {  	v58 =	vld [tilespmem:s28+$0x30];
	_ =	sdelay $0x1  }
0x22c: {  	v19 =	vsel vm14, v57, v19  }
0x22d: {  	v19 =	vmul.f32 $8.000000000e+00, v19;
	_ =	sdelay $0x1  }
0x22e: {  	v19 =	vadd.f32 v19, v58;
	_ =	sdelay $0x1  }
0x22f: {  	s28 =	sadd.s32 $0x1, s26;
	[tilespmem:v17+s25+$0xFFFFFF80 ss:$0x1] =	vst.idx.msk $0xffff, v19  }
0x230: {  	s26 =	sadd.s32 $0xFFFFFF39, s26;
	p1 =	sgt.s32 s28, $0xC7;
	v19 =	vld.idx.msk [tilespmem:v16+s25+$0x780 ss:$0x1], $0xffff  }
0x231: {  	s28 =	smov.u32 @p1 s26;
	v59 =	vld.idx.msk [tilespmem:v16+s25+$0x7C0 ss:$0x1], $0xffff  }
0x232: {  	s26 =	sshll.u32 s28, $0x8  }
0x233: {  	v18 =	vperm.xlane v18, v15;
	s26 =	sshra.s32 s26, $0x2  }
0x234: {  	v60 =	vld [tilespmem:s26+$0x0]  }
0x235: {  	vm15 =	veq.s32 v18, $0x1  }
0x236: {  	v18 =	vsel vm15, v59, v19  }
0x237: {  	v18 =	vmul.f32 $8.000000000e+00, v18;
	_ =	sdelay $0x1  }
0x238: {  	v18 =	vadd.f32 v18, v60;
	_ =	sdelay $0x1  }
0x239: {  	[tilespmem:v17+s25+$0xFFFFFFD0 ss:$0x1] =	vst.idx.msk $0xffff, v18  }
0x23a: {  	v18 =	vld.idx.msk [tilespmem:v16+s25+$0x790 ss:$0x1], $0xffff  }
0x23b: {  	v19 =	vld.idx.msk [tilespmem:v16+s25+$0x7D0 ss:$0x1], $0xffff;
	_ =	sdelay $0x2  }
0x23c: {  	v61 =	vld [tilespmem:s26+$0x10];
	_ =	sdelay $0x1  }
0x23d: {  	v18 =	vsel vm15, v19, v18  }
0x23e: {  	v18 =	vmul.f32 $8.000000000e+00, v18;
	_ =	sdelay $0x1  }
0x23f: {  	v18 =	vadd.f32 v18, v61;
	_ =	sdelay $0x1  }
0x240: {  	[tilespmem:v17+s25+$0xFFFFFFE0 ss:$0x1] =	vst.idx.msk $0xffff, v18  }
0x241: {  	v18 =	vld.idx.msk [tilespmem:v16+s25+$0x7A0 ss:$0x1], $0xffff  }
0x242: {  	v19 =	vld.idx.msk [tilespmem:v16+s25+$0x7E0 ss:$0x1], $0xffff;
	_ =	sdelay $0x2  }
0x243: {  	v62 =	vld [tilespmem:s26+$0x20];
	_ =	sdelay $0x1  }
0x244: {  	v18 =	vsel vm15, v19, v18  }
0x245: {  	v18 =	vmul.f32 $8.000000000e+00, v18;
	_ =	sdelay $0x1  }
0x246: {  	v18 =	vadd.f32 v18, v62;
	_ =	sdelay $0x1  }
0x247: {  	[tilespmem:v17+s25+$0xFFFFFFF0 ss:$0x1] =	vst.idx.msk $0xffff, v18  }
0x248: {  	v18 =	vld.idx.msk [tilespmem:v16+s25+$0x7B0 ss:$0x1], $0xffff  }
0x249: {  	v19 =	vld.idx.msk [tilespmem:v16+s25+$0x7F0 ss:$0x1], $0xffff;
	_ =	sdelay $0x2  }
0x24a: {  	v63 =	vld [tilespmem:s26+$0x30];
	_ =	sdelay $0x1  }
0x24b: {  	p2 =	sne.s32 s23, $0xE000;
	v18 =	vsel vm15, v19, v18  }
.Ltmp0:
0x24c: {  	v18 =	vmul.f32 $8.000000000e+00, v18;
	(pc) =	sbr.rel @p2 .LBB2_3-.Ltmp0, $4  }
0x24d: {  	_ = 	snop  }
0x24e: {  	s26 =	sadd.s32 $0x1, s28;
	v18 =	vadd.f32 v18, v63  }
0x24f: {  	s28 =	sadd.s32 $0xFFFFFF39, s28;
	p1 =	sgt.s32 s26, $0xC7  }
0x250: {  	s24 =	sadd.s32 $0x10, s24;
	s23 =	sadd.s32 $0x2000, s23;
	s26 =	smov.u32 @p1 s28;
	[tilespmem:v17+s25+$0x0 ss:$0x1] =	vst.idx.msk $0xffff, v18  }
0x251: {  	s19 =	sadd.s32 $0x1, s19  }
0x252: {  	p1 =	sne.s32 s19, $0xC8  }
.Ltmp1:
0x253: {  	_ = 	snop;
	(pc) =	sbr.rel @p1 .LBB2_2-.Ltmp1, $4  }
0x254: {  	_ = 	snop  }
0x255: {  	s21 =	sshll.u32 s21, $0x4;
	s20 =	sor.u32 $0x4, s20;
	s17 =	sadd.s32 $0x80, s17  }
0x256: {  	p0 =	por !p0, !p0;
	s18 =	sadd.s32 $0x4000, s18;
	s21 =	sadd.s32 s6, s21  }
0x257: {  	[hbm4b:s21+s2] =	stream.linear.scatter [tilespmem:s22], [sflag:s20], $0x4000, $0x38;
	[tilespmem:$0x1D800] =	vst v63  }
0x258: {  	s16 =	sadd.s32 $0x1, s16  }
0x259: {  	_ =	swait.ge [sflag:s14], $0x4000;
	p0 =	sne.s32 s16, s8  }
.Ltmp2:
0x25a: {  	[sflag:s14] =	ssyncset.done $0x0;
	(pc) =	sbr.rel @p0 .LBB2_1-.Ltmp2, $4  }
0x25b: {  	[sflag:s14] =	ssyncadd.s32 $0xFFFFC000  }
0x25c: {  	_ =	swait.ge [sflag:s15], $0x4000  }
0x25d: {  	[sflag:s15] =	ssyncset.done $0x0  }
0x25e: {  	[sflag:s15] =	ssyncadd.s32 $0xFFFFC000  }
0x25f: {  	_ =	sfence.sel $0x180000  }
0x260: {  	[bflag:$0x0] =	sbarrier.arrive $0xFFFF  }
0x261: {  	p0 =	sne.s32 s0, $0x0;
	_ =	strace $0x90000047  }
0x262: {  	s0 =	sadd.s32 @!p0 $0x100000, s1;
	[bflag:$0x2] =	sbarrier.arrive $0xFFFF  }
0x263: {  	[sflag:s0] =	ssyncadd.tile.s32 @!p0 $0x1;
	_ =	shalt  }
.Lfunc_end2:
_tile_overlayer_lowered:
.L_overlay_start_2:
0x264: {  	(tag) =	ssettag $0x2  }
0x265: {  	s0 =	rddreg [dreg:$0x0];
	s2 =	stileid.u32  }
0x266: {  	s1 =	rddreg [dreg:$0x1];
	p0 =	sne.s32 s2, $0x0  }
0x267: {  	s3 =	rddreg [dreg:$0x2];
	[bflag:$0x3] =	sbarrier.arrive $0xFFFF;
	s2 =	simm.s32 @!p0 $0x1C06  }
0x268: {  	[timem:s3], [sflag:s2] =	dma.local @!p0 [hbm:s0], s1  }
0x269: {  	s0 =	simm.s32 @!p0 $0x6  }
0x26a: {  	_ =	swait.ge @!p0 [sflag:s0], s1  }
0x26b: {  	s1 =	ssub.s32 @!p0 $0x0, s1;
	[sflag:s0] =	ssyncset.done @!p0 $0x0  }
0x26c: {  	[sflag:s0] =	ssyncadd.s32 @!p0 s1  }
0x26d: {  	[bflag:$0x3] =	sbarrier.arrive $0xFFFF  }
0x26e: {  	_ =	shalt  }

// kernel: sparse-core-data-format-call.cloned.1.call-start
scs
called_computation_lowered:
.L_overlay_start_0:
0x0: {  	s2 =	sld [smem:$0x3FD9]  }
0x1: {  	s3 =	sld [smem:$0x3FFE];
	_ =	sdelay $0x1  }
0x2: {  	s1 =	srdreg.scid  }
0x3: {  	s0 =	sand.u32 $0x1, s1  }
0x4: {  	s18 =	sshll.u32 s0, $0xA;
	s2 =	sadd.s32 s3, s2  }
0x5: {  	s2 =	sadd.s32 s2, s18  }
0x6: {  	[smem:$0x3FC6] =	sst s2  }
0x7: {  	_ = 	snop  }
0x8: {  	s2 =	sld [smem:$0x3FD0];
	(tm) =	ssettm $0x1  }
0x9: {  	s19 =	sld [smem:$0x3FFB];
	_ =	sdelay $0x3  }
0xa: {  	_ =	strace s19  }
0xb: {  	s3 =	sld [smem:$0x3FFC];
	_ =	sdelay $0x3  }
0xc: {  	_ =	strace s3  }
0xd: {  	s3 =	sld [smem:$0x3FFD];
	_ =	sdelay $0x3  }
0xe: {  	_ =	strace s3  }
0xf: {  	_ =	strace $0x8FFFFFFF  }
0x10: {  	s20 =	sld [smem:$0x3FDB];
	_ =	sdelay $0x1  }
0x11: {  	s4 =	simm.s32 $_scs_section_size  }
0x12: {  	s5 =	simm.s32 $_size__tile_overlayer_lowered;
	s6 =	simm.s32 $_tile_overlayer_lowered  }
0x13: {  	s23 =	simm.s32 $0x1BFF;
	s22 =	sshll.u32 s6, $0x1;
	s3 =	sadd.s32 s4, s20  }
0x14: {  	s7 =	simm.s32 $0x0;
	s21 =	sshll.u32 s5, $0x1;
	s5 =	sadd.s32 s22, s3  }
0x15: {  	[timem:s7], [sflag:s23] =	dma.local [hbm:s5], s21  }
0x16: {  	_ =	swait.ge [sflag:s23], s21  }
0x17: {  	s4 =	ssub.s32 $0x0, s21;
	[sflag:s23] =	ssyncset.done $0x0  }
0x18: {  	[sflag:s23] =	ssyncadd.s32 s4;
	_ =	sdelay $0x1  }
0x19: {  	s24 =	simm.s32 $0x1B8B  }
0x1a: {  	_ =	swait.ge [sflag:s24], $0x1  }
0x1b: {  	[sflag:s24] =	ssyncset.done $0x0  }
0x1c: {  	s26 =	simm.s32 $0x1B8E;
	s25 =	sld [smem:$0x3FFE];
	[sflag:s24] =	ssyncadd.s32 $0xFFFFFFFF  }
0x1d: {  	s27 =	simm.s32 $execute0_lowered;
	[smem:$0x3FD2] =	sst s26  }
0x1e: {  	s5 =	sshll.u32 s27, $0x1;
	_ =	strace $0x80000049;
	[dreg:$0x1] =	wrdreg $0xFFFFFFFF  }
0x1f: {  	s28 =	simm.s32 $_size_execute0_lowered;
	s3 =	sadd.s32 s3, s5;
	[dreg:$0x0] =	wrdreg $0x0  }
0x20: {  	s5 =	sshll.u32 s28, $0x1;
	[dreg:$0x2] =	wrdreg s3  }
0x21: {  	[dreg:$0x3] =	wrdreg s5  }
0x22: {  	[dreg:$0x4] =	wrdreg $0xC0  }
0x23: {  	_ =	task [dreg:s7], $0x5FFFF  }
0x24: {  	[dreg:$0x1] =	wrdreg $0xFFFFFFFF  }
0x25: {  	[dreg:$0x0] =	wrdreg $0x60  }
0x26: {  	[dreg:$0x2] =	wrdreg s25  }
0x27: {  	[dreg:$0x3] =	wrdreg s2  }
0x28: {  	[dreg:$0x4] =	wrdreg $0x9  }
0x29: {  	_ =	task.clear_ibuf [dreg:s7], $0x5FFFF;
	_ =	strace $0x90000049  }
0x2a: {  	s29 =	simm.s32 $0x9;
	_ =	strace $0x8000004B  }
0x2b: {  	_ =	swait.ge [sflag:s29], $0x1  }
0x2c: {  	[sflag:s29] =	ssyncadd.s32 $0xFFFFFFFF  }
0x2d: {  	_ =	strace $0x9000004B  }
0x2e: {  	_ =	sfence  }
0x2f: {  	s30 =	sld [smem:$0x0];
	_ =	sdelay $0x2  }
0x30: {  	s31 =	sshll.u32 s1, $0xD;
	s1 =	sshrl.u32 s1, $0x2  }
0x31: {  	s3 =	sand.u32 $0x4000, s31;
	s1 =	sadd.s32 s1, s30  }
0x32: {  	s0 =	sor.u32 s3, s0;
	s1 =	sshll.u32 s1, $0x11  }
0x33: {  	s0 =	sor.u32 s1, s0  }
0x34: {  	s0 =	sadd.s32 $0x8F2B, s0  }
0x35: {  	[sflag:s0] =	ssyncadd.remote.s32 $0x1  }
0x36: {  	_ =	sfence.sel $0xFFFF  }
0x37: {  	[dreg:$0x0] =	wrdreg $0xFFFFFFFF;
	(pc) =	sbr.abs _section_cstart, $3  }
0x38: {  	[dreg:$0x1] =	wrdreg $0xFFFFFFFF  }
0x39: {  	_ =	task.clear_ibuf [dreg:s7], $0x2FFFF;
	_ =	strace $0x9FFFFFFF  }
0x3a: {  	(tm) =	ssettm $0x7FFFFFFF  }
0x3b: {  	_ =	shalt  }
tec
execute0_lowered:
.L_overlay_start_1:
0x0: {  	(tag) =	ssettag $0x1  }
0x1: {  	s0 =	srdreg.scid  }
0x2: {  	s1 =	sshll.u32 s0, $0x4  }
0x3: {  	s0 =	stileid.u32;
	s1 =	sand.u32 $0x10, s1  }
0x4: {  	s1 =	sor.u32 s0, s1  }
0x5: {  	s6 =	rddreg [dreg:$0x0];
	s4 =	simm.s32 $0x1;
	s2 =	sshll.u32 s1, $0x7  }
0x6: {  	s7 =	simm.s32 $0x2;
	s12 =	simm.s32 $0x0;
	s1 =	ssub.s32 $0x1000, s2  }
0x7: {  	s8 =	simm.s32 $0x8000;
	s13 =	simm.s32 $0x0;
	s3 =	sand.u32 $0xF80, s1  }
0x8: {  	s9 =	simm.s32 $0x0;
	s5 =	sshrl.u32 s1, $0xC;
	p0 =	sne.s32 s3, $0x0  }
.Ltmp0:
0x9: {  	s1 =	rddreg [dreg:$0x2];
	s4 =	simm.s32 @!p0 $0x0;
	(pc) =	sbr.rel .LBB1_1-.Ltmp0, $4  }
0xa: {  	s11 =	simm.s32 $0x0;
	s3 =	rddreg [dreg:$0x1];
	s5 =	sadd.s32 s4, s5  }
0xb: {  	_ =	strace $0x8000004A;
	s4 =	simm.s32 $0x1;
	s5 =	smul.u32 $0xC8, s5  }
0xc: {  	s6 =	sadd.s32 $0x1400, s6;
	s10 =	smov.u32 s2;
	[sflag:s4] =	ssyncpa.u1 $0x0  }
0xd: {  	p0 =	por $0x0, $0x0;
	[sflag:s7] =	ssyncpa.u1 $0x0;
	s7 =	sor.u32 $0x1, s5  }
.LBB1_4:
0xe: {  	s16 =	sshll.u32 s13, $0x3;
	s17 =	sand.u32 $0x78, s13  }
0xf: {  	s30 =	sand.u32 $0x7E00, s13;
	s12 =	sshll.u32 s12, $0xF;
	s16 =	sand.u32 $0xC00, s16  }
0x10: {  	[tilespmem:s15+$0x810 ss:$0x81] =	vst.msk $0xffff, v2;
	s31 =	sand.u32 $0x7, s13;
	s16 =	sor.u32 s17, s16;
	s17 =	sadd.s32 s3, s30  }
0x11: {  	[tilespmem:s15+$0x1020 ss:$0x81] =	vst.msk $0xffff, v0;
	s13 =	sshll.u32 s31, $0x12;
	s12 =	sadd.s32 s12, s17;
	s16 =	sshrl.u32 s16, $0x3  }
0x12: {  	[tilespmem:s15+$0x0 ss:$0x81] =	vst.msk $0xffff, v1;
	s13 =	sor.u32 $0x400, s13;
	s12 =	sadd.s32 s16, s12  }
0x13: {  	[hbm4b:s12+s13] =	stream.strided.scatter [tilespmem:s14], [sflag:$0x2], $0x2000, s8, s13, $0x20;
	[tilespmem:$0x8080] =	vst v63  }
.LBB1_5:
0x14: {  	s14 =	sadd.s32 $0x1, s9  }
0x15: {  	s12 =	sadd.s32 $0x1000, s10;
	s16 =	smov.u32 s10;
	p2 =	sgt.s32 s14, $0xC7  }
0x16: {  	s16 =	smov.u32 @p2 s12  }
0x17: {  	s14 =	simm.s32 @p2 $0x0;
	p2 =	sgt.s32 s16, $0xFFF  }
0x18: {  	s16 =	smov.u32 @p2 s2;
	p2 =	sne.s32 s11, s7  }
.Ltmp1:
0x19: {  	p1 =	slt.u32 s11, $0x2;
	(pc) =	sbr.rel @!p2 .LBB1_6-.Ltmp1, $4  }
0x1a: {  	s15 =	simm.s32 @!p1 $0x2  }
0x1b: {  	s13 =	smov.u32 s10;
	p0 =	por !p0, !p0;
	_ =	swait.ge @!p1 [sflag:s15], $0x2000  }
0x1c: {  	s12 =	smov.u32 s9;
	[sflag:s15] =	ssyncset.done @!p1 $0x0;
	s9 =	smov.u32 s14  }
0x1d: {  	s11 =	sadd.s32 $0x1, s11;
	[sflag:s15] =	ssyncadd.s32 @!p1 $0xFFFFE000;
	s10 =	smov.u32 s16  }
.LBB1_1:
0x1e: {  	p1 =	sge.u32 s11, s5  }
0x1f: {  	s14 =	sand.u32 @!p1 $0x1FFFFFF, s9  }
0x20: {  	s15 =	smulhi.u32 @!p1 $0x147AE15, s14;
	_ =	sdelay $0x1  }
0x21: {  	s15 =	smul.u32 @!p1 $0xC8, s15  }
0x22: {  	s16 =	sxor.u32 @!p1 $0xFFFFFFFF, s11;
	s17 =	smul.u32 @!p1 $0xC80, s10  }
0x23: {  	s31 =	sadd.s32 $0xFFFFFFFF, s11;
	s16 =	sshll.u32 @!p1 s16, $0xD;
	s14 =	ssub.s32 @!p1 s14, s15  }
0x24: {  	s15 =	sand.u32 @!p1 $0x2000, s16;
	s16 =	sadd.s32 @!p1 s6, s17;
	s14 =	sshll.u32 @!p1 s14, $0x4  }
0x25: {  	s17 =	simm.s32 @!p1 $0x6400;
	s14 =	sadd.s32 @!p1 s14, s16;
	s16 =	simm.s32 @!p1 $0x40  }
0x26: {  	[tilespmem:s15], [sflag:$0x1] =	stream.strided.gather @!p1 [hbm4b:s14+s16], $0x2000, s17, s16, $0x38;
	[tilespmem:$0x8080] =	vst v63  }
0x27: {  	p1 =	sge.u32 s31, s5  }
.Ltmp2:
0x28: {  	_ = 	snop;
	(pc) =	sbr.rel @p1 .LBB1_5-.Ltmp2, $1  }
0x29: {  	_ =	sdelay $0x3  }
0x2a: {  	s14 =	simm.s32 $0x1  }
0x2b: {  	_ =	swait.ge [sflag:s4], $0x2000;
	s14 =	simm.s32 @!p0 $0x0  }
0x2c: {  	[sflag:s4] =	ssyncset.done $0x0;
	s15 =	sshll.u32 s14, $0xD  }
0x2d: {  	[sflag:s4] =	ssyncadd.s32 $0xFFFFE000;
	s18 =	sor.u32 $0x20, s15  }
0x2e: {  	s14 =	smul.u32 $0x8100, s14;
	v3 =	vld [tilespmem:s18+$0x10]  }
0x2f: {  	s30 =	sand.u32 $0x1, s11;
	v2 =	vld [tilespmem:s18+$0xFFFFFFF0]  }
0x30: {  	s15 =	smul.u32 $0x8100, s30;
	s14 =	sshrl.u32 s14, $0x2;
	v0 =	vld [tilespmem:s18+$0x0]  }
0x31: {  	v1 =	vld [tilespmem:s18+$0xFFFFFFE0];
	s16 =	sor.u32 $0x4000, s14  }
0x32: {  	s31 =	sshrl.u32 s15, $0x2;
	s15 =	sadd.s32 $0x0, s16  }
0x33: {  	s17 =	simm.s32 $0x4;
	s18 =	sadd.s32 $0x40, s18;
	s14 =	sor.u32 $0x4000, s31;
	[tilespmem:s15+$0x1830 ss:$0x81] =	vst.msk $0xffff, v3  }
.LBB1_3:
0x34: {  	v3 =	vld [tilespmem:s18+$0x10];
	p1 =	sne.s32 s17, $0x1FC;
	[tilespmem:s15+$0x810 ss:$0x81] =	vst.msk $0xffff, v2;
	s19 =	smov.u32 s17;
	s17 =	sadd.s32 $0x4, s17  }
.Ltmp3:
0x35: {  	v2 =	vld [tilespmem:s18+$0xFFFFFFF0];
	[tilespmem:s15+$0x1020 ss:$0x81] =	vst.msk $0xffff, v0;
	(pc) =	sbr.rel @p1 .LBB1_3-.Ltmp3, $4  }
0x36: {  	v0 =	vld [tilespmem:s18+$0x0];
	[tilespmem:s15+$0x0 ss:$0x81] =	vst.msk $0xffff, v1  }
0x37: {  	s15 =	sshra.s32 s19, $0x2;
	v1 =	vld [tilespmem:s18+$0xFFFFFFE0]  }
0x38: {  	s15 =	sadd.s32 s15, s16  }
0x39: {  	s18 =	sadd.s32 $0x40, s18;
	[tilespmem:s15+$0x1830 ss:$0x81] =	vst.msk $0xffff, v3  }
.Ltmp4:
0x3a: {  	_ = 	snop;
	(pc) =	sbr.rel .LBB1_4-.Ltmp4, $1  }
0x3b: {  	_ =	sdelay $0x3  }
.LBB1_6:
0x3c: {  	_ =	sfence.sel $0x180000  }
0x3d: {  	s2 =	simm.s32 $0x1;
	[bflag:$0x0] =	sbarrier.arrive $0xFFFF  }
0x3e: {  	s31 =	simm.s32 $0x2;
	[sflag:s2] =	ssyncpa.u1 $0x1  }
0x3f: {  	[sflag:s31] =	ssyncpa.u1 $0x1  }
0x40: {  	p0 =	sne.s32 s0, $0x0;
	_ =	strace $0x9000004A  }
0x41: {  	s0 =	sadd.s32 @!p0 $0x100000, s1;
	[bflag:$0x2] =	sbarrier.arrive $0xFFFF  }
0x42: {  	[sflag:s0] =	ssyncadd.tile.s32 @!p0 $0x1;
	_ =	shalt  }
.Lfunc_end1:
_tile_overlayer_lowered:
.L_overlay_start_2:
0x43: {  	(tag) =	ssettag $0x2  }
0x44: {  	s0 =	rddreg [dreg:$0x0];
	s2 =	stileid.u32  }
0x45: {  	s1 =	rddreg [dreg:$0x1];
	p0 =	sne.s32 s2, $0x0  }
0x46: {  	s3 =	rddreg [dreg:$0x2];
	[bflag:$0x3] =	sbarrier.arrive $0xFFFF;
	s2 =	simm.s32 @!p0 $0x1C01  }
0x47: {  	[timem:s3], [sflag:s2] =	dma.local @!p0 [hbm:s0], s1  }
0x48: {  	s0 =	simm.s32 @!p0 $0x1  }
0x49: {  	_ =	swait.ge @!p0 [sflag:s0], s1  }
0x4a: {  	s1 =	ssub.s32 @!p0 $0x0, s1;
	[sflag:s0] =	ssyncset.done @!p0 $0x0  }
0x4b: {  	[sflag:s0] =	ssyncadd.s32 @!p0 s1  }
0x4c: {  	[bflag:$0x3] =	sbarrier.arrive $0xFFFF  }
0x4d: {  	_ =	shalt  }

</sc_bundles>
